<compile_context>
chip_gen: v7x
topology: tpu7x:2x2x1
jax: 0.10.2.dev20260603
libtpu: 0.0.44.dev20260713+nightly
codegen_flags: <defaults>
</compile_context>

<pallas_src>
import functools

import jax
import jax.numpy as jnp
from jax import lax
from jax.experimental import pallas as pl
from jax.experimental.pallas import tpu as pltpu
from jax.experimental.pallas import tpu_sc as plsc

LANES = 16
CHUNK = 128
NBUF = 3


def _make_sc_lookup(vocab, d, n_rows):
  info = plsc.get_sparse_core_info()
  nw = info.num_cores * info.num_subcores
  assert n_rows % (nw * CHUNK) == 0
  per_w = n_rows // nw
  ncs = per_w // CHUNK
  assert ncs >= 5
  n_main = (ncs - 2 - NBUF) // NBUF * NBUF
  tail_lo = 2 + n_main

  mesh = plsc.VectorSubcoreMesh(core_axis_name="c", subcore_axis_name="s")
  out_sd = jax.ShapeDtypeStruct((n_rows, d), jnp.float32)

  @functools.partial(
      pl.kernel,
      out_type=(out_sd, out_sd),
      mesh=mesh,
      scratch_types=[
          pltpu.VMEM((per_w,), jnp.int32),
          pltpu.VMEM((per_w,), jnp.int32),
          pltpu.VMEM((2, LANES), jnp.float32),
          pltpu.VMEM((CHUNK, d), jnp.float32),
          pltpu.VMEM((CHUNK, d), jnp.float32),
          pltpu.VMEM((CHUNK, d), jnp.float32),
          pltpu.SemaphoreType.DMA,
          pltpu.SemaphoreType.DMA,
          pltpu.SemaphoreType.DMA,
          pltpu.SemaphoreType.DMA,
          pltpu.SemaphoreType.DMA,
          pltpu.SemaphoreType.DMA,
          pltpu.SemaphoreType.DMA,
      ],
  )
  def sc_lookup(enc_idx, dec_idx, scales, table,
                enc_out, dec_out,
                enc_idx_v, dec_idx_v, sc_v, buf0, buf1, buf2,
                g0, g1, g2, o0, o1, o2, dsem):
    bufs = (buf0, buf1, buf2)
    gsems = (g0, g1, g2)
    osems = (o0, o1, o2)

    wid = lax.axis_index("s") * info.num_cores + lax.axis_index("c")
    base = wid * per_w

    pltpu.sync_copy(enc_idx.at[pl.ds(wid * per_w, per_w)], enc_idx_v)
    dec_stage = pltpu.async_copy(dec_idx.at[pl.ds(wid * per_w, per_w)],
                                 dec_idx_v, dsem)
    pltpu.sync_copy(scales, sc_v)

    def run_stream(idx_v, sc, out):

      def start_gather(c, b):
        pltpu.async_copy(table.at[idx_v.at[pl.ds(c * CHUNK, CHUNK)]],
                         bufs[b], gsems[b])

      def wait_gather(c, b):
        pltpu.make_async_copy(table.at[idx_v.at[pl.ds(c * CHUNK, CHUNK)]],
                              bufs[b], gsems[b]).wait()

      def start_scatter(c, b):
        pltpu.async_copy(bufs[b], out.at[pl.ds(base + c * CHUNK, CHUNK)],
                         osems[b])

      def wait_scatter(c, b):
        pltpu.make_async_copy(bufs[b], out.at[pl.ds(base + c * CHUNK, CHUNK)],
                              osems[b]).wait()

      def scale(b):
        buf = bufs[b]

        @pl.loop(0, CHUNK)
        def _row(i):
          for k in range(d // LANES):
            buf[i, pl.ds(k * LANES, LANES)] = (
                buf[i, pl.ds(k * LANES, LANES)] * sc)

      start_gather(0, 0)
      start_gather(1, 1)
      wait_gather(0, 0)
      scale(0)
      start_scatter(0, 0)
      start_gather(2, 2)
      wait_gather(1, 1)
      scale(1)
      start_scatter(1, 1)
      wait_scatter(0, 0)
      start_gather(3, 0)

      @pl.loop(2, tail_lo, step=NBUF)
      def _main(j):
        for t in range(NBUF):
          c = j + t
          b = (2 + t) % NBUF
          wait_gather(c, b)
          scale(b)
          start_scatter(c, b)
          wait_scatter(c - 1, (b + 2) % NBUF)
          start_gather(c + 2, (b + 2) % NBUF)

      for c in range(tail_lo, ncs):
        b = c % NBUF
        wait_gather(c, b)
        scale(b)
        start_scatter(c, b)
        wait_scatter(c - 1, (c - 1) % NBUF)
        if c + 2 < ncs:
          start_gather(c + 2, (c + 2) % NBUF)
      wait_scatter(ncs - 1, (ncs - 1) % NBUF)

    run_stream(enc_idx_v, sc_v[0], enc_out)
    dec_stage.wait()
    run_stream(dec_idx_v, sc_v[1], dec_out)

  return sc_lookup, nw, ncs


def kernel(input_ids, encoder_embed_scale, decoder_input_ids,
           decoder_embed_scale, shared_weight):
  b, l = input_ids.shape
  vocab, d = shared_weight.shape
  n_rows = b * l

  sc_lookup, nw, ncs = _make_sc_lookup(vocab, d, n_rows)

  enc_idx = input_ids.astype(jnp.int32).reshape(-1)
  dec_idx = decoder_input_ids.astype(jnp.int32).reshape(-1)
  scales = jnp.broadcast_to(
      jnp.stack([encoder_embed_scale, decoder_embed_scale]).astype(
          jnp.float32)[:, None], (2, LANES))

  enc_out, dec_out = sc_lookup(enc_idx, dec_idx, scales, shared_weight)
  return (enc_out.reshape(b, l, d), dec_out.reshape(b, l, d))

# --- scband reference (transcript-rebuilt; emitter-appended) ---
"""Pipeline reference for scband-shared-embedding-69922067579218 (READ-ONLY COPY).

The authoritative reference and input builder live on the scoring server;
editing this copy changes nothing except your own understanding.
"""

import jax, jax.numpy as jnp
import numpy as np

VOCAB = 100000
EMBED_DIM = 128
B = 1024
L = 200


def setup_inputs(seed: int = 0) -> dict:
    key = jax.random.key(seed)
    k1, k2, k3 = jax.random.split(key, 3)
    input_ids = jax.random.randint(k1, (B, L), 0, VOCAB)
    decoder_input_ids = jax.random.randint(k2, (B, L), 0, VOCAB)
    # shared embedding table (learned parameter, sized per init_kwargs)
    shared_weight = jax.random.normal(k3, (VOCAB, EMBED_DIM), dtype=jnp.float32) * 0.02
    # typical transformer embed scale = sqrt(d_model); fill=ones scaled to scalar constant
    encoder_embed_scale = jnp.ones((), dtype=jnp.float32) * jnp.sqrt(jnp.float32(EMBED_DIM))
    decoder_embed_scale = jnp.ones((), dtype=jnp.float32) * jnp.sqrt(jnp.float32(EMBED_DIM))
    return {
        "input_ids": input_ids,
        "encoder_embed_scale": encoder_embed_scale,
        "decoder_input_ids": decoder_input_ids,
        "decoder_embed_scale": decoder_embed_scale,
        "shared_weight": shared_weight,
    }


def reference(input_ids, encoder_embed_scale, decoder_input_ids, decoder_embed_scale, shared_weight):
    # SharedEmbedding.forward: both branches active since ids and scales are provided
    encoder_inputs_embeds = jnp.take(shared_weight, input_ids, axis=0) * encoder_embed_scale
    decoder_inputs_embeds = jnp.take(shared_weight, decoder_input_ids, axis=0) * decoder_embed_scale
    return (encoder_inputs_embeds, decoder_inputs_embeds)

if __name__ == "__main__":
    import jax
    _d = setup_inputs()
    print(jax.jit(kernel)(*tuple(_d.values())))

</pallas_src>

<mosaic_0001>
#map = affine_map<(d0, d1) -> (0)>
#map1 = affine_map<(d0, d1) -> (0, 0)>
module attributes {stable_mosaic.version = 14 : i64} {
  func.func @sc_lookup(%arg0: i32, %arg1: i32, %arg2: memref<204800xi32, #tpu.memory_space<hbm>>, %arg3: memref<204800xi32, #tpu.memory_space<hbm>>, %arg4: memref<2x16xf32, #tpu.memory_space<hbm>>, %arg5: memref<100000x128xf32, #tpu.memory_space<hbm>>, %arg6: memref<204800x128xf32, #tpu.memory_space<hbm>>, %arg7: memref<204800x128xf32, #tpu.memory_space<hbm>>, %arg8: memref<6400xi32, #tpu.memory_space<vmem>>, %arg9: memref<6400xi32, #tpu.memory_space<vmem>>, %arg10: memref<2x16xf32, #tpu.memory_space<vmem>>, %arg11: memref<128x128xf32, #tpu.memory_space<vmem>>, %arg12: memref<128x128xf32, #tpu.memory_space<vmem>>, %arg13: memref<128x128xf32, #tpu.memory_space<vmem>>, %arg14: memref<!tpu.dma_semaphore, #tpu.memory_space<semaphore_mem>>, %arg15: memref<!tpu.dma_semaphore, #tpu.memory_space<semaphore_mem>>, %arg16: memref<!tpu.dma_semaphore, #tpu.memory_space<semaphore_mem>>, %arg17: memref<!tpu.dma_semaphore, #tpu.memory_space<semaphore_mem>>, %arg18: memref<!tpu.dma_semaphore, #tpu.memory_space<semaphore_mem>>, %arg19: memref<!tpu.dma_semaphore, #tpu.memory_space<semaphore_mem>>, %arg20: memref<!tpu.dma_semaphore, #tpu.memory_space<semaphore_mem>>) attributes {dimension_semantics = [#tpu.dimension_semantics<core_parallel>, #tpu.dimension_semantics<subcore_parallel>], iteration_bounds = array<i64: 2, 16>, scalar_prefetch = 0 : i64, scratch_operands = 13 : i64, tpu.core_type = #tpu.core_type<sc_vector_subcore>, window_params = [{transform_indices = #map}, {transform_indices = #map}, {transform_indices = #map1}, {transform_indices = #map1}, {transform_indices = #map1}, {transform_indices = #map1}]} {
    %mul3A = arith.constant 2 : i32
    %mul3A_0 = arith.muli %arg1, %mul3A : i32
    %add3A = arith.addi %mul3A_0, %arg0 : i32
    %mul3A_1 = arith.constant 6400 : i32
    %mul3A_2 = arith.muli %add3A, %mul3A_1 : i32
    %mul3A_3 = arith.constant 6400 : i32
    %mul3A_4 = arith.muli %add3A, %mul3A_3 : i32
    "tpu.region"() ({
      %run_scoped3A = tpu.sem_alloc : memref<!tpu.dma_semaphore, #tpu.memory_space<semaphore_mem>>
      %dma_start3A_297 = tpu.memref_slice %arg2[%mul3A_4] : memref<204800xi32, #tpu.memory_space<hbm>> -> memref<6400xi32, #tpu.memory_space<hbm>>
      %dma_start3A_298 = tpu.memref_slice %arg2[%mul3A_4] : memref<204800xi32, #tpu.memory_space<hbm>> -> memref<6400xi32, #tpu.memory_space<hbm>>
      tpu.enqueue_dma source(%dma_start3A_298 : memref<6400xi32, #tpu.memory_space<hbm>>) target(%arg8 : memref<6400xi32, #tpu.memory_space<vmem>>) target_semaphore(%run_scoped3A : memref<!tpu.dma_semaphore, #tpu.memory_space<semaphore_mem>>)
      %dma_wait3A_299 = tpu.memref_slice %arg2[%mul3A_4] : memref<204800xi32, #tpu.memory_space<hbm>> -> memref<6400xi32, #tpu.memory_space<hbm>>
      %dma_wait3A_300 = tpu.memref_slice %arg2[%mul3A_4] : memref<204800xi32, #tpu.memory_space<hbm>> -> memref<6400xi32, #tpu.memory_space<hbm>>
      tpu.wait_dma2 semaphore(%run_scoped3A : memref<!tpu.dma_semaphore, #tpu.memory_space<semaphore_mem>>) src(%dma_wait3A_300 : memref<6400xi32, #tpu.memory_space<hbm>>) dst(%arg8 : memref<6400xi32, #tpu.memory_space<vmem>>)
      tpu.yield
    }) : () -> ()
    %mul3A_5 = arith.constant 6400 : i32
    %mul3A_6 = arith.muli %add3A, %mul3A_5 : i32
    %dma_start3A = tpu.memref_slice %arg3[%mul3A_6] : memref<204800xi32, #tpu.memory_space<hbm>> -> memref<6400xi32, #tpu.memory_space<hbm>>
    %dma_start3A_7 = tpu.memref_slice %arg3[%mul3A_6] : memref<204800xi32, #tpu.memory_space<hbm>> -> memref<6400xi32, #tpu.memory_space<hbm>>
    tpu.enqueue_dma source(%dma_start3A_7 : memref<6400xi32, #tpu.memory_space<hbm>>) target(%arg9 : memref<6400xi32, #tpu.memory_space<vmem>>) target_semaphore(%arg20 : memref<!tpu.dma_semaphore, #tpu.memory_space<semaphore_mem>>)
    "tpu.region"() ({
      %run_scoped3A = tpu.sem_alloc : memref<!tpu.dma_semaphore, #tpu.memory_space<semaphore_mem>>
      tpu.enqueue_dma source(%arg4 : memref<2x16xf32, #tpu.memory_space<hbm>>) target(%arg10 : memref<2x16xf32, #tpu.memory_space<vmem>>) target_semaphore(%run_scoped3A : memref<!tpu.dma_semaphore, #tpu.memory_space<semaphore_mem>>)
      tpu.wait_dma2 semaphore(%run_scoped3A : memref<!tpu.dma_semaphore, #tpu.memory_space<semaphore_mem>>) src(%arg4 : memref<2x16xf32, #tpu.memory_space<hbm>>) dst(%arg10 : memref<2x16xf32, #tpu.memory_space<vmem>>)
      tpu.yield
    }) : () -> ()
    %get3A = arith.constant 0 : i32
    %get3A_8 = arith.index_cast %get3A : i32 to index
    %get3A_9 = arith.constant 0 : index
    %get3A_10 = tpu.vector_load %arg10[%get3A_8, %get3A_9] {strides = array<i32>} : memref<2x16xf32, #tpu.memory_space<vmem>>, vector<1x16xf32>,
    %get3A_11 = vector.shape_cast %get3A_10 : vector<1x16xf32> to vector<16xf32>
    %dma_start3A_12 = arith.constant 0 : i32
    %dma_start3A_13 = tpu.memref_slice %arg8[%dma_start3A_12] : memref<6400xi32, #tpu.memory_space<vmem>> -> memref<128xi32, #tpu.memory_space<vmem>>
    %dma_start3A_14 = arith.constant 0 : i32
    %dma_start3A_15 = arith.constant 0 : i32
    %dma_start3A_16 = tpu.memref_slice %arg5[%dma_start3A_14, %dma_start3A_15] : memref<100000x128xf32, #tpu.memory_space<hbm>> -> memref<100000x128xf32, #tpu.memory_space<hbm>>
    tpu.enqueue_indirect_dma source(%dma_start3A_16 : memref<100000x128xf32, #tpu.memory_space<hbm>>) target(%arg11 : memref<128x128xf32, #tpu.memory_space<vmem>>) offsets(%dma_start3A_13 : memref<128xi32, #tpu.memory_space<vmem>>) semaphore(%arg14 : memref<!tpu.dma_semaphore, #tpu.memory_space<semaphore_mem>>)
    %dma_start3A_17 = arith.constant 128 : i32
    %dma_start3A_18 = tpu.memref_slice %arg8[%dma_start3A_17] : memref<6400xi32, #tpu.memory_space<vmem>> -> memref<128xi32, #tpu.memory_space<vmem>>
    %dma_start3A_19 = arith.constant 0 : i32
    %dma_start3A_20 = arith.constant 0 : i32
    %dma_start3A_21 = tpu.memref_slice %arg5[%dma_start3A_19, %dma_start3A_20] : memref<100000x128xf32, #tpu.memory_space<hbm>> -> memref<100000x128xf32, #tpu.memory_space<hbm>>
    tpu.enqueue_indirect_dma source(%dma_start3A_21 : memref<100000x128xf32, #tpu.memory_space<hbm>>) target(%arg12 : memref<128x128xf32, #tpu.memory_space<vmem>>) offsets(%dma_start3A_18 : memref<128xi32, #tpu.memory_space<vmem>>) semaphore(%arg15 : memref<!tpu.dma_semaphore, #tpu.memory_space<semaphore_mem>>)
    %dma_wait3A = arith.constant 0 : i32
    %dma_wait3A_22 = tpu.memref_slice %arg8[%dma_wait3A] : memref<6400xi32, #tpu.memory_space<vmem>> -> memref<128xi32, #tpu.memory_space<vmem>>
    %dma_wait3A_23 = arith.constant 0 : i32
    %dma_wait3A_24 = arith.constant 0 : i32
    %dma_wait3A_25 = tpu.memref_slice %arg5[%dma_wait3A_23, %dma_wait3A_24] : memref<100000x128xf32, #tpu.memory_space<hbm>> -> memref<100000x128xf32, #tpu.memory_space<hbm>>
    tpu.wait_indirect_dma semaphore(%arg14 : memref<!tpu.dma_semaphore, #tpu.memory_space<semaphore_mem>>) src(%dma_wait3A_25 : memref<100000x128xf32, #tpu.memory_space<hbm>>) dst(%arg11 : memref<128x128xf32, #tpu.memory_space<vmem>>)
    %scan3A = arith.constant 0 : i32
    %scan3A_26 = arith.constant 128 : i32
    %scan3A_27 = arith.addi %scan3A, %scan3A_26 : i32
    %scan3A_28 = arith.constant 1 : i32
    scf.for %scan3A_297 = %scan3A to %scan3A_27 step %scan3A_28  : i32 {
      %mul3A_298 = arith.constant 1 : i32
      %mul3A_299 = arith.muli %scan3A_297, %mul3A_298 : i32
      %add3A_300 = arith.constant 0 : i32
      %add3A_301 = arith.addi %add3A_300, %mul3A_299 : i32
      %get3A_302 = arith.index_cast %add3A_301 : i32 to index
      %get3A_303 = arith.constant 0 : index
      %get3A_304 = tpu.vector_load %arg11[%get3A_302, %get3A_303] {strides = array<i32>} : memref<128x128xf32, #tpu.memory_space<vmem>>, vector<1x16xf32>,
      %get3A_305 = vector.shape_cast %get3A_304 : vector<1x16xf32> to vector<16xf32>
      %mul3A_306 = arith.mulf %get3A_305, %get3A_11 : vector<16xf32>
      %swap3A = arith.index_cast %add3A_301 : i32 to index
      %swap3A_307 = arith.constant 0 : index
      %swap3A_308 = tpu.vector_load %arg11[%swap3A, %swap3A_307] {strides = array<i32>} : memref<128x128xf32, #tpu.memory_space<vmem>>, vector<1x16xf32>,
      %swap3A_309 = vector.shape_cast %swap3A_308 : vector<1x16xf32> to vector<16xf32>
      %swap3A_310 = vector.shape_cast %mul3A_306 : vector<16xf32> to vector<1x16xf32>
      tpu.vector_store %arg11[%swap3A, %swap3A_307], %swap3A_310 {strides = array<i32>} : memref<128x128xf32, #tpu.memory_space<vmem>>, vector<1x16xf32>,
      %get3A_311 = arith.index_cast %add3A_301 : i32 to index
      %get3A_312 = arith.constant 16 : index
      %get3A_313 = tpu.vector_load %arg11[%get3A_311, %get3A_312] {strides = array<i32>} : memref<128x128xf32, #tpu.memory_space<vmem>>, vector<1x16xf32>,
      %get3A_314 = vector.shape_cast %get3A_313 : vector<1x16xf32> to vector<16xf32>
      %mul3A_315 = arith.mulf %get3A_314, %get3A_11 : vector<16xf32>
      %swap3A_316 = arith.index_cast %add3A_301 : i32 to index
      %swap3A_317 = arith.constant 16 : index
      %swap3A_318 = tpu.vector_load %arg11[%swap3A_316, %swap3A_317] {strides = array<i32>} : memref<128x128xf32, #tpu.memory_space<vmem>>, vector<1x16xf32>,
      %swap3A_319 = vector.shape_cast %swap3A_318 : vector<1x16xf32> to vector<16xf32>
      %swap3A_320 = vector.shape_cast %mul3A_315 : vector<16xf32> to vector<1x16xf32>
      tpu.vector_store %arg11[%swap3A_316, %swap3A_317], %swap3A_320 {strides = array<i32>} : memref<128x128xf32, #tpu.memory_space<vmem>>, vector<1x16xf32>,
      %get3A_321 = arith.index_cast %add3A_301 : i32 to index
      %get3A_322 = arith.constant 32 : index
      %get3A_323 = tpu.vector_load %arg11[%get3A_321, %get3A_322] {strides = array<i32>} : memref<128x128xf32, #tpu.memory_space<vmem>>, vector<1x16xf32>,
      %get3A_324 = vector.shape_cast %get3A_323 : vector<1x16xf32> to vector<16xf32>
      %mul3A_325 = arith.mulf %get3A_324, %get3A_11 : vector<16xf32>
      %swap3A_326 = arith.index_cast %add3A_301 : i32 to index
      %swap3A_327 = arith.constant 32 : index
      %swap3A_328 = tpu.vector_load %arg11[%swap3A_326, %swap3A_327] {strides = array<i32>} : memref<128x128xf32, #tpu.memory_space<vmem>>, vector<1x16xf32>,
      %swap3A_329 = vector.shape_cast %swap3A_328 : vector<1x16xf32> to vector<16xf32>
      %swap3A_330 = vector.shape_cast %mul3A_325 : vector<16xf32> to vector<1x16xf32>
      tpu.vector_store %arg11[%swap3A_326, %swap3A_327], %swap3A_330 {strides = array<i32>} : memref<128x128xf32, #tpu.memory_space<vmem>>, vector<1x16xf32>,
      %get3A_331 = arith.index_cast %add3A_301 : i32 to index
      %get3A_332 = arith.constant 48 : index
      %get3A_333 = tpu.vector_load %arg11[%get3A_331, %get3A_332] {strides = array<i32>} : memref<128x128xf32, #tpu.memory_space<vmem>>, vector<1x16xf32>,
      %get3A_334 = vector.shape_cast %get3A_333 : vector<1x16xf32> to vector<16xf32>
      %mul3A_335 = arith.mulf %get3A_334, %get3A_11 : vector<16xf32>
      %swap3A_336 = arith.index_cast %add3A_301 : i32 to index
      %swap3A_337 = arith.constant 48 : index
      %swap3A_338 = tpu.vector_load %arg11[%swap3A_336, %swap3A_337] {strides = array<i32>} : memref<128x128xf32, #tpu.memory_space<vmem>>, vector<1x16xf32>,
      %swap3A_339 = vector.shape_cast %swap3A_338 : vector<1x16xf32> to vector<16xf32>
      %swap3A_340 = vector.shape_cast %mul3A_335 : vector<16xf32> to vector<1x16xf32>
      tpu.vector_store %arg11[%swap3A_336, %swap3A_337], %swap3A_340 {strides = array<i32>} : memref<128x128xf32, #tpu.memory_space<vmem>>, vector<1x16xf32>,
      %get3A_341 = arith.index_cast %add3A_301 : i32 to index
      %get3A_342 = arith.constant 64 : index
      %get3A_343 = tpu.vector_load %arg11[%get3A_341, %get3A_342] {strides = array<i32>} : memref<128x128xf32, #tpu.memory_space<vmem>>, vector<1x16xf32>,
      %get3A_344 = vector.shape_cast %get3A_343 : vector<1x16xf32> to vector<16xf32>
      %mul3A_345 = arith.mulf %get3A_344, %get3A_11 : vector<16xf32>
      %swap3A_346 = arith.index_cast %add3A_301 : i32 to index
      %swap3A_347 = arith.constant 64 : index
      %swap3A_348 = tpu.vector_load %arg11[%swap3A_346, %swap3A_347] {strides = array<i32>} : memref<128x128xf32, #tpu.memory_space<vmem>>, vector<1x16xf32>,
      %swap3A_349 = vector.shape_cast %swap3A_348 : vector<1x16xf32> to vector<16xf32>
      %swap3A_350 = vector.shape_cast %mul3A_345 : vector<16xf32> to vector<1x16xf32>
      tpu.vector_store %arg11[%swap3A_346, %swap3A_347], %swap3A_350 {strides = array<i32>} : memref<128x128xf32, #tpu.memory_space<vmem>>, vector<1x16xf32>,
      %get3A_351 = arith.index_cast %add3A_301 : i32 to index
      %get3A_352 = arith.constant 80 : index
      %get3A_353 = tpu.vector_load %arg11[%get3A_351, %get3A_352] {strides = array<i32>} : memref<128x128xf32, #tpu.memory_space<vmem>>, vector<1x16xf32>,
      %get3A_354 = vector.shape_cast %get3A_353 : vector<1x16xf32> to vector<16xf32>
      %mul3A_355 = arith.mulf %get3A_354, %get3A_11 : vector<16xf32>
      %swap3A_356 = arith.index_cast %add3A_301 : i32 to index
      %swap3A_357 = arith.constant 80 : index
      %swap3A_358 = tpu.vector_load %arg11[%swap3A_356, %swap3A_357] {strides = array<i32>} : memref<128x128xf32, #tpu.memory_space<vmem>>, vector<1x16xf32>,
      %swap3A_359 = vector.shape_cast %swap3A_358 : vector<1x16xf32> to vector<16xf32>
      %swap3A_360 = vector.shape_cast %mul3A_355 : vector<16xf32> to vector<1x16xf32>
      tpu.vector_store %arg11[%swap3A_356, %swap3A_357], %swap3A_360 {strides = array<i32>} : memref<128x128xf32, #tpu.memory_space<vmem>>, vector<1x16xf32>,
      %get3A_361 = arith.index_cast %add3A_301 : i32 to index
      %get3A_362 = arith.constant 96 : index
      %get3A_363 = tpu.vector_load %arg11[%get3A_361, %get3A_362] {strides = array<i32>} : memref<128x128xf32, #tpu.memory_space<vmem>>, vector<1x16xf32>,
      %get3A_364 = vector.shape_cast %get3A_363 : vector<1x16xf32> to vector<16xf32>
      %mul3A_365 = arith.mulf %get3A_364, %get3A_11 : vector<16xf32>
      %swap3A_366 = arith.index_cast %add3A_301 : i32 to index
      %swap3A_367 = arith.constant 96 : index
      %swap3A_368 = tpu.vector_load %arg11[%swap3A_366, %swap3A_367] {strides = array<i32>} : memref<128x128xf32, #tpu.memory_space<vmem>>, vector<1x16xf32>,
      %swap3A_369 = vector.shape_cast %swap3A_368 : vector<1x16xf32> to vector<16xf32>
      %swap3A_370 = vector.shape_cast %mul3A_365 : vector<16xf32> to vector<1x16xf32>
      tpu.vector_store %arg11[%swap3A_366, %swap3A_367], %swap3A_370 {strides = array<i32>} : memref<128x128xf32, #tpu.memory_space<vmem>>, vector<1x16xf32>,
      %get3A_371 = arith.index_cast %add3A_301 : i32 to index
      %get3A_372 = arith.constant 112 : index
      %get3A_373 = tpu.vector_load %arg11[%get3A_371, %get3A_372] {strides = array<i32>} : memref<128x128xf32, #tpu.memory_space<vmem>>, vector<1x16xf32>,
      %get3A_374 = vector.shape_cast %get3A_373 : vector<1x16xf32> to vector<16xf32>
      %mul3A_375 = arith.mulf %get3A_374, %get3A_11 : vector<16xf32>
      %swap3A_376 = arith.index_cast %add3A_301 : i32 to index
      %swap3A_377 = arith.constant 112 : index
      %swap3A_378 = tpu.vector_load %arg11[%swap3A_376, %swap3A_377] {strides = array<i32>} : memref<128x128xf32, #tpu.memory_space<vmem>>, vector<1x16xf32>,
      %swap3A_379 = vector.shape_cast %swap3A_378 : vector<1x16xf32> to vector<16xf32>
      %swap3A_380 = vector.shape_cast %mul3A_375 : vector<16xf32> to vector<1x16xf32>
      tpu.vector_store %arg11[%swap3A_376, %swap3A_377], %swap3A_380 {strides = array<i32>} : memref<128x128xf32, #tpu.memory_space<vmem>>, vector<1x16xf32>,
    }
    %scan3A_29 = arith.constant 128 : i32
    %add3A_30 = arith.constant 0 : i32
    %add3A_31 = arith.addi %mul3A_2, %add3A_30 : i32
    %dma_start3A_32 = arith.constant 0 : i32
    %dma_start3A_33 = tpu.memref_slice %arg6[%add3A_31, %dma_start3A_32] : memref<204800x128xf32, #tpu.memory_space<hbm>> -> memref<128x128xf32, #tpu.memory_space<hbm>>
    %dma_start3A_34 = arith.constant 0 : i32
    %dma_start3A_35 = tpu.memref_slice %arg6[%add3A_31, %dma_start3A_34] : memref<204800x128xf32, #tpu.memory_space<hbm>> -> memref<128x128xf32, #tpu.memory_space<hbm>>
    tpu.enqueue_dma source(%arg11 : memref<128x128xf32, #tpu.memory_space<vmem>>) target(%dma_start3A_35 : memref<128x128xf32, #tpu.memory_space<hbm>>) target_semaphore(%arg17 : memref<!tpu.dma_semaphore, #tpu.memory_space<semaphore_mem>>)
    %dma_start3A_36 = arith.constant 256 : i32
    %dma_start3A_37 = tpu.memref_slice %arg8[%dma_start3A_36] : memref<6400xi32, #tpu.memory_space<vmem>> -> memref<128xi32, #tpu.memory_space<vmem>>
    %dma_start3A_38 = arith.constant 0 : i32
    %dma_start3A_39 = arith.constant 0 : i32
    %dma_start3A_40 = tpu.memref_slice %arg5[%dma_start3A_38, %dma_start3A_39] : memref<100000x128xf32, #tpu.memory_space<hbm>> -> memref<100000x128xf32, #tpu.memory_space<hbm>>
    tpu.enqueue_indirect_dma source(%dma_start3A_40 : memref<100000x128xf32, #tpu.memory_space<hbm>>) target(%arg13 : memref<128x128xf32, #tpu.memory_space<vmem>>) offsets(%dma_start3A_37 : memref<128xi32, #tpu.memory_space<vmem>>) semaphore(%arg16 : memref<!tpu.dma_semaphore, #tpu.memory_space<semaphore_mem>>)
    %dma_wait3A_41 = arith.constant 128 : i32
    %dma_wait3A_42 = tpu.memref_slice %arg8[%dma_wait3A_41] : memref<6400xi32, #tpu.memory_space<vmem>> -> memref<128xi32, #tpu.memory_space<vmem>>
    %dma_wait3A_43 = arith.constant 0 : i32
    %dma_wait3A_44 = arith.constant 0 : i32
    %dma_wait3A_45 = tpu.memref_slice %arg5[%dma_wait3A_43, %dma_wait3A_44] : memref<100000x128xf32, #tpu.memory_space<hbm>> -> memref<100000x128xf32, #tpu.memory_space<hbm>>
    tpu.wait_indirect_dma semaphore(%arg15 : memref<!tpu.dma_semaphore, #tpu.memory_space<semaphore_mem>>) src(%dma_wait3A_45 : memref<100000x128xf32, #tpu.memory_space<hbm>>) dst(%arg12 : memref<128x128xf32, #tpu.memory_space<vmem>>)
    %scan3A_46 = arith.constant 0 : i32
    %scan3A_47 = arith.constant 128 : i32
    %scan3A_48 = arith.addi %scan3A_46, %scan3A_47 : i32
    %scan3A_49 = arith.constant 1 : i32
    scf.for %scan3A_297 = %scan3A_46 to %scan3A_48 step %scan3A_49  : i32 {
      %mul3A_298 = arith.constant 1 : i32
      %mul3A_299 = arith.muli %scan3A_297, %mul3A_298 : i32
      %add3A_300 = arith.constant 0 : i32
      %add3A_301 = arith.addi %add3A_300, %mul3A_299 : i32
      %get3A_302 = arith.index_cast %add3A_301 : i32 to index
      %get3A_303 = arith.constant 0 : index
      %get3A_304 = tpu.vector_load %arg12[%get3A_302, %get3A_303] {strides = array<i32>} : memref<128x128xf32, #tpu.memory_space<vmem>>, vector<1x16xf32>,
      %get3A_305 = vector.shape_cast %get3A_304 : vector<1x16xf32> to vector<16xf32>
      %mul3A_306 = arith.mulf %get3A_305, %get3A_11 : vector<16xf32>
      %swap3A = arith.index_cast %add3A_301 : i32 to index
      %swap3A_307 = arith.constant 0 : index
      %swap3A_308 = tpu.vector_load %arg12[%swap3A, %swap3A_307] {strides = array<i32>} : memref<128x128xf32, #tpu.memory_space<vmem>>, vector<1x16xf32>,
      %swap3A_309 = vector.shape_cast %swap3A_308 : vector<1x16xf32> to vector<16xf32>
      %swap3A_310 = vector.shape_cast %mul3A_306 : vector<16xf32> to vector<1x16xf32>
      tpu.vector_store %arg12[%swap3A, %swap3A_307], %swap3A_310 {strides = array<i32>} : memref<128x128xf32, #tpu.memory_space<vmem>>, vector<1x16xf32>,
      %get3A_311 = arith.index_cast %add3A_301 : i32 to index
      %get3A_312 = arith.constant 16 : index
      %get3A_313 = tpu.vector_load %arg12[%get3A_311, %get3A_312] {strides = array<i32>} : memref<128x128xf32, #tpu.memory_space<vmem>>, vector<1x16xf32>,
      %get3A_314 = vector.shape_cast %get3A_313 : vector<1x16xf32> to vector<16xf32>
      %mul3A_315 = arith.mulf %get3A_314, %get3A_11 : vector<16xf32>
      %swap3A_316 = arith.index_cast %add3A_301 : i32 to index
      %swap3A_317 = arith.constant 16 : index
      %swap3A_318 = tpu.vector_load %arg12[%swap3A_316, %swap3A_317] {strides = array<i32>} : memref<128x128xf32, #tpu.memory_space<vmem>>, vector<1x16xf32>,
      %swap3A_319 = vector.shape_cast %swap3A_318 : vector<1x16xf32> to vector<16xf32>
      %swap3A_320 = vector.shape_cast %mul3A_315 : vector<16xf32> to vector<1x16xf32>
      tpu.vector_store %arg12[%swap3A_316, %swap3A_317], %swap3A_320 {strides = array<i32>} : memref<128x128xf32, #tpu.memory_space<vmem>>, vector<1x16xf32>,
      %get3A_321 = arith.index_cast %add3A_301 : i32 to index
      %get3A_322 = arith.constant 32 : index
      %get3A_323 = tpu.vector_load %arg12[%get3A_321, %get3A_322] {strides = array<i32>} : memref<128x128xf32, #tpu.memory_space<vmem>>, vector<1x16xf32>,
      %get3A_324 = vector.shape_cast %get3A_323 : vector<1x16xf32> to vector<16xf32>
      %mul3A_325 = arith.mulf %get3A_324, %get3A_11 : vector<16xf32>
      %swap3A_326 = arith.index_cast %add3A_301 : i32 to index
      %swap3A_327 = arith.constant 32 : index
      %swap3A_328 = tpu.vector_load %arg12[%swap3A_326, %swap3A_327] {strides = array<i32>} : memref<128x128xf32, #tpu.memory_space<vmem>>, vector<1x16xf32>,
      %swap3A_329 = vector.shape_cast %swap3A_328 : vector<1x16xf32> to vector<16xf32>
      %swap3A_330 = vector.shape_cast %mul3A_325 : vector<16xf32> to vector<1x16xf32>
      tpu.vector_store %arg12[%swap3A_326, %swap3A_327], %swap3A_330 {strides = array<i32>} : memref<128x128xf32, #tpu.memory_space<vmem>>, vector<1x16xf32>,
      %get3A_331 = arith.index_cast %add3A_301 : i32 to index
      %get3A_332 = arith.constant 48 : index
      %get3A_333 = tpu.vector_load %arg12[%get3A_331, %get3A_332] {strides = array<i32>} : memref<128x128xf32, #tpu.memory_space<vmem>>, vector<1x16xf32>,
      %get3A_334 = vector.shape_cast %get3A_333 : vector<1x16xf32> to vector<16xf32>
      %mul3A_335 = arith.mulf %get3A_334, %get3A_11 : vector<16xf32>
      %swap3A_336 = arith.index_cast %add3A_301 : i32 to index
      %swap3A_337 = arith.constant 48 : index
      %swap3A_338 = tpu.vector_load %arg12[%swap3A_336, %swap3A_337] {strides = array<i32>} : memref<128x128xf32, #tpu.memory_space<vmem>>, vector<1x16xf32>,
      %swap3A_339 = vector.shape_cast %swap3A_338 : vector<1x16xf32> to vector<16xf32>
      %swap3A_340 = vector.shape_cast %mul3A_335 : vector<16xf32> to vector<1x16xf32>
      tpu.vector_store %arg12[%swap3A_336, %swap3A_337], %swap3A_340 {strides = array<i32>} : memref<128x128xf32, #tpu.memory_space<vmem>>, vector<1x16xf32>,
      %get3A_341 = arith.index_cast %add3A_301 : i32 to index
      %get3A_342 = arith.constant 64 : index
      %get3A_343 = tpu.vector_load %arg12[%get3A_341, %get3A_342] {strides = array<i32>} : memref<128x128xf32, #tpu.memory_space<vmem>>, vector<1x16xf32>,
      %get3A_344 = vector.shape_cast %get3A_343 : vector<1x16xf32> to vector<16xf32>
      %mul3A_345 = arith.mulf %get3A_344, %get3A_11 : vector<16xf32>
      %swap3A_346 = arith.index_cast %add3A_301 : i32 to index
      %swap3A_347 = arith.constant 64 : index
      %swap3A_348 = tpu.vector_load %arg12[%swap3A_346, %swap3A_347] {strides = array<i32>} : memref<128x128xf32, #tpu.memory_space<vmem>>, vector<1x16xf32>,
      %swap3A_349 = vector.shape_cast %swap3A_348 : vector<1x16xf32> to vector<16xf32>
      %swap3A_350 = vector.shape_cast %mul3A_345 : vector<16xf32> to vector<1x16xf32>
      tpu.vector_store %arg12[%swap3A_346, %swap3A_347], %swap3A_350 {strides = array<i32>} : memref<128x128xf32, #tpu.memory_space<vmem>>, vector<1x16xf32>,
      %get3A_351 = arith.index_cast %add3A_301 : i32 to index
      %get3A_352 = arith.constant 80 : index
      %get3A_353 = tpu.vector_load %arg12[%get3A_351, %get3A_352] {strides = array<i32>} : memref<128x128xf32, #tpu.memory_space<vmem>>, vector<1x16xf32>,
      %get3A_354 = vector.shape_cast %get3A_353 : vector<1x16xf32> to vector<16xf32>
      %mul3A_355 = arith.mulf %get3A_354, %get3A_11 : vector<16xf32>
      %swap3A_356 = arith.index_cast %add3A_301 : i32 to index
      %swap3A_357 = arith.constant 80 : index
      %swap3A_358 = tpu.vector_load %arg12[%swap3A_356, %swap3A_357] {strides = array<i32>} : memref<128x128xf32, #tpu.memory_space<vmem>>, vector<1x16xf32>,
      %swap3A_359 = vector.shape_cast %swap3A_358 : vector<1x16xf32> to vector<16xf32>
      %swap3A_360 = vector.shape_cast %mul3A_355 : vector<16xf32> to vector<1x16xf32>
      tpu.vector_store %arg12[%swap3A_356, %swap3A_357], %swap3A_360 {strides = array<i32>} : memref<128x128xf32, #tpu.memory_space<vmem>>, vector<1x16xf32>,
      %get3A_361 = arith.index_cast %add3A_301 : i32 to index
      %get3A_362 = arith.constant 96 : index
      %get3A_363 = tpu.vector_load %arg12[%get3A_361, %get3A_362] {strides = array<i32>} : memref<128x128xf32, #tpu.memory_space<vmem>>, vector<1x16xf32>,
      %get3A_364 = vector.shape_cast %get3A_363 : vector<1x16xf32> to vector<16xf32>
      %mul3A_365 = arith.mulf %get3A_364, %get3A_11 : vector<16xf32>
      %swap3A_366 = arith.index_cast %add3A_301 : i32 to index
      %swap3A_367 = arith.constant 96 : index
      %swap3A_368 = tpu.vector_load %arg12[%swap3A_366, %swap3A_367] {strides = array<i32>} : memref<128x128xf32, #tpu.memory_space<vmem>>, vector<1x16xf32>,
      %swap3A_369 = vector.shape_cast %swap3A_368 : vector<1x16xf32> to vector<16xf32>
      %swap3A_370 = vector.shape_cast %mul3A_365 : vector<16xf32> to vector<1x16xf32>
      tpu.vector_store %arg12[%swap3A_366, %swap3A_367], %swap3A_370 {strides = array<i32>} : memref<128x128xf32, #tpu.memory_space<vmem>>, vector<1x16xf32>,
      %get3A_371 = arith.index_cast %add3A_301 : i32 to index
      %get3A_372 = arith.constant 112 : index
      %get3A_373 = tpu.vector_load %arg12[%get3A_371, %get3A_372] {strides = array<i32>} : memref<128x128xf32, #tpu.memory_space<vmem>>, vector<1x16xf32>,
      %get3A_374 = vector.shape_cast %get3A_373 : vector<1x16xf32> to vector<16xf32>
      %mul3A_375 = arith.mulf %get3A_374, %get3A_11 : vector<16xf32>
      %swap3A_376 = arith.index_cast %add3A_301 : i32 to index
      %swap3A_377 = arith.constant 112 : index
      %swap3A_378 = tpu.vector_load %arg12[%swap3A_376, %swap3A_377] {strides = array<i32>} : memref<128x128xf32, #tpu.memory_space<vmem>>, vector<1x16xf32>,
      %swap3A_379 = vector.shape_cast %swap3A_378 : vector<1x16xf32> to vector<16xf32>
      %swap3A_380 = vector.shape_cast %mul3A_375 : vector<16xf32> to vector<1x16xf32>
      tpu.vector_store %arg12[%swap3A_376, %swap3A_377], %swap3A_380 {strides = array<i32>} : memref<128x128xf32, #tpu.memory_space<vmem>>, vector<1x16xf32>,
    }
    %scan3A_50 = arith.constant 128 : i32
    %add3A_51 = arith.constant 128 : i32
    %add3A_52 = arith.addi %mul3A_2, %add3A_51 : i32
    %dma_start3A_53 = arith.constant 0 : i32
    %dma_start3A_54 = tpu.memref_slice %arg6[%add3A_52, %dma_start3A_53] : memref<204800x128xf32, #tpu.memory_space<hbm>> -> memref<128x128xf32, #tpu.memory_space<hbm>>
    %dma_start3A_55 = arith.constant 0 : i32
    %dma_start3A_56 = tpu.memref_slice %arg6[%add3A_52, %dma_start3A_55] : memref<204800x128xf32, #tpu.memory_space<hbm>> -> memref<128x128xf32, #tpu.memory_space<hbm>>
    tpu.enqueue_dma source(%arg12 : memref<128x128xf32, #tpu.memory_space<vmem>>) target(%dma_start3A_56 : memref<128x128xf32, #tpu.memory_space<hbm>>) target_semaphore(%arg18 : memref<!tpu.dma_semaphore, #tpu.memory_space<semaphore_mem>>)
    %add3A_57 = arith.constant 0 : i32
    %add3A_58 = arith.addi %mul3A_2, %add3A_57 : i32
    %dma_wait3A_59 = arith.constant 0 : i32
    %dma_wait3A_60 = tpu.memref_slice %arg6[%add3A_58, %dma_wait3A_59] : memref<204800x128xf32, #tpu.memory_space<hbm>> -> memref<128x128xf32, #tpu.memory_space<hbm>>
    %dma_wait3A_61 = arith.constant 0 : i32
    %dma_wait3A_62 = tpu.memref_slice %arg6[%add3A_58, %dma_wait3A_61] : memref<204800x128xf32, #tpu.memory_space<hbm>> -> memref<128x128xf32, #tpu.memory_space<hbm>>
    tpu.wait_dma2 semaphore(%arg17 : memref<!tpu.dma_semaphore, #tpu.memory_space<semaphore_mem>>) src(%arg11 : memref<128x128xf32, #tpu.memory_space<vmem>>) dst(%dma_wait3A_62 : memref<128x128xf32, #tpu.memory_space<hbm>>)
    %dma_start3A_63 = arith.constant 384 : i32
    %dma_start3A_64 = tpu.memref_slice %arg8[%dma_start3A_63] : memref<6400xi32, #tpu.memory_space<vmem>> -> memref<128xi32, #tpu.memory_space<vmem>>
    %dma_start3A_65 = arith.constant 0 : i32
    %dma_start3A_66 = arith.constant 0 : i32
    %dma_start3A_67 = tpu.memref_slice %arg5[%dma_start3A_65, %dma_start3A_66] : memref<100000x128xf32, #tpu.memory_space<hbm>> -> memref<100000x128xf32, #tpu.memory_space<hbm>>
    tpu.enqueue_indirect_dma source(%dma_start3A_67 : memref<100000x128xf32, #tpu.memory_space<hbm>>) target(%arg11 : memref<128x128xf32, #tpu.memory_space<vmem>>) offsets(%dma_start3A_64 : memref<128xi32, #tpu.memory_space<vmem>>) semaphore(%arg14 : memref<!tpu.dma_semaphore, #tpu.memory_space<semaphore_mem>>)
    %scan3A_68 = arith.constant 0 : i32
    %scan3A_69 = arith.constant 15 : i32
    %scan3A_70 = arith.addi %scan3A_68, %scan3A_69 : i32
    %scan3A_71 = arith.constant 1 : i32
    scf.for %scan3A_297 = %scan3A_68 to %scan3A_70 step %scan3A_71  : i32 {
      %mul3A_298 = arith.constant 3 : i32
      %mul3A_299 = arith.muli %scan3A_297, %mul3A_298 : i32
      %add3A_300 = arith.constant 2 : i32
      %add3A_301 = arith.addi %add3A_300, %mul3A_299 : i32
      %add3A_302 = arith.constant 0 : i32
      %add3A_303 = arith.addi %add3A_301, %add3A_302 : i32
      %mul3A_304 = arith.constant 128 : i32
      %mul3A_305 = arith.muli %add3A_303, %mul3A_304 : i32
      %dma_wait3A_306 = tpu.memref_slice %arg8[%mul3A_305] : memref<6400xi32, #tpu.memory_space<vmem>> -> memref<128xi32, #tpu.memory_space<vmem>>
      %dma_wait3A_307 = arith.constant 0 : i32
      %dma_wait3A_308 = arith.constant 0 : i32
      %dma_wait3A_309 = tpu.memref_slice %arg5[%dma_wait3A_307, %dma_wait3A_308] : memref<100000x128xf32, #tpu.memory_space<hbm>> -> memref<100000x128xf32, #tpu.memory_space<hbm>>
      tpu.wait_indirect_dma semaphore(%arg16 : memref<!tpu.dma_semaphore, #tpu.memory_space<semaphore_mem>>) src(%dma_wait3A_309 : memref<100000x128xf32, #tpu.memory_space<hbm>>) dst(%arg13 : memref<128x128xf32, #tpu.memory_space<vmem>>)
      %scan3A_310 = arith.constant 0 : i32
      %scan3A_311 = arith.constant 128 : i32
      %scan3A_312 = arith.addi %scan3A_310, %scan3A_311 : i32
      %scan3A_313 = arith.constant 1 : i32
      scf.for %scan3A_412 = %scan3A_310 to %scan3A_312 step %scan3A_313  : i32 {
        %mul3A_413 = arith.constant 1 : i32
        %mul3A_414 = arith.muli %scan3A_412, %mul3A_413 : i32
        %add3A_415 = arith.constant 0 : i32
        %add3A_416 = arith.addi %add3A_415, %mul3A_414 : i32
        %get3A_417 = arith.index_cast %add3A_416 : i32 to index
        %get3A_418 = arith.constant 0 : index
        %get3A_419 = tpu.vector_load %arg13[%get3A_417, %get3A_418] {strides = array<i32>} : memref<128x128xf32, #tpu.memory_space<vmem>>, vector<1x16xf32>,
        %get3A_420 = vector.shape_cast %get3A_419 : vector<1x16xf32> to vector<16xf32>
        %mul3A_421 = arith.mulf %get3A_420, %get3A_11 : vector<16xf32>
        %swap3A = arith.index_cast %add3A_416 : i32 to index
        %swap3A_422 = arith.constant 0 : index
        %swap3A_423 = tpu.vector_load %arg13[%swap3A, %swap3A_422] {strides = array<i32>} : memref<128x128xf32, #tpu.memory_space<vmem>>, vector<1x16xf32>,
        %swap3A_424 = vector.shape_cast %swap3A_423 : vector<1x16xf32> to vector<16xf32>
        %swap3A_425 = vector.shape_cast %mul3A_421 : vector<16xf32> to vector<1x16xf32>
        tpu.vector_store %arg13[%swap3A, %swap3A_422], %swap3A_425 {strides = array<i32>} : memref<128x128xf32, #tpu.memory_space<vmem>>, vector<1x16xf32>,
        %get3A_426 = arith.index_cast %add3A_416 : i32 to index
        %get3A_427 = arith.constant 16 : index
        %get3A_428 = tpu.vector_load %arg13[%get3A_426, %get3A_427] {strides = array<i32>} : memref<128x128xf32, #tpu.memory_space<vmem>>, vector<1x16xf32>,
        %get3A_429 = vector.shape_cast %get3A_428 : vector<1x16xf32> to vector<16xf32>
        %mul3A_430 = arith.mulf %get3A_429, %get3A_11 : vector<16xf32>
        %swap3A_431 = arith.index_cast %add3A_416 : i32 to index
        %swap3A_432 = arith.constant 16 : index
        %swap3A_433 = tpu.vector_load %arg13[%swap3A_431, %swap3A_432] {strides = array<i32>} : memref<128x128xf32, #tpu.memory_space<vmem>>, vector<1x16xf32>,
        %swap3A_434 = vector.shape_cast %swap3A_433 : vector<1x16xf32> to vector<16xf32>
        %swap3A_435 = vector.shape_cast %mul3A_430 : vector<16xf32> to vector<1x16xf32>
        tpu.vector_store %arg13[%swap3A_431, %swap3A_432], %swap3A_435 {strides = array<i32>} : memref<128x128xf32, #tpu.memory_space<vmem>>, vector<1x16xf32>,
        %get3A_436 = arith.index_cast %add3A_416 : i32 to index
        %get3A_437 = arith.constant 32 : index
        %get3A_438 = tpu.vector_load %arg13[%get3A_436, %get3A_437] {strides = array<i32>} : memref<128x128xf32, #tpu.memory_space<vmem>>, vector<1x16xf32>,
        %get3A_439 = vector.shape_cast %get3A_438 : vector<1x16xf32> to vector<16xf32>
        %mul3A_440 = arith.mulf %get3A_439, %get3A_11 : vector<16xf32>
        %swap3A_441 = arith.index_cast %add3A_416 : i32 to index
        %swap3A_442 = arith.constant 32 : index
        %swap3A_443 = tpu.vector_load %arg13[%swap3A_441, %swap3A_442] {strides = array<i32>} : memref<128x128xf32, #tpu.memory_space<vmem>>, vector<1x16xf32>,
        %swap3A_444 = vector.shape_cast %swap3A_443 : vector<1x16xf32> to vector<16xf32>
        %swap3A_445 = vector.shape_cast %mul3A_440 : vector<16xf32> to vector<1x16xf32>
        tpu.vector_store %arg13[%swap3A_441, %swap3A_442], %swap3A_445 {strides = array<i32>} : memref<128x128xf32, #tpu.memory_space<vmem>>, vector<1x16xf32>,
        %get3A_446 = arith.index_cast %add3A_416 : i32 to index
        %get3A_447 = arith.constant 48 : index
        %get3A_448 = tpu.vector_load %arg13[%get3A_446, %get3A_447] {strides = array<i32>} : memref<128x128xf32, #tpu.memory_space<vmem>>, vector<1x16xf32>,
        %get3A_449 = vector.shape_cast %get3A_448 : vector<1x16xf32> to vector<16xf32>
        %mul3A_450 = arith.mulf %get3A_449, %get3A_11 : vector<16xf32>
        %swap3A_451 = arith.index_cast %add3A_416 : i32 to index
        %swap3A_452 = arith.constant 48 : index
        %swap3A_453 = tpu.vector_load %arg13[%swap3A_451, %swap3A_452] {strides = array<i32>} : memref<128x128xf32, #tpu.memory_space<vmem>>, vector<1x16xf32>,
        %swap3A_454 = vector.shape_cast %swap3A_453 : vector<1x16xf32> to vector<16xf32>
        %swap3A_455 = vector.shape_cast %mul3A_450 : vector<16xf32> to vector<1x16xf32>
        tpu.vector_store %arg13[%swap3A_451, %swap3A_452], %swap3A_455 {strides = array<i32>} : memref<128x128xf32, #tpu.memory_space<vmem>>, vector<1x16xf32>,
        %get3A_456 = arith.index_cast %add3A_416 : i32 to index
        %get3A_457 = arith.constant 64 : index
        %get3A_458 = tpu.vector_load %arg13[%get3A_456, %get3A_457] {strides = array<i32>} : memref<128x128xf32, #tpu.memory_space<vmem>>, vector<1x16xf32>,
        %get3A_459 = vector.shape_cast %get3A_458 : vector<1x16xf32> to vector<16xf32>
        %mul3A_460 = arith.mulf %get3A_459, %get3A_11 : vector<16xf32>
        %swap3A_461 = arith.index_cast %add3A_416 : i32 to index
        %swap3A_462 = arith.constant 64 : index
        %swap3A_463 = tpu.vector_load %arg13[%swap3A_461, %swap3A_462] {strides = array<i32>} : memref<128x128xf32, #tpu.memory_space<vmem>>, vector<1x16xf32>,
        %swap3A_464 = vector.shape_cast %swap3A_463 : vector<1x16xf32> to vector<16xf32>
        %swap3A_465 = vector.shape_cast %mul3A_460 : vector<16xf32> to vector<1x16xf32>
        tpu.vector_store %arg13[%swap3A_461, %swap3A_462], %swap3A_465 {strides = array<i32>} : memref<128x128xf32, #tpu.memory_space<vmem>>, vector<1x16xf32>,
        %get3A_466 = arith.index_cast %add3A_416 : i32 to index
        %get3A_467 = arith.constant 80 : index
        %get3A_468 = tpu.vector_load %arg13[%get3A_466, %get3A_467] {strides = array<i32>} : memref<128x128xf32, #tpu.memory_space<vmem>>, vector<1x16xf32>,
        %get3A_469 = vector.shape_cast %get3A_468 : vector<1x16xf32> to vector<16xf32>
        %mul3A_470 = arith.mulf %get3A_469, %get3A_11 : vector<16xf32>
        %swap3A_471 = arith.index_cast %add3A_416 : i32 to index
        %swap3A_472 = arith.constant 80 : index
        %swap3A_473 = tpu.vector_load %arg13[%swap3A_471, %swap3A_472] {strides = array<i32>} : memref<128x128xf32, #tpu.memory_space<vmem>>, vector<1x16xf32>,
        %swap3A_474 = vector.shape_cast %swap3A_473 : vector<1x16xf32> to vector<16xf32>
        %swap3A_475 = vector.shape_cast %mul3A_470 : vector<16xf32> to vector<1x16xf32>
        tpu.vector_store %arg13[%swap3A_471, %swap3A_472], %swap3A_475 {strides = array<i32>} : memref<128x128xf32, #tpu.memory_space<vmem>>, vector<1x16xf32>,
        %get3A_476 = arith.index_cast %add3A_416 : i32 to index
        %get3A_477 = arith.constant 96 : index
        %get3A_478 = tpu.vector_load %arg13[%get3A_476, %get3A_477] {strides = array<i32>} : memref<128x128xf32, #tpu.memory_space<vmem>>, vector<1x16xf32>,
        %get3A_479 = vector.shape_cast %get3A_478 : vector<1x16xf32> to vector<16xf32>
        %mul3A_480 = arith.mulf %get3A_479, %get3A_11 : vector<16xf32>
        %swap3A_481 = arith.index_cast %add3A_416 : i32 to index
        %swap3A_482 = arith.constant 96 : index
        %swap3A_483 = tpu.vector_load %arg13[%swap3A_481, %swap3A_482] {strides = array<i32>} : memref<128x128xf32, #tpu.memory_space<vmem>>, vector<1x16xf32>,
        %swap3A_484 = vector.shape_cast %swap3A_483 : vector<1x16xf32> to vector<16xf32>
        %swap3A_485 = vector.shape_cast %mul3A_480 : vector<16xf32> to vector<1x16xf32>
        tpu.vector_store %arg13[%swap3A_481, %swap3A_482], %swap3A_485 {strides = array<i32>} : memref<128x128xf32, #tpu.memory_space<vmem>>, vector<1x16xf32>,
        %get3A_486 = arith.index_cast %add3A_416 : i32 to index
        %get3A_487 = arith.constant 112 : index
        %get3A_488 = tpu.vector_load %arg13[%get3A_486, %get3A_487] {strides = array<i32>} : memref<128x128xf32, #tpu.memory_space<vmem>>, vector<1x16xf32>,
        %get3A_489 = vector.shape_cast %get3A_488 : vector<1x16xf32> to vector<16xf32>
        %mul3A_490 = arith.mulf %get3A_489, %get3A_11 : vector<16xf32>
        %swap3A_491 = arith.index_cast %add3A_416 : i32 to index
        %swap3A_492 = arith.constant 112 : index
        %swap3A_493 = tpu.vector_load %arg13[%swap3A_491, %swap3A_492] {strides = array<i32>} : memref<128x128xf32, #tpu.memory_space<vmem>>, vector<1x16xf32>,
        %swap3A_494 = vector.shape_cast %swap3A_493 : vector<1x16xf32> to vector<16xf32>
        %swap3A_495 = vector.shape_cast %mul3A_490 : vector<16xf32> to vector<1x16xf32>
        tpu.vector_store %arg13[%swap3A_491, %swap3A_492], %swap3A_495 {strides = array<i32>} : memref<128x128xf32, #tpu.memory_space<vmem>>, vector<1x16xf32>,
      }
      %scan3A_314 = arith.constant 128 : i32
      %mul3A_315 = arith.constant 128 : i32
      %mul3A_316 = arith.muli %add3A_303, %mul3A_315 : i32
      %add3A_317 = arith.addi %mul3A_2, %mul3A_316 : i32
      %dma_start3A_318 = arith.constant 0 : i32
      %dma_start3A_319 = tpu.memref_slice %arg6[%add3A_317, %dma_start3A_318] : memref<204800x128xf32, #tpu.memory_space<hbm>> -> memref<128x128xf32, #tpu.memory_space<hbm>>
      %dma_start3A_320 = arith.constant 0 : i32
      %dma_start3A_321 = tpu.memref_slice %arg6[%add3A_317, %dma_start3A_320] : memref<204800x128xf32, #tpu.memory_space<hbm>> -> memref<128x128xf32, #tpu.memory_space<hbm>>
      tpu.enqueue_dma source(%arg13 : memref<128x128xf32, #tpu.memory_space<vmem>>) target(%dma_start3A_321 : memref<128x128xf32, #tpu.memory_space<hbm>>) target_semaphore(%arg19 : memref<!tpu.dma_semaphore, #tpu.memory_space<semaphore_mem>>)
      %sub3A = arith.constant 1 : i32
      %sub3A_322 = arith.subi %add3A_303, %sub3A : i32
      %mul3A_323 = arith.constant 128 : i32
      %mul3A_324 = arith.muli %sub3A_322, %mul3A_323 : i32
      %add3A_325 = arith.addi %mul3A_2, %mul3A_324 : i32
      %dma_wait3A_326 = arith.constant 0 : i32
      %dma_wait3A_327 = tpu.memref_slice %arg6[%add3A_325, %dma_wait3A_326] : memref<204800x128xf32, #tpu.memory_space<hbm>> -> memref<128x128xf32, #tpu.memory_space<hbm>>
      %dma_wait3A_328 = arith.constant 0 : i32
      %dma_wait3A_329 = tpu.memref_slice %arg6[%add3A_325, %dma_wait3A_328] : memref<204800x128xf32, #tpu.memory_space<hbm>> -> memref<128x128xf32, #tpu.memory_space<hbm>>
      tpu.wait_dma2 semaphore(%arg18 : memref<!tpu.dma_semaphore, #tpu.memory_space<semaphore_mem>>) src(%arg12 : memref<128x128xf32, #tpu.memory_space<vmem>>) dst(%dma_wait3A_329 : memref<128x128xf32, #tpu.memory_space<hbm>>)
      %add3A_330 = arith.constant 2 : i32
      %add3A_331 = arith.addi %add3A_303, %add3A_330 : i32
      %mul3A_332 = arith.constant 128 : i32
      %mul3A_333 = arith.muli %add3A_331, %mul3A_332 : i32
      %dma_start3A_334 = tpu.memref_slice %arg8[%mul3A_333] : memref<6400xi32, #tpu.memory_space<vmem>> -> memref<128xi32, #tpu.memory_space<vmem>>
      %dma_start3A_335 = arith.constant 0 : i32
      %dma_start3A_336 = arith.constant 0 : i32
      %dma_start3A_337 = tpu.memref_slice %arg5[%dma_start3A_335, %dma_start3A_336] : memref<100000x128xf32, #tpu.memory_space<hbm>> -> memref<100000x128xf32, #tpu.memory_space<hbm>>
      tpu.enqueue_indirect_dma source(%dma_start3A_337 : memref<100000x128xf32, #tpu.memory_space<hbm>>) target(%arg12 : memref<128x128xf32, #tpu.memory_space<vmem>>) offsets(%dma_start3A_334 : memref<128xi32, #tpu.memory_space<vmem>>) semaphore(%arg15 : memref<!tpu.dma_semaphore, #tpu.memory_space<semaphore_mem>>)
      %add3A_338 = arith.constant 1 : i32
      %add3A_339 = arith.addi %add3A_301, %add3A_338 : i32
      %mul3A_340 = arith.constant 128 : i32
      %mul3A_341 = arith.muli %add3A_339, %mul3A_340 : i32
      %dma_wait3A_342 = tpu.memref_slice %arg8[%mul3A_341] : memref<6400xi32, #tpu.memory_space<vmem>> -> memref<128xi32, #tpu.memory_space<vmem>>
      %dma_wait3A_343 = arith.constant 0 : i32
      %dma_wait3A_344 = arith.constant 0 : i32
      %dma_wait3A_345 = tpu.memref_slice %arg5[%dma_wait3A_343, %dma_wait3A_344] : memref<100000x128xf32, #tpu.memory_space<hbm>> -> memref<100000x128xf32, #tpu.memory_space<hbm>>
      tpu.wait_indirect_dma semaphore(%arg14 : memref<!tpu.dma_semaphore, #tpu.memory_space<semaphore_mem>>) src(%dma_wait3A_345 : memref<100000x128xf32, #tpu.memory_space<hbm>>) dst(%arg11 : memref<128x128xf32, #tpu.memory_space<vmem>>)
      %scan3A_346 = arith.constant 0 : i32
      %scan3A_347 = arith.constant 128 : i32
      %scan3A_348 = arith.addi %scan3A_346, %scan3A_347 : i32
      %scan3A_349 = arith.constant 1 : i32
      scf.for %scan3A_412 = %scan3A_346 to %scan3A_348 step %scan3A_349  : i32 {
        %mul3A_413 = arith.constant 1 : i32
        %mul3A_414 = arith.muli %scan3A_412, %mul3A_413 : i32
        %add3A_415 = arith.constant 0 : i32
        %add3A_416 = arith.addi %add3A_415, %mul3A_414 : i32
        %get3A_417 = arith.index_cast %add3A_416 : i32 to index
        %get3A_418 = arith.constant 0 : index
        %get3A_419 = tpu.vector_load %arg11[%get3A_417, %get3A_418] {strides = array<i32>} : memref<128x128xf32, #tpu.memory_space<vmem>>, vector<1x16xf32>,
        %get3A_420 = vector.shape_cast %get3A_419 : vector<1x16xf32> to vector<16xf32>
        %mul3A_421 = arith.mulf %get3A_420, %get3A_11 : vector<16xf32>
        %swap3A = arith.index_cast %add3A_416 : i32 to index
        %swap3A_422 = arith.constant 0 : index
        %swap3A_423 = tpu.vector_load %arg11[%swap3A, %swap3A_422] {strides = array<i32>} : memref<128x128xf32, #tpu.memory_space<vmem>>, vector<1x16xf32>,
        %swap3A_424 = vector.shape_cast %swap3A_423 : vector<1x16xf32> to vector<16xf32>
        %swap3A_425 = vector.shape_cast %mul3A_421 : vector<16xf32> to vector<1x16xf32>
        tpu.vector_store %arg11[%swap3A, %swap3A_422], %swap3A_425 {strides = array<i32>} : memref<128x128xf32, #tpu.memory_space<vmem>>, vector<1x16xf32>,
        %get3A_426 = arith.index_cast %add3A_416 : i32 to index
        %get3A_427 = arith.constant 16 : index
        %get3A_428 = tpu.vector_load %arg11[%get3A_426, %get3A_427] {strides = array<i32>} : memref<128x128xf32, #tpu.memory_space<vmem>>, vector<1x16xf32>,
        %get3A_429 = vector.shape_cast %get3A_428 : vector<1x16xf32> to vector<16xf32>
        %mul3A_430 = arith.mulf %get3A_429, %get3A_11 : vector<16xf32>
        %swap3A_431 = arith.index_cast %add3A_416 : i32 to index
        %swap3A_432 = arith.constant 16 : index
        %swap3A_433 = tpu.vector_load %arg11[%swap3A_431, %swap3A_432] {strides = array<i32>} : memref<128x128xf32, #tpu.memory_space<vmem>>, vector<1x16xf32>,
        %swap3A_434 = vector.shape_cast %swap3A_433 : vector<1x16xf32> to vector<16xf32>
        %swap3A_435 = vector.shape_cast %mul3A_430 : vector<16xf32> to vector<1x16xf32>
        tpu.vector_store %arg11[%swap3A_431, %swap3A_432], %swap3A_435 {strides = array<i32>} : memref<128x128xf32, #tpu.memory_space<vmem>>, vector<1x16xf32>,
        %get3A_436 = arith.index_cast %add3A_416 : i32 to index
        %get3A_437 = arith.constant 32 : index
        %get3A_438 = tpu.vector_load %arg11[%get3A_436, %get3A_437] {strides = array<i32>} : memref<128x128xf32, #tpu.memory_space<vmem>>, vector<1x16xf32>,
        %get3A_439 = vector.shape_cast %get3A_438 : vector<1x16xf32> to vector<16xf32>
        %mul3A_440 = arith.mulf %get3A_439, %get3A_11 : vector<16xf32>
        %swap3A_441 = arith.index_cast %add3A_416 : i32 to index
        %swap3A_442 = arith.constant 32 : index
        %swap3A_443 = tpu.vector_load %arg11[%swap3A_441, %swap3A_442] {strides = array<i32>} : memref<128x128xf32, #tpu.memory_space<vmem>>, vector<1x16xf32>,
        %swap3A_444 = vector.shape_cast %swap3A_443 : vector<1x16xf32> to vector<16xf32>
        %swap3A_445 = vector.shape_cast %mul3A_440 : vector<16xf32> to vector<1x16xf32>
        tpu.vector_store %arg11[%swap3A_441, %swap3A_442], %swap3A_445 {strides = array<i32>} : memref<128x128xf32, #tpu.memory_space<vmem>>, vector<1x16xf32>,
        %get3A_446 = arith.index_cast %add3A_416 : i32 to index
        %get3A_447 = arith.constant 48 : index
        %get3A_448 = tpu.vector_load %arg11[%get3A_446, %get3A_447] {strides = array<i32>} : memref<128x128xf32, #tpu.memory_space<vmem>>, vector<1x16xf32>,
        %get3A_449 = vector.shape_cast %get3A_448 : vector<1x16xf32> to vector<16xf32>
        %mul3A_450 = arith.mulf %get3A_449, %get3A_11 : vector<16xf32>
        %swap3A_451 = arith.index_cast %add3A_416 : i32 to index
        %swap3A_452 = arith.constant 48 : index
        %swap3A_453 = tpu.vector_load %arg11[%swap3A_451, %swap3A_452] {strides = array<i32>} : memref<128x128xf32, #tpu.memory_space<vmem>>, vector<1x16xf32>,
        %swap3A_454 = vector.shape_cast %swap3A_453 : vector<1x16xf32> to vector<16xf32>
        %swap3A_455 = vector.shape_cast %mul3A_450 : vector<16xf32> to vector<1x16xf32>
        tpu.vector_store %arg11[%swap3A_451, %swap3A_452], %swap3A_455 {strides = array<i32>} : memref<128x128xf32, #tpu.memory_space<vmem>>, vector<1x16xf32>,
        %get3A_456 = arith.index_cast %add3A_416 : i32 to index
        %get3A_457 = arith.constant 64 : index
        %get3A_458 = tpu.vector_load %arg11[%get3A_456, %get3A_457] {strides = array<i32>} : memref<128x128xf32, #tpu.memory_space<vmem>>, vector<1x16xf32>,
        %get3A_459 = vector.shape_cast %get3A_458 : vector<1x16xf32> to vector<16xf32>
        %mul3A_460 = arith.mulf %get3A_459, %get3A_11 : vector<16xf32>
        %swap3A_461 = arith.index_cast %add3A_416 : i32 to index
        %swap3A_462 = arith.constant 64 : index
        %swap3A_463 = tpu.vector_load %arg11[%swap3A_461, %swap3A_462] {strides = array<i32>} : memref<128x128xf32, #tpu.memory_space<vmem>>, vector<1x16xf32>,
        %swap3A_464 = vector.shape_cast %swap3A_463 : vector<1x16xf32> to vector<16xf32>
        %swap3A_465 = vector.shape_cast %mul3A_460 : vector<16xf32> to vector<1x16xf32>
        tpu.vector_store %arg11[%swap3A_461, %swap3A_462], %swap3A_465 {strides = array<i32>} : memref<128x128xf32, #tpu.memory_space<vmem>>, vector<1x16xf32>,
        %get3A_466 = arith.index_cast %add3A_416 : i32 to index
        %get3A_467 = arith.constant 80 : index
        %get3A_468 = tpu.vector_load %arg11[%get3A_466, %get3A_467] {strides = array<i32>} : memref<128x128xf32, #tpu.memory_space<vmem>>, vector<1x16xf32>,
        %get3A_469 = vector.shape_cast %get3A_468 : vector<1x16xf32> to vector<16xf32>
        %mul3A_470 = arith.mulf %get3A_469, %get3A_11 : vector<16xf32>
        %swap3A_471 = arith.index_cast %add3A_416 : i32 to index
        %swap3A_472 = arith.constant 80 : index
        %swap3A_473 = tpu.vector_load %arg11[%swap3A_471, %swap3A_472] {strides = array<i32>} : memref<128x128xf32, #tpu.memory_space<vmem>>, vector<1x16xf32>,
        %swap3A_474 = vector.shape_cast %swap3A_473 : vector<1x16xf32> to vector<16xf32>
        %swap3A_475 = vector.shape_cast %mul3A_470 : vector<16xf32> to vector<1x16xf32>
        tpu.vector_store %arg11[%swap3A_471, %swap3A_472], %swap3A_475 {strides = array<i32>} : memref<128x128xf32, #tpu.memory_space<vmem>>, vector<1x16xf32>,
        %get3A_476 = arith.index_cast %add3A_416 : i32 to index
        %get3A_477 = arith.constant 96 : index
        %get3A_478 = tpu.vector_load %arg11[%get3A_476, %get3A_477] {strides = array<i32>} : memref<128x128xf32, #tpu.memory_space<vmem>>, vector<1x16xf32>,
        %get3A_479 = vector.shape_cast %get3A_478 : vector<1x16xf32> to vector<16xf32>
        %mul3A_480 = arith.mulf %get3A_479, %get3A_11 : vector<16xf32>
        %swap3A_481 = arith.index_cast %add3A_416 : i32 to index
        %swap3A_482 = arith.constant 96 : index
        %swap3A_483 = tpu.vector_load %arg11[%swap3A_481, %swap3A_482] {strides = array<i32>} : memref<128x128xf32, #tpu.memory_space<vmem>>, vector<1x16xf32>,
        %swap3A_484 = vector.shape_cast %swap3A_483 : vector<1x16xf32> to vector<16xf32>
        %swap3A_485 = vector.shape_cast %mul3A_480 : vector<16xf32> to vector<1x16xf32>
        tpu.vector_store %arg11[%swap3A_481, %swap3A_482], %swap3A_485 {strides = array<i32>} : memref<128x128xf32, #tpu.memory_space<vmem>>, vector<1x16xf32>,
        %get3A_486 = arith.index_cast %add3A_416 : i32 to index
        %get3A_487 = arith.constant 112 : index
        %get3A_488 = tpu.vector_load %arg11[%get3A_486, %get3A_487] {strides = array<i32>} : memref<128x128xf32, #tpu.memory_space<vmem>>, vector<1x16xf32>,
        %get3A_489 = vector.shape_cast %get3A_488 : vector<1x16xf32> to vector<16xf32>
        %mul3A_490 = arith.mulf %get3A_489, %get3A_11 : vector<16xf32>
        %swap3A_491 = arith.index_cast %add3A_416 : i32 to index
        %swap3A_492 = arith.constant 112 : index
        %swap3A_493 = tpu.vector_load %arg11[%swap3A_491, %swap3A_492] {strides = array<i32>} : memref<128x128xf32, #tpu.memory_space<vmem>>, vector<1x16xf32>,
        %swap3A_494 = vector.shape_cast %swap3A_493 : vector<1x16xf32> to vector<16xf32>
        %swap3A_495 = vector.shape_cast %mul3A_490 : vector<16xf32> to vector<1x16xf32>
        tpu.vector_store %arg11[%swap3A_491, %swap3A_492], %swap3A_495 {strides = array<i32>} : memref<128x128xf32, #tpu.memory_space<vmem>>, vector<1x16xf32>,
      }
      %scan3A_350 = arith.constant 128 : i32
      %mul3A_351 = arith.constant 128 : i32
      %mul3A_352 = arith.muli %add3A_339, %mul3A_351 : i32
      %add3A_353 = arith.addi %mul3A_2, %mul3A_352 : i32
      %dma_start3A_354 = arith.constant 0 : i32
      %dma_start3A_355 = tpu.memref_slice %arg6[%add3A_353, %dma_start3A_354] : memref<204800x128xf32, #tpu.memory_space<hbm>> -> memref<128x128xf32, #tpu.memory_space<hbm>>
      %dma_start3A_356 = arith.constant 0 : i32
      %dma_start3A_357 = tpu.memref_slice %arg6[%add3A_353, %dma_start3A_356] : memref<204800x128xf32, #tpu.memory_space<hbm>> -> memref<128x128xf32, #tpu.memory_space<hbm>>
      tpu.enqueue_dma source(%arg11 : memref<128x128xf32, #tpu.memory_space<vmem>>) target(%dma_start3A_357 : memref<128x128xf32, #tpu.memory_space<hbm>>) target_semaphore(%arg17 : memref<!tpu.dma_semaphore, #tpu.memory_space<semaphore_mem>>)
      %sub3A_358 = arith.constant 1 : i32
      %sub3A_359 = arith.subi %add3A_339, %sub3A_358 : i32
      %mul3A_360 = arith.constant 128 : i32
      %mul3A_361 = arith.muli %sub3A_359, %mul3A_360 : i32
      %add3A_362 = arith.addi %mul3A_2, %mul3A_361 : i32
      %dma_wait3A_363 = arith.constant 0 : i32
      %dma_wait3A_364 = tpu.memref_slice %arg6[%add3A_362, %dma_wait3A_363] : memref<204800x128xf32, #tpu.memory_space<hbm>> -> memref<128x128xf32, #tpu.memory_space<hbm>>
      %dma_wait3A_365 = arith.constant 0 : i32
      %dma_wait3A_366 = tpu.memref_slice %arg6[%add3A_362, %dma_wait3A_365] : memref<204800x128xf32, #tpu.memory_space<hbm>> -> memref<128x128xf32, #tpu.memory_space<hbm>>
      tpu.wait_dma2 semaphore(%arg19 : memref<!tpu.dma_semaphore, #tpu.memory_space<semaphore_mem>>) src(%arg13 : memref<128x128xf32, #tpu.memory_space<vmem>>) dst(%dma_wait3A_366 : memref<128x128xf32, #tpu.memory_space<hbm>>)
      %add3A_367 = arith.constant 2 : i32
      %add3A_368 = arith.addi %add3A_339, %add3A_367 : i32
      %mul3A_369 = arith.constant 128 : i32
      %mul3A_370 = arith.muli %add3A_368, %mul3A_369 : i32
      %dma_start3A_371 = tpu.memref_slice %arg8[%mul3A_370] : memref<6400xi32, #tpu.memory_space<vmem>> -> memref<128xi32, #tpu.memory_space<vmem>>
      %dma_start3A_372 = arith.constant 0 : i32
      %dma_start3A_373 = arith.constant 0 : i32
      %dma_start3A_374 = tpu.memref_slice %arg5[%dma_start3A_372, %dma_start3A_373] : memref<100000x128xf32, #tpu.memory_space<hbm>> -> memref<100000x128xf32, #tpu.memory_space<hbm>>
      tpu.enqueue_indirect_dma source(%dma_start3A_374 : memref<100000x128xf32, #tpu.memory_space<hbm>>) target(%arg13 : memref<128x128xf32, #tpu.memory_space<vmem>>) offsets(%dma_start3A_371 : memref<128xi32, #tpu.memory_space<vmem>>) semaphore(%arg16 : memref<!tpu.dma_semaphore, #tpu.memory_space<semaphore_mem>>)
      %add3A_375 = arith.constant 2 : i32
      %add3A_376 = arith.addi %add3A_301, %add3A_375 : i32
      %mul3A_377 = arith.constant 128 : i32
      %mul3A_378 = arith.muli %add3A_376, %mul3A_377 : i32
      %dma_wait3A_379 = tpu.memref_slice %arg8[%mul3A_378] : memref<6400xi32, #tpu.memory_space<vmem>> -> memref<128xi32, #tpu.memory_space<vmem>>
      %dma_wait3A_380 = arith.constant 0 : i32
      %dma_wait3A_381 = arith.constant 0 : i32
      %dma_wait3A_382 = tpu.memref_slice %arg5[%dma_wait3A_380, %dma_wait3A_381] : memref<100000x128xf32, #tpu.memory_space<hbm>> -> memref<100000x128xf32, #tpu.memory_space<hbm>>
      tpu.wait_indirect_dma semaphore(%arg15 : memref<!tpu.dma_semaphore, #tpu.memory_space<semaphore_mem>>) src(%dma_wait3A_382 : memref<100000x128xf32, #tpu.memory_space<hbm>>) dst(%arg12 : memref<128x128xf32, #tpu.memory_space<vmem>>)
      %scan3A_383 = arith.constant 0 : i32
      %scan3A_384 = arith.constant 128 : i32
      %scan3A_385 = arith.addi %scan3A_383, %scan3A_384 : i32
      %scan3A_386 = arith.constant 1 : i32
      scf.for %scan3A_412 = %scan3A_383 to %scan3A_385 step %scan3A_386  : i32 {
        %mul3A_413 = arith.constant 1 : i32
        %mul3A_414 = arith.muli %scan3A_412, %mul3A_413 : i32
        %add3A_415 = arith.constant 0 : i32
        %add3A_416 = arith.addi %add3A_415, %mul3A_414 : i32
        %get3A_417 = arith.index_cast %add3A_416 : i32 to index
        %get3A_418 = arith.constant 0 : index
        %get3A_419 = tpu.vector_load %arg12[%get3A_417, %get3A_418] {strides = array<i32>} : memref<128x128xf32, #tpu.memory_space<vmem>>, vector<1x16xf32>,
        %get3A_420 = vector.shape_cast %get3A_419 : vector<1x16xf32> to vector<16xf32>
        %mul3A_421 = arith.mulf %get3A_420, %get3A_11 : vector<16xf32>
        %swap3A = arith.index_cast %add3A_416 : i32 to index
        %swap3A_422 = arith.constant 0 : index
        %swap3A_423 = tpu.vector_load %arg12[%swap3A, %swap3A_422] {strides = array<i32>} : memref<128x128xf32, #tpu.memory_space<vmem>>, vector<1x16xf32>,
        %swap3A_424 = vector.shape_cast %swap3A_423 : vector<1x16xf32> to vector<16xf32>
        %swap3A_425 = vector.shape_cast %mul3A_421 : vector<16xf32> to vector<1x16xf32>
        tpu.vector_store %arg12[%swap3A, %swap3A_422], %swap3A_425 {strides = array<i32>} : memref<128x128xf32, #tpu.memory_space<vmem>>, vector<1x16xf32>,
        %get3A_426 = arith.index_cast %add3A_416 : i32 to index
        %get3A_427 = arith.constant 16 : index
        %get3A_428 = tpu.vector_load %arg12[%get3A_426, %get3A_427] {strides = array<i32>} : memref<128x128xf32, #tpu.memory_space<vmem>>, vector<1x16xf32>,
        %get3A_429 = vector.shape_cast %get3A_428 : vector<1x16xf32> to vector<16xf32>
        %mul3A_430 = arith.mulf %get3A_429, %get3A_11 : vector<16xf32>
        %swap3A_431 = arith.index_cast %add3A_416 : i32 to index
        %swap3A_432 = arith.constant 16 : index
        %swap3A_433 = tpu.vector_load %arg12[%swap3A_431, %swap3A_432] {strides = array<i32>} : memref<128x128xf32, #tpu.memory_space<vmem>>, vector<1x16xf32>,
        %swap3A_434 = vector.shape_cast %swap3A_433 : vector<1x16xf32> to vector<16xf32>
        %swap3A_435 = vector.shape_cast %mul3A_430 : vector<16xf32> to vector<1x16xf32>
        tpu.vector_store %arg12[%swap3A_431, %swap3A_432], %swap3A_435 {strides = array<i32>} : memref<128x128xf32, #tpu.memory_space<vmem>>, vector<1x16xf32>,
        %get3A_436 = arith.index_cast %add3A_416 : i32 to index
        %get3A_437 = arith.constant 32 : index
        %get3A_438 = tpu.vector_load %arg12[%get3A_436, %get3A_437] {strides = array<i32>} : memref<128x128xf32, #tpu.memory_space<vmem>>, vector<1x16xf32>,
        %get3A_439 = vector.shape_cast %get3A_438 : vector<1x16xf32> to vector<16xf32>
        %mul3A_440 = arith.mulf %get3A_439, %get3A_11 : vector<16xf32>
        %swap3A_441 = arith.index_cast %add3A_416 : i32 to index
        %swap3A_442 = arith.constant 32 : index
        %swap3A_443 = tpu.vector_load %arg12[%swap3A_441, %swap3A_442] {strides = array<i32>} : memref<128x128xf32, #tpu.memory_space<vmem>>, vector<1x16xf32>,
        %swap3A_444 = vector.shape_cast %swap3A_443 : vector<1x16xf32> to vector<16xf32>
        %swap3A_445 = vector.shape_cast %mul3A_440 : vector<16xf32> to vector<1x16xf32>
        tpu.vector_store %arg12[%swap3A_441, %swap3A_442], %swap3A_445 {strides = array<i32>} : memref<128x128xf32, #tpu.memory_space<vmem>>, vector<1x16xf32>,
        %get3A_446 = arith.index_cast %add3A_416 : i32 to index
        %get3A_447 = arith.constant 48 : index
        %get3A_448 = tpu.vector_load %arg12[%get3A_446, %get3A_447] {strides = array<i32>} : memref<128x128xf32, #tpu.memory_space<vmem>>, vector<1x16xf32>,
        %get3A_449 = vector.shape_cast %get3A_448 : vector<1x16xf32> to vector<16xf32>
        %mul3A_450 = arith.mulf %get3A_449, %get3A_11 : vector<16xf32>
        %swap3A_451 = arith.index_cast %add3A_416 : i32 to index
        %swap3A_452 = arith.constant 48 : index
        %swap3A_453 = tpu.vector_load %arg12[%swap3A_451, %swap3A_452] {strides = array<i32>} : memref<128x128xf32, #tpu.memory_space<vmem>>, vector<1x16xf32>,
        %swap3A_454 = vector.shape_cast %swap3A_453 : vector<1x16xf32> to vector<16xf32>
        %swap3A_455 = vector.shape_cast %mul3A_450 : vector<16xf32> to vector<1x16xf32>
        tpu.vector_store %arg12[%swap3A_451, %swap3A_452], %swap3A_455 {strides = array<i32>} : memref<128x128xf32, #tpu.memory_space<vmem>>, vector<1x16xf32>,
        %get3A_456 = arith.index_cast %add3A_416 : i32 to index
        %get3A_457 = arith.constant 64 : index
        %get3A_458 = tpu.vector_load %arg12[%get3A_456, %get3A_457] {strides = array<i32>} : memref<128x128xf32, #tpu.memory_space<vmem>>, vector<1x16xf32>,
        %get3A_459 = vector.shape_cast %get3A_458 : vector<1x16xf32> to vector<16xf32>
        %mul3A_460 = arith.mulf %get3A_459, %get3A_11 : vector<16xf32>
        %swap3A_461 = arith.index_cast %add3A_416 : i32 to index
        %swap3A_462 = arith.constant 64 : index
        %swap3A_463 = tpu.vector_load %arg12[%swap3A_461, %swap3A_462] {strides = array<i32>} : memref<128x128xf32, #tpu.memory_space<vmem>>, vector<1x16xf32>,
        %swap3A_464 = vector.shape_cast %swap3A_463 : vector<1x16xf32> to vector<16xf32>
        %swap3A_465 = vector.shape_cast %mul3A_460 : vector<16xf32> to vector<1x16xf32>
        tpu.vector_store %arg12[%swap3A_461, %swap3A_462], %swap3A_465 {strides = array<i32>} : memref<128x128xf32, #tpu.memory_space<vmem>>, vector<1x16xf32>,
        %get3A_466 = arith.index_cast %add3A_416 : i32 to index
        %get3A_467 = arith.constant 80 : index
        %get3A_468 = tpu.vector_load %arg12[%get3A_466, %get3A_467] {strides = array<i32>} : memref<128x128xf32, #tpu.memory_space<vmem>>, vector<1x16xf32>,
        %get3A_469 = vector.shape_cast %get3A_468 : vector<1x16xf32> to vector<16xf32>
        %mul3A_470 = arith.mulf %get3A_469, %get3A_11 : vector<16xf32>
        %swap3A_471 = arith.index_cast %add3A_416 : i32 to index
        %swap3A_472 = arith.constant 80 : index
        %swap3A_473 = tpu.vector_load %arg12[%swap3A_471, %swap3A_472] {strides = array<i32>} : memref<128x128xf32, #tpu.memory_space<vmem>>, vector<1x16xf32>,
        %swap3A_474 = vector.shape_cast %swap3A_473 : vector<1x16xf32> to vector<16xf32>
        %swap3A_475 = vector.shape_cast %mul3A_470 : vector<16xf32> to vector<1x16xf32>
        tpu.vector_store %arg12[%swap3A_471, %swap3A_472], %swap3A_475 {strides = array<i32>} : memref<128x128xf32, #tpu.memory_space<vmem>>, vector<1x16xf32>,
        %get3A_476 = arith.index_cast %add3A_416 : i32 to index
        %get3A_477 = arith.constant 96 : index
        %get3A_478 = tpu.vector_load %arg12[%get3A_476, %get3A_477] {strides = array<i32>} : memref<128x128xf32, #tpu.memory_space<vmem>>, vector<1x16xf32>,
        %get3A_479 = vector.shape_cast %get3A_478 : vector<1x16xf32> to vector<16xf32>
        %mul3A_480 = arith.mulf %get3A_479, %get3A_11 : vector<16xf32>
        %swap3A_481 = arith.index_cast %add3A_416 : i32 to index
        %swap3A_482 = arith.constant 96 : index
        %swap3A_483 = tpu.vector_load %arg12[%swap3A_481, %swap3A_482] {strides = array<i32>} : memref<128x128xf32, #tpu.memory_space<vmem>>, vector<1x16xf32>,
        %swap3A_484 = vector.shape_cast %swap3A_483 : vector<1x16xf32> to vector<16xf32>
        %swap3A_485 = vector.shape_cast %mul3A_480 : vector<16xf32> to vector<1x16xf32>
        tpu.vector_store %arg12[%swap3A_481, %swap3A_482], %swap3A_485 {strides = array<i32>} : memref<128x128xf32, #tpu.memory_space<vmem>>, vector<1x16xf32>,
        %get3A_486 = arith.index_cast %add3A_416 : i32 to index
        %get3A_487 = arith.constant 112 : index
        %get3A_488 = tpu.vector_load %arg12[%get3A_486, %get3A_487] {strides = array<i32>} : memref<128x128xf32, #tpu.memory_space<vmem>>, vector<1x16xf32>,
        %get3A_489 = vector.shape_cast %get3A_488 : vector<1x16xf32> to vector<16xf32>
        %mul3A_490 = arith.mulf %get3A_489, %get3A_11 : vector<16xf32>
        %swap3A_491 = arith.index_cast %add3A_416 : i32 to index
        %swap3A_492 = arith.constant 112 : index
        %swap3A_493 = tpu.vector_load %arg12[%swap3A_491, %swap3A_492] {strides = array<i32>} : memref<128x128xf32, #tpu.memory_space<vmem>>, vector<1x16xf32>,
        %swap3A_494 = vector.shape_cast %swap3A_493 : vector<1x16xf32> to vector<16xf32>
        %swap3A_495 = vector.shape_cast %mul3A_490 : vector<16xf32> to vector<1x16xf32>
        tpu.vector_store %arg12[%swap3A_491, %swap3A_492], %swap3A_495 {strides = array<i32>} : memref<128x128xf32, #tpu.memory_space<vmem>>, vector<1x16xf32>,
      }
      %scan3A_387 = arith.constant 128 : i32
      %mul3A_388 = arith.constant 128 : i32
      %mul3A_389 = arith.muli %add3A_376, %mul3A_388 : i32
      %add3A_390 = arith.addi %mul3A_2, %mul3A_389 : i32
      %dma_start3A_391 = arith.constant 0 : i32
      %dma_start3A_392 = tpu.memref_slice %arg6[%add3A_390, %dma_start3A_391] : memref<204800x128xf32, #tpu.memory_space<hbm>> -> memref<128x128xf32, #tpu.memory_space<hbm>>
      %dma_start3A_393 = arith.constant 0 : i32
      %dma_start3A_394 = tpu.memref_slice %arg6[%add3A_390, %dma_start3A_393] : memref<204800x128xf32, #tpu.memory_space<hbm>> -> memref<128x128xf32, #tpu.memory_space<hbm>>
      tpu.enqueue_dma source(%arg12 : memref<128x128xf32, #tpu.memory_space<vmem>>) target(%dma_start3A_394 : memref<128x128xf32, #tpu.memory_space<hbm>>) target_semaphore(%arg18 : memref<!tpu.dma_semaphore, #tpu.memory_space<semaphore_mem>>)
      %sub3A_395 = arith.constant 1 : i32
      %sub3A_396 = arith.subi %add3A_376, %sub3A_395 : i32
      %mul3A_397 = arith.constant 128 : i32
      %mul3A_398 = arith.muli %sub3A_396, %mul3A_397 : i32
      %add3A_399 = arith.addi %mul3A_2, %mul3A_398 : i32
      %dma_wait3A_400 = arith.constant 0 : i32
      %dma_wait3A_401 = tpu.memref_slice %arg6[%add3A_399, %dma_wait3A_400] : memref<204800x128xf32, #tpu.memory_space<hbm>> -> memref<128x128xf32, #tpu.memory_space<hbm>>
      %dma_wait3A_402 = arith.constant 0 : i32
      %dma_wait3A_403 = tpu.memref_slice %arg6[%add3A_399, %dma_wait3A_402] : memref<204800x128xf32, #tpu.memory_space<hbm>> -> memref<128x128xf32, #tpu.memory_space<hbm>>
      tpu.wait_dma2 semaphore(%arg17 : memref<!tpu.dma_semaphore, #tpu.memory_space<semaphore_mem>>) src(%arg11 : memref<128x128xf32, #tpu.memory_space<vmem>>) dst(%dma_wait3A_403 : memref<128x128xf32, #tpu.memory_space<hbm>>)
      %add3A_404 = arith.constant 2 : i32
      %add3A_405 = arith.addi %add3A_376, %add3A_404 : i32
      %mul3A_406 = arith.constant 128 : i32
      %mul3A_407 = arith.muli %add3A_405, %mul3A_406 : i32
      %dma_start3A_408 = tpu.memref_slice %arg8[%mul3A_407] : memref<6400xi32, #tpu.memory_space<vmem>> -> memref<128xi32, #tpu.memory_space<vmem>>
      %dma_start3A_409 = arith.constant 0 : i32
      %dma_start3A_410 = arith.constant 0 : i32
      %dma_start3A_411 = tpu.memref_slice %arg5[%dma_start3A_409, %dma_start3A_410] : memref<100000x128xf32, #tpu.memory_space<hbm>> -> memref<100000x128xf32, #tpu.memory_space<hbm>>
      tpu.enqueue_indirect_dma source(%dma_start3A_411 : memref<100000x128xf32, #tpu.memory_space<hbm>>) target(%arg11 : memref<128x128xf32, #tpu.memory_space<vmem>>) offsets(%dma_start3A_408 : memref<128xi32, #tpu.memory_space<vmem>>) semaphore(%arg14 : memref<!tpu.dma_semaphore, #tpu.memory_space<semaphore_mem>>)
    }
    %scan3A_72 = arith.constant 15 : i32
    %dma_wait3A_73 = arith.constant 6016 : i32
    %dma_wait3A_74 = tpu.memref_slice %arg8[%dma_wait3A_73] : memref<6400xi32, #tpu.memory_space<vmem>> -> memref<128xi32, #tpu.memory_space<vmem>>
    %dma_wait3A_75 = arith.constant 0 : i32
    %dma_wait3A_76 = arith.constant 0 : i32
    %dma_wait3A_77 = tpu.memref_slice %arg5[%dma_wait3A_75, %dma_wait3A_76] : memref<100000x128xf32, #tpu.memory_space<hbm>> -> memref<100000x128xf32, #tpu.memory_space<hbm>>
    tpu.wait_indirect_dma semaphore(%arg16 : memref<!tpu.dma_semaphore, #tpu.memory_space<semaphore_mem>>) src(%dma_wait3A_77 : memref<100000x128xf32, #tpu.memory_space<hbm>>) dst(%arg13 : memref<128x128xf32, #tpu.memory_space<vmem>>)
    %scan3A_78 = arith.constant 0 : i32
    %scan3A_79 = arith.constant 128 : i32
    %scan3A_80 = arith.addi %scan3A_78, %scan3A_79 : i32
    %scan3A_81 = arith.constant 1 : i32
    scf.for %scan3A_297 = %scan3A_78 to %scan3A_80 step %scan3A_81  : i32 {
      %mul3A_298 = arith.constant 1 : i32
      %mul3A_299 = arith.muli %scan3A_297, %mul3A_298 : i32
      %add3A_300 = arith.constant 0 : i32
      %add3A_301 = arith.addi %add3A_300, %mul3A_299 : i32
      %get3A_302 = arith.index_cast %add3A_301 : i32 to index
      %get3A_303 = arith.constant 0 : index
      %get3A_304 = tpu.vector_load %arg13[%get3A_302, %get3A_303] {strides = array<i32>} : memref<128x128xf32, #tpu.memory_space<vmem>>, vector<1x16xf32>,
      %get3A_305 = vector.shape_cast %get3A_304 : vector<1x16xf32> to vector<16xf32>
      %mul3A_306 = arith.mulf %get3A_305, %get3A_11 : vector<16xf32>
      %swap3A = arith.index_cast %add3A_301 : i32 to index
      %swap3A_307 = arith.constant 0 : index
      %swap3A_308 = tpu.vector_load %arg13[%swap3A, %swap3A_307] {strides = array<i32>} : memref<128x128xf32, #tpu.memory_space<vmem>>, vector<1x16xf32>,
      %swap3A_309 = vector.shape_cast %swap3A_308 : vector<1x16xf32> to vector<16xf32>
      %swap3A_310 = vector.shape_cast %mul3A_306 : vector<16xf32> to vector<1x16xf32>
      tpu.vector_store %arg13[%swap3A, %swap3A_307], %swap3A_310 {strides = array<i32>} : memref<128x128xf32, #tpu.memory_space<vmem>>, vector<1x16xf32>,
      %get3A_311 = arith.index_cast %add3A_301 : i32 to index
      %get3A_312 = arith.constant 16 : index
      %get3A_313 = tpu.vector_load %arg13[%get3A_311, %get3A_312] {strides = array<i32>} : memref<128x128xf32, #tpu.memory_space<vmem>>, vector<1x16xf32>,
      %get3A_314 = vector.shape_cast %get3A_313 : vector<1x16xf32> to vector<16xf32>
      %mul3A_315 = arith.mulf %get3A_314, %get3A_11 : vector<16xf32>
      %swap3A_316 = arith.index_cast %add3A_301 : i32 to index
      %swap3A_317 = arith.constant 16 : index
      %swap3A_318 = tpu.vector_load %arg13[%swap3A_316, %swap3A_317] {strides = array<i32>} : memref<128x128xf32, #tpu.memory_space<vmem>>, vector<1x16xf32>,
      %swap3A_319 = vector.shape_cast %swap3A_318 : vector<1x16xf32> to vector<16xf32>
      %swap3A_320 = vector.shape_cast %mul3A_315 : vector<16xf32> to vector<1x16xf32>
      tpu.vector_store %arg13[%swap3A_316, %swap3A_317], %swap3A_320 {strides = array<i32>} : memref<128x128xf32, #tpu.memory_space<vmem>>, vector<1x16xf32>,
      %get3A_321 = arith.index_cast %add3A_301 : i32 to index
      %get3A_322 = arith.constant 32 : index
      %get3A_323 = tpu.vector_load %arg13[%get3A_321, %get3A_322] {strides = array<i32>} : memref<128x128xf32, #tpu.memory_space<vmem>>, vector<1x16xf32>,
      %get3A_324 = vector.shape_cast %get3A_323 : vector<1x16xf32> to vector<16xf32>
      %mul3A_325 = arith.mulf %get3A_324, %get3A_11 : vector<16xf32>
      %swap3A_326 = arith.index_cast %add3A_301 : i32 to index
      %swap3A_327 = arith.constant 32 : index
      %swap3A_328 = tpu.vector_load %arg13[%swap3A_326, %swap3A_327] {strides = array<i32>} : memref<128x128xf32, #tpu.memory_space<vmem>>, vector<1x16xf32>,
      %swap3A_329 = vector.shape_cast %swap3A_328 : vector<1x16xf32> to vector<16xf32>
      %swap3A_330 = vector.shape_cast %mul3A_325 : vector<16xf32> to vector<1x16xf32>
      tpu.vector_store %arg13[%swap3A_326, %swap3A_327], %swap3A_330 {strides = array<i32>} : memref<128x128xf32, #tpu.memory_space<vmem>>, vector<1x16xf32>,
      %get3A_331 = arith.index_cast %add3A_301 : i32 to index
      %get3A_332 = arith.constant 48 : index
      %get3A_333 = tpu.vector_load %arg13[%get3A_331, %get3A_332] {strides = array<i32>} : memref<128x128xf32, #tpu.memory_space<vmem>>, vector<1x16xf32>,
      %get3A_334 = vector.shape_cast %get3A_333 : vector<1x16xf32> to vector<16xf32>
      %mul3A_335 = arith.mulf %get3A_334, %get3A_11 : vector<16xf32>
      %swap3A_336 = arith.index_cast %add3A_301 : i32 to index
      %swap3A_337 = arith.constant 48 : index
      %swap3A_338 = tpu.vector_load %arg13[%swap3A_336, %swap3A_337] {strides = array<i32>} : memref<128x128xf32, #tpu.memory_space<vmem>>, vector<1x16xf32>,
      %swap3A_339 = vector.shape_cast %swap3A_338 : vector<1x16xf32> to vector<16xf32>
      %swap3A_340 = vector.shape_cast %mul3A_335 : vector<16xf32> to vector<1x16xf32>
      tpu.vector_store %arg13[%swap3A_336, %swap3A_337], %swap3A_340 {strides = array<i32>} : memref<128x128xf32, #tpu.memory_space<vmem>>, vector<1x16xf32>,
      %get3A_341 = arith.index_cast %add3A_301 : i32 to index
      %get3A_342 = arith.constant 64 : index
      %get3A_343 = tpu.vector_load %arg13[%get3A_341, %get3A_342] {strides = array<i32>} : memref<128x128xf32, #tpu.memory_space<vmem>>, vector<1x16xf32>,
      %get3A_344 = vector.shape_cast %get3A_343 : vector<1x16xf32> to vector<16xf32>
      %mul3A_345 = arith.mulf %get3A_344, %get3A_11 : vector<16xf32>
      %swap3A_346 = arith.index_cast %add3A_301 : i32 to index
      %swap3A_347 = arith.constant 64 : index
      %swap3A_348 = tpu.vector_load %arg13[%swap3A_346, %swap3A_347] {strides = array<i32>} : memref<128x128xf32, #tpu.memory_space<vmem>>, vector<1x16xf32>,
      %swap3A_349 = vector.shape_cast %swap3A_348 : vector<1x16xf32> to vector<16xf32>
      %swap3A_350 = vector.shape_cast %mul3A_345 : vector<16xf32> to vector<1x16xf32>
      tpu.vector_store %arg13[%swap3A_346, %swap3A_347], %swap3A_350 {strides = array<i32>} : memref<128x128xf32, #tpu.memory_space<vmem>>, vector<1x16xf32>,
      %get3A_351 = arith.index_cast %add3A_301 : i32 to index
      %get3A_352 = arith.constant 80 : index
      %get3A_353 = tpu.vector_load %arg13[%get3A_351, %get3A_352] {strides = array<i32>} : memref<128x128xf32, #tpu.memory_space<vmem>>, vector<1x16xf32>,
      %get3A_354 = vector.shape_cast %get3A_353 : vector<1x16xf32> to vector<16xf32>
      %mul3A_355 = arith.mulf %get3A_354, %get3A_11 : vector<16xf32>
      %swap3A_356 = arith.index_cast %add3A_301 : i32 to index
      %swap3A_357 = arith.constant 80 : index
      %swap3A_358 = tpu.vector_load %arg13[%swap3A_356, %swap3A_357] {strides = array<i32>} : memref<128x128xf32, #tpu.memory_space<vmem>>, vector<1x16xf32>,
      %swap3A_359 = vector.shape_cast %swap3A_358 : vector<1x16xf32> to vector<16xf32>
      %swap3A_360 = vector.shape_cast %mul3A_355 : vector<16xf32> to vector<1x16xf32>
      tpu.vector_store %arg13[%swap3A_356, %swap3A_357], %swap3A_360 {strides = array<i32>} : memref<128x128xf32, #tpu.memory_space<vmem>>, vector<1x16xf32>,
      %get3A_361 = arith.index_cast %add3A_301 : i32 to index
      %get3A_362 = arith.constant 96 : index
      %get3A_363 = tpu.vector_load %arg13[%get3A_361, %get3A_362] {strides = array<i32>} : memref<128x128xf32, #tpu.memory_space<vmem>>, vector<1x16xf32>,
      %get3A_364 = vector.shape_cast %get3A_363 : vector<1x16xf32> to vector<16xf32>
      %mul3A_365 = arith.mulf %get3A_364, %get3A_11 : vector<16xf32>
      %swap3A_366 = arith.index_cast %add3A_301 : i32 to index
      %swap3A_367 = arith.constant 96 : index
      %swap3A_368 = tpu.vector_load %arg13[%swap3A_366, %swap3A_367] {strides = array<i32>} : memref<128x128xf32, #tpu.memory_space<vmem>>, vector<1x16xf32>,
      %swap3A_369 = vector.shape_cast %swap3A_368 : vector<1x16xf32> to vector<16xf32>
      %swap3A_370 = vector.shape_cast %mul3A_365 : vector<16xf32> to vector<1x16xf32>
      tpu.vector_store %arg13[%swap3A_366, %swap3A_367], %swap3A_370 {strides = array<i32>} : memref<128x128xf32, #tpu.memory_space<vmem>>, vector<1x16xf32>,
      %get3A_371 = arith.index_cast %add3A_301 : i32 to index
      %get3A_372 = arith.constant 112 : index
      %get3A_373 = tpu.vector_load %arg13[%get3A_371, %get3A_372] {strides = array<i32>} : memref<128x128xf32, #tpu.memory_space<vmem>>, vector<1x16xf32>,
      %get3A_374 = vector.shape_cast %get3A_373 : vector<1x16xf32> to vector<16xf32>
      %mul3A_375 = arith.mulf %get3A_374, %get3A_11 : vector<16xf32>
      %swap3A_376 = arith.index_cast %add3A_301 : i32 to index
      %swap3A_377 = arith.constant 112 : index
      %swap3A_378 = tpu.vector_load %arg13[%swap3A_376, %swap3A_377] {strides = array<i32>} : memref<128x128xf32, #tpu.memory_space<vmem>>, vector<1x16xf32>,
      %swap3A_379 = vector.shape_cast %swap3A_378 : vector<1x16xf32> to vector<16xf32>
      %swap3A_380 = vector.shape_cast %mul3A_375 : vector<16xf32> to vector<1x16xf32>
      tpu.vector_store %arg13[%swap3A_376, %swap3A_377], %swap3A_380 {strides = array<i32>} : memref<128x128xf32, #tpu.memory_space<vmem>>, vector<1x16xf32>,
    }
    %scan3A_82 = arith.constant 128 : i32
    %add3A_83 = arith.constant 6016 : i32
    %add3A_84 = arith.addi %mul3A_2, %add3A_83 : i32
    %dma_start3A_85 = arith.constant 0 : i32
    %dma_start3A_86 = tpu.memref_slice %arg6[%add3A_84, %dma_start3A_85] : memref<204800x128xf32, #tpu.memory_space<hbm>> -> memref<128x128xf32, #tpu.memory_space<hbm>>
    %dma_start3A_87 = arith.constant 0 : i32
    %dma_start3A_88 = tpu.memref_slice %arg6[%add3A_84, %dma_start3A_87] : memref<204800x128xf32, #tpu.memory_space<hbm>> -> memref<128x128xf32, #tpu.memory_space<hbm>>
    tpu.enqueue_dma source(%arg13 : memref<128x128xf32, #tpu.memory_space<vmem>>) target(%dma_start3A_88 : memref<128x128xf32, #tpu.memory_space<hbm>>) target_semaphore(%arg19 : memref<!tpu.dma_semaphore, #tpu.memory_space<semaphore_mem>>)
    %add3A_89 = arith.constant 5888 : i32
    %add3A_90 = arith.addi %mul3A_2, %add3A_89 : i32
    %dma_wait3A_91 = arith.constant 0 : i32
    %dma_wait3A_92 = tpu.memref_slice %arg6[%add3A_90, %dma_wait3A_91] : memref<204800x128xf32, #tpu.memory_space<hbm>> -> memref<128x128xf32, #tpu.memory_space<hbm>>
    %dma_wait3A_93 = arith.constant 0 : i32
    %dma_wait3A_94 = tpu.memref_slice %arg6[%add3A_90, %dma_wait3A_93] : memref<204800x128xf32, #tpu.memory_space<hbm>> -> memref<128x128xf32, #tpu.memory_space<hbm>>
    tpu.wait_dma2 semaphore(%arg18 : memref<!tpu.dma_semaphore, #tpu.memory_space<semaphore_mem>>) src(%arg12 : memref<128x128xf32, #tpu.memory_space<vmem>>) dst(%dma_wait3A_94 : memref<128x128xf32, #tpu.memory_space<hbm>>)
    %dma_start3A_95 = arith.constant 6272 : i32
    %dma_start3A_96 = tpu.memref_slice %arg8[%dma_start3A_95] : memref<6400xi32, #tpu.memory_space<vmem>> -> memref<128xi32, #tpu.memory_space<vmem>>
    %dma_start3A_97 = arith.constant 0 : i32
    %dma_start3A_98 = arith.constant 0 : i32
    %dma_start3A_99 = tpu.memref_slice %arg5[%dma_start3A_97, %dma_start3A_98] : memref<100000x128xf32, #tpu.memory_space<hbm>> -> memref<100000x128xf32, #tpu.memory_space<hbm>>
    tpu.enqueue_indirect_dma source(%dma_start3A_99 : memref<100000x128xf32, #tpu.memory_space<hbm>>) target(%arg12 : memref<128x128xf32, #tpu.memory_space<vmem>>) offsets(%dma_start3A_96 : memref<128xi32, #tpu.memory_space<vmem>>) semaphore(%arg15 : memref<!tpu.dma_semaphore, #tpu.memory_space<semaphore_mem>>)
    %dma_wait3A_100 = arith.constant 6144 : i32
    %dma_wait3A_101 = tpu.memref_slice %arg8[%dma_wait3A_100] : memref<6400xi32, #tpu.memory_space<vmem>> -> memref<128xi32, #tpu.memory_space<vmem>>
    %dma_wait3A_102 = arith.constant 0 : i32
    %dma_wait3A_103 = arith.constant 0 : i32
    %dma_wait3A_104 = tpu.memref_slice %arg5[%dma_wait3A_102, %dma_wait3A_103] : memref<100000x128xf32, #tpu.memory_space<hbm>> -> memref<100000x128xf32, #tpu.memory_space<hbm>>
    tpu.wait_indirect_dma semaphore(%arg14 : memref<!tpu.dma_semaphore, #tpu.memory_space<semaphore_mem>>) src(%dma_wait3A_104 : memref<100000x128xf32, #tpu.memory_space<hbm>>) dst(%arg11 : memref<128x128xf32, #tpu.memory_space<vmem>>)
    %scan3A_105 = arith.constant 0 : i32
    %scan3A_106 = arith.constant 128 : i32
    %scan3A_107 = arith.addi %scan3A_105, %scan3A_106 : i32
    %scan3A_108 = arith.constant 1 : i32
    scf.for %scan3A_297 = %scan3A_105 to %scan3A_107 step %scan3A_108  : i32 {
      %mul3A_298 = arith.constant 1 : i32
      %mul3A_299 = arith.muli %scan3A_297, %mul3A_298 : i32
      %add3A_300 = arith.constant 0 : i32
      %add3A_301 = arith.addi %add3A_300, %mul3A_299 : i32
      %get3A_302 = arith.index_cast %add3A_301 : i32 to index
      %get3A_303 = arith.constant 0 : index
      %get3A_304 = tpu.vector_load %arg11[%get3A_302, %get3A_303] {strides = array<i32>} : memref<128x128xf32, #tpu.memory_space<vmem>>, vector<1x16xf32>,
      %get3A_305 = vector.shape_cast %get3A_304 : vector<1x16xf32> to vector<16xf32>
      %mul3A_306 = arith.mulf %get3A_305, %get3A_11 : vector<16xf32>
      %swap3A = arith.index_cast %add3A_301 : i32 to index
      %swap3A_307 = arith.constant 0 : index
      %swap3A_308 = tpu.vector_load %arg11[%swap3A, %swap3A_307] {strides = array<i32>} : memref<128x128xf32, #tpu.memory_space<vmem>>, vector<1x16xf32>,
      %swap3A_309 = vector.shape_cast %swap3A_308 : vector<1x16xf32> to vector<16xf32>
      %swap3A_310 = vector.shape_cast %mul3A_306 : vector<16xf32> to vector<1x16xf32>
      tpu.vector_store %arg11[%swap3A, %swap3A_307], %swap3A_310 {strides = array<i32>} : memref<128x128xf32, #tpu.memory_space<vmem>>, vector<1x16xf32>,
      %get3A_311 = arith.index_cast %add3A_301 : i32 to index
      %get3A_312 = arith.constant 16 : index
      %get3A_313 = tpu.vector_load %arg11[%get3A_311, %get3A_312] {strides = array<i32>} : memref<128x128xf32, #tpu.memory_space<vmem>>, vector<1x16xf32>,
      %get3A_314 = vector.shape_cast %get3A_313 : vector<1x16xf32> to vector<16xf32>
      %mul3A_315 = arith.mulf %get3A_314, %get3A_11 : vector<16xf32>
      %swap3A_316 = arith.index_cast %add3A_301 : i32 to index
      %swap3A_317 = arith.constant 16 : index
      %swap3A_318 = tpu.vector_load %arg11[%swap3A_316, %swap3A_317] {strides = array<i32>} : memref<128x128xf32, #tpu.memory_space<vmem>>, vector<1x16xf32>,
      %swap3A_319 = vector.shape_cast %swap3A_318 : vector<1x16xf32> to vector<16xf32>
      %swap3A_320 = vector.shape_cast %mul3A_315 : vector<16xf32> to vector<1x16xf32>
      tpu.vector_store %arg11[%swap3A_316, %swap3A_317], %swap3A_320 {strides = array<i32>} : memref<128x128xf32, #tpu.memory_space<vmem>>, vector<1x16xf32>,
      %get3A_321 = arith.index_cast %add3A_301 : i32 to index
      %get3A_322 = arith.constant 32 : index
      %get3A_323 = tpu.vector_load %arg11[%get3A_321, %get3A_322] {strides = array<i32>} : memref<128x128xf32, #tpu.memory_space<vmem>>, vector<1x16xf32>,
      %get3A_324 = vector.shape_cast %get3A_323 : vector<1x16xf32> to vector<16xf32>
      %mul3A_325 = arith.mulf %get3A_324, %get3A_11 : vector<16xf32>
      %swap3A_326 = arith.index_cast %add3A_301 : i32 to index
      %swap3A_327 = arith.constant 32 : index
      %swap3A_328 = tpu.vector_load %arg11[%swap3A_326, %swap3A_327] {strides = array<i32>} : memref<128x128xf32, #tpu.memory_space<vmem>>, vector<1x16xf32>,
      %swap3A_329 = vector.shape_cast %swap3A_328 : vector<1x16xf32> to vector<16xf32>
      %swap3A_330 = vector.shape_cast %mul3A_325 : vector<16xf32> to vector<1x16xf32>
      tpu.vector_store %arg11[%swap3A_326, %swap3A_327], %swap3A_330 {strides = array<i32>} : memref<128x128xf32, #tpu.memory_space<vmem>>, vector<1x16xf32>,
      %get3A_331 = arith.index_cast %add3A_301 : i32 to index
      %get3A_332 = arith.constant 48 : index
      %get3A_333 = tpu.vector_load %arg11[%get3A_331, %get3A_332] {strides = array<i32>} : memref<128x128xf32, #tpu.memory_space<vmem>>, vector<1x16xf32>,
      %get3A_334 = vector.shape_cast %get3A_333 : vector<1x16xf32> to vector<16xf32>
      %mul3A_335 = arith.mulf %get3A_334, %get3A_11 : vector<16xf32>
      %swap3A_336 = arith.index_cast %add3A_301 : i32 to index
      %swap3A_337 = arith.constant 48 : index
      %swap3A_338 = tpu.vector_load %arg11[%swap3A_336, %swap3A_337] {strides = array<i32>} : memref<128x128xf32, #tpu.memory_space<vmem>>, vector<1x16xf32>,
      %swap3A_339 = vector.shape_cast %swap3A_338 : vector<1x16xf32> to vector<16xf32>
      %swap3A_340 = vector.shape_cast %mul3A_335 : vector<16xf32> to vector<1x16xf32>
      tpu.vector_store %arg11[%swap3A_336, %swap3A_337], %swap3A_340 {strides = array<i32>} : memref<128x128xf32, #tpu.memory_space<vmem>>, vector<1x16xf32>,
      %get3A_341 = arith.index_cast %add3A_301 : i32 to index
      %get3A_342 = arith.constant 64 : index
      %get3A_343 = tpu.vector_load %arg11[%get3A_341, %get3A_342] {strides = array<i32>} : memref<128x128xf32, #tpu.memory_space<vmem>>, vector<1x16xf32>,
      %get3A_344 = vector.shape_cast %get3A_343 : vector<1x16xf32> to vector<16xf32>
      %mul3A_345 = arith.mulf %get3A_344, %get3A_11 : vector<16xf32>
      %swap3A_346 = arith.index_cast %add3A_301 : i32 to index
      %swap3A_347 = arith.constant 64 : index
      %swap3A_348 = tpu.vector_load %arg11[%swap3A_346, %swap3A_347] {strides = array<i32>} : memref<128x128xf32, #tpu.memory_space<vmem>>, vector<1x16xf32>,
      %swap3A_349 = vector.shape_cast %swap3A_348 : vector<1x16xf32> to vector<16xf32>
      %swap3A_350 = vector.shape_cast %mul3A_345 : vector<16xf32> to vector<1x16xf32>
      tpu.vector_store %arg11[%swap3A_346, %swap3A_347], %swap3A_350 {strides = array<i32>} : memref<128x128xf32, #tpu.memory_space<vmem>>, vector<1x16xf32>,
      %get3A_351 = arith.index_cast %add3A_301 : i32 to index
      %get3A_352 = arith.constant 80 : index
      %get3A_353 = tpu.vector_load %arg11[%get3A_351, %get3A_352] {strides = array<i32>} : memref<128x128xf32, #tpu.memory_space<vmem>>, vector<1x16xf32>,
      %get3A_354 = vector.shape_cast %get3A_353 : vector<1x16xf32> to vector<16xf32>
      %mul3A_355 = arith.mulf %get3A_354, %get3A_11 : vector<16xf32>
      %swap3A_356 = arith.index_cast %add3A_301 : i32 to index
      %swap3A_357 = arith.constant 80 : index
      %swap3A_358 = tpu.vector_load %arg11[%swap3A_356, %swap3A_357] {strides = array<i32>} : memref<128x128xf32, #tpu.memory_space<vmem>>, vector<1x16xf32>,
      %swap3A_359 = vector.shape_cast %swap3A_358 : vector<1x16xf32> to vector<16xf32>
      %swap3A_360 = vector.shape_cast %mul3A_355 : vector<16xf32> to vector<1x16xf32>
      tpu.vector_store %arg11[%swap3A_356, %swap3A_357], %swap3A_360 {strides = array<i32>} : memref<128x128xf32, #tpu.memory_space<vmem>>, vector<1x16xf32>,
      %get3A_361 = arith.index_cast %add3A_301 : i32 to index
      %get3A_362 = arith.constant 96 : index
      %get3A_363 = tpu.vector_load %arg11[%get3A_361, %get3A_362] {strides = array<i32>} : memref<128x128xf32, #tpu.memory_space<vmem>>, vector<1x16xf32>,
      %get3A_364 = vector.shape_cast %get3A_363 : vector<1x16xf32> to vector<16xf32>
      %mul3A_365 = arith.mulf %get3A_364, %get3A_11 : vector<16xf32>
      %swap3A_366 = arith.index_cast %add3A_301 : i32 to index
      %swap3A_367 = arith.constant 96 : index
      %swap3A_368 = tpu.vector_load %arg11[%swap3A_366, %swap3A_367] {strides = array<i32>} : memref<128x128xf32, #tpu.memory_space<vmem>>, vector<1x16xf32>,
      %swap3A_369 = vector.shape_cast %swap3A_368 : vector<1x16xf32> to vector<16xf32>
      %swap3A_370 = vector.shape_cast %mul3A_365 : vector<16xf32> to vector<1x16xf32>
      tpu.vector_store %arg11[%swap3A_366, %swap3A_367], %swap3A_370 {strides = array<i32>} : memref<128x128xf32, #tpu.memory_space<vmem>>, vector<1x16xf32>,
      %get3A_371 = arith.index_cast %add3A_301 : i32 to index
      %get3A_372 = arith.constant 112 : index
      %get3A_373 = tpu.vector_load %arg11[%get3A_371, %get3A_372] {strides = array<i32>} : memref<128x128xf32, #tpu.memory_space<vmem>>, vector<1x16xf32>,
      %get3A_374 = vector.shape_cast %get3A_373 : vector<1x16xf32> to vector<16xf32>
      %mul3A_375 = arith.mulf %get3A_374, %get3A_11 : vector<16xf32>
      %swap3A_376 = arith.index_cast %add3A_301 : i32 to index
      %swap3A_377 = arith.constant 112 : index
      %swap3A_378 = tpu.vector_load %arg11[%swap3A_376, %swap3A_377] {strides = array<i32>} : memref<128x128xf32, #tpu.memory_space<vmem>>, vector<1x16xf32>,
      %swap3A_379 = vector.shape_cast %swap3A_378 : vector<1x16xf32> to vector<16xf32>
      %swap3A_380 = vector.shape_cast %mul3A_375 : vector<16xf32> to vector<1x16xf32>
      tpu.vector_store %arg11[%swap3A_376, %swap3A_377], %swap3A_380 {strides = array<i32>} : memref<128x128xf32, #tpu.memory_space<vmem>>, vector<1x16xf32>,
    }
    %scan3A_109 = arith.constant 128 : i32
    %add3A_110 = arith.constant 6144 : i32
    %add3A_111 = arith.addi %mul3A_2, %add3A_110 : i32
    %dma_start3A_112 = arith.constant 0 : i32
    %dma_start3A_113 = tpu.memref_slice %arg6[%add3A_111, %dma_start3A_112] : memref<204800x128xf32, #tpu.memory_space<hbm>> -> memref<128x128xf32, #tpu.memory_space<hbm>>
    %dma_start3A_114 = arith.constant 0 : i32
    %dma_start3A_115 = tpu.memref_slice %arg6[%add3A_111, %dma_start3A_114] : memref<204800x128xf32, #tpu.memory_space<hbm>> -> memref<128x128xf32, #tpu.memory_space<hbm>>
    tpu.enqueue_dma source(%arg11 : memref<128x128xf32, #tpu.memory_space<vmem>>) target(%dma_start3A_115 : memref<128x128xf32, #tpu.memory_space<hbm>>) target_semaphore(%arg17 : memref<!tpu.dma_semaphore, #tpu.memory_space<semaphore_mem>>)
    %add3A_116 = arith.constant 6016 : i32
    %add3A_117 = arith.addi %mul3A_2, %add3A_116 : i32
    %dma_wait3A_118 = arith.constant 0 : i32
    %dma_wait3A_119 = tpu.memref_slice %arg6[%add3A_117, %dma_wait3A_118] : memref<204800x128xf32, #tpu.memory_space<hbm>> -> memref<128x128xf32, #tpu.memory_space<hbm>>
    %dma_wait3A_120 = arith.constant 0 : i32
    %dma_wait3A_121 = tpu.memref_slice %arg6[%add3A_117, %dma_wait3A_120] : memref<204800x128xf32, #tpu.memory_space<hbm>> -> memref<128x128xf32, #tpu.memory_space<hbm>>
    tpu.wait_dma2 semaphore(%arg19 : memref<!tpu.dma_semaphore, #tpu.memory_space<semaphore_mem>>) src(%arg13 : memref<128x128xf32, #tpu.memory_space<vmem>>) dst(%dma_wait3A_121 : memref<128x128xf32, #tpu.memory_space<hbm>>)
    %dma_wait3A_122 = arith.constant 6272 : i32
    %dma_wait3A_123 = tpu.memref_slice %arg8[%dma_wait3A_122] : memref<6400xi32, #tpu.memory_space<vmem>> -> memref<128xi32, #tpu.memory_space<vmem>>
    %dma_wait3A_124 = arith.constant 0 : i32
    %dma_wait3A_125 = arith.constant 0 : i32
    %dma_wait3A_126 = tpu.memref_slice %arg5[%dma_wait3A_124, %dma_wait3A_125] : memref<100000x128xf32, #tpu.memory_space<hbm>> -> memref<100000x128xf32, #tpu.memory_space<hbm>>
    tpu.wait_indirect_dma semaphore(%arg15 : memref<!tpu.dma_semaphore, #tpu.memory_space<semaphore_mem>>) src(%dma_wait3A_126 : memref<100000x128xf32, #tpu.memory_space<hbm>>) dst(%arg12 : memref<128x128xf32, #tpu.memory_space<vmem>>)
    %scan3A_127 = arith.constant 0 : i32
    %scan3A_128 = arith.constant 128 : i32
    %scan3A_129 = arith.addi %scan3A_127, %scan3A_128 : i32
    %scan3A_130 = arith.constant 1 : i32
    scf.for %scan3A_297 = %scan3A_127 to %scan3A_129 step %scan3A_130  : i32 {
      %mul3A_298 = arith.constant 1 : i32
      %mul3A_299 = arith.muli %scan3A_297, %mul3A_298 : i32
      %add3A_300 = arith.constant 0 : i32
      %add3A_301 = arith.addi %add3A_300, %mul3A_299 : i32
      %get3A_302 = arith.index_cast %add3A_301 : i32 to index
      %get3A_303 = arith.constant 0 : index
      %get3A_304 = tpu.vector_load %arg12[%get3A_302, %get3A_303] {strides = array<i32>} : memref<128x128xf32, #tpu.memory_space<vmem>>, vector<1x16xf32>,
      %get3A_305 = vector.shape_cast %get3A_304 : vector<1x16xf32> to vector<16xf32>
      %mul3A_306 = arith.mulf %get3A_305, %get3A_11 : vector<16xf32>
      %swap3A = arith.index_cast %add3A_301 : i32 to index
      %swap3A_307 = arith.constant 0 : index
      %swap3A_308 = tpu.vector_load %arg12[%swap3A, %swap3A_307] {strides = array<i32>} : memref<128x128xf32, #tpu.memory_space<vmem>>, vector<1x16xf32>,
      %swap3A_309 = vector.shape_cast %swap3A_308 : vector<1x16xf32> to vector<16xf32>
      %swap3A_310 = vector.shape_cast %mul3A_306 : vector<16xf32> to vector<1x16xf32>
      tpu.vector_store %arg12[%swap3A, %swap3A_307], %swap3A_310 {strides = array<i32>} : memref<128x128xf32, #tpu.memory_space<vmem>>, vector<1x16xf32>,
      %get3A_311 = arith.index_cast %add3A_301 : i32 to index
      %get3A_312 = arith.constant 16 : index
      %get3A_313 = tpu.vector_load %arg12[%get3A_311, %get3A_312] {strides = array<i32>} : memref<128x128xf32, #tpu.memory_space<vmem>>, vector<1x16xf32>,
      %get3A_314 = vector.shape_cast %get3A_313 : vector<1x16xf32> to vector<16xf32>
      %mul3A_315 = arith.mulf %get3A_314, %get3A_11 : vector<16xf32>
      %swap3A_316 = arith.index_cast %add3A_301 : i32 to index
      %swap3A_317 = arith.constant 16 : index
      %swap3A_318 = tpu.vector_load %arg12[%swap3A_316, %swap3A_317] {strides = array<i32>} : memref<128x128xf32, #tpu.memory_space<vmem>>, vector<1x16xf32>,
      %swap3A_319 = vector.shape_cast %swap3A_318 : vector<1x16xf32> to vector<16xf32>
      %swap3A_320 = vector.shape_cast %mul3A_315 : vector<16xf32> to vector<1x16xf32>
      tpu.vector_store %arg12[%swap3A_316, %swap3A_317], %swap3A_320 {strides = array<i32>} : memref<128x128xf32, #tpu.memory_space<vmem>>, vector<1x16xf32>,
      %get3A_321 = arith.index_cast %add3A_301 : i32 to index
      %get3A_322 = arith.constant 32 : index
      %get3A_323 = tpu.vector_load %arg12[%get3A_321, %get3A_322] {strides = array<i32>} : memref<128x128xf32, #tpu.memory_space<vmem>>, vector<1x16xf32>,
      %get3A_324 = vector.shape_cast %get3A_323 : vector<1x16xf32> to vector<16xf32>
      %mul3A_325 = arith.mulf %get3A_324, %get3A_11 : vector<16xf32>
      %swap3A_326 = arith.index_cast %add3A_301 : i32 to index
      %swap3A_327 = arith.constant 32 : index
      %swap3A_328 = tpu.vector_load %arg12[%swap3A_326, %swap3A_327] {strides = array<i32>} : memref<128x128xf32, #tpu.memory_space<vmem>>, vector<1x16xf32>,
      %swap3A_329 = vector.shape_cast %swap3A_328 : vector<1x16xf32> to vector<16xf32>
      %swap3A_330 = vector.shape_cast %mul3A_325 : vector<16xf32> to vector<1x16xf32>
      tpu.vector_store %arg12[%swap3A_326, %swap3A_327], %swap3A_330 {strides = array<i32>} : memref<128x128xf32, #tpu.memory_space<vmem>>, vector<1x16xf32>,
      %get3A_331 = arith.index_cast %add3A_301 : i32 to index
      %get3A_332 = arith.constant 48 : index
      %get3A_333 = tpu.vector_load %arg12[%get3A_331, %get3A_332] {strides = array<i32>} : memref<128x128xf32, #tpu.memory_space<vmem>>, vector<1x16xf32>,
      %get3A_334 = vector.shape_cast %get3A_333 : vector<1x16xf32> to vector<16xf32>
      %mul3A_335 = arith.mulf %get3A_334, %get3A_11 : vector<16xf32>
      %swap3A_336 = arith.index_cast %add3A_301 : i32 to index
      %swap3A_337 = arith.constant 48 : index
      %swap3A_338 = tpu.vector_load %arg12[%swap3A_336, %swap3A_337] {strides = array<i32>} : memref<128x128xf32, #tpu.memory_space<vmem>>, vector<1x16xf32>,
      %swap3A_339 = vector.shape_cast %swap3A_338 : vector<1x16xf32> to vector<16xf32>
      %swap3A_340 = vector.shape_cast %mul3A_335 : vector<16xf32> to vector<1x16xf32>
      tpu.vector_store %arg12[%swap3A_336, %swap3A_337], %swap3A_340 {strides = array<i32>} : memref<128x128xf32, #tpu.memory_space<vmem>>, vector<1x16xf32>,
      %get3A_341 = arith.index_cast %add3A_301 : i32 to index
      %get3A_342 = arith.constant 64 : index
      %get3A_343 = tpu.vector_load %arg12[%get3A_341, %get3A_342] {strides = array<i32>} : memref<128x128xf32, #tpu.memory_space<vmem>>, vector<1x16xf32>,
      %get3A_344 = vector.shape_cast %get3A_343 : vector<1x16xf32> to vector<16xf32>
      %mul3A_345 = arith.mulf %get3A_344, %get3A_11 : vector<16xf32>
      %swap3A_346 = arith.index_cast %add3A_301 : i32 to index
      %swap3A_347 = arith.constant 64 : index
      %swap3A_348 = tpu.vector_load %arg12[%swap3A_346, %swap3A_347] {strides = array<i32>} : memref<128x128xf32, #tpu.memory_space<vmem>>, vector<1x16xf32>,
      %swap3A_349 = vector.shape_cast %swap3A_348 : vector<1x16xf32> to vector<16xf32>
      %swap3A_350 = vector.shape_cast %mul3A_345 : vector<16xf32> to vector<1x16xf32>
      tpu.vector_store %arg12[%swap3A_346, %swap3A_347], %swap3A_350 {strides = array<i32>} : memref<128x128xf32, #tpu.memory_space<vmem>>, vector<1x16xf32>,
      %get3A_351 = arith.index_cast %add3A_301 : i32 to index
      %get3A_352 = arith.constant 80 : index
      %get3A_353 = tpu.vector_load %arg12[%get3A_351, %get3A_352] {strides = array<i32>} : memref<128x128xf32, #tpu.memory_space<vmem>>, vector<1x16xf32>,
      %get3A_354 = vector.shape_cast %get3A_353 : vector<1x16xf32> to vector<16xf32>
      %mul3A_355 = arith.mulf %get3A_354, %get3A_11 : vector<16xf32>
      %swap3A_356 = arith.index_cast %add3A_301 : i32 to index
      %swap3A_357 = arith.constant 80 : index
      %swap3A_358 = tpu.vector_load %arg12[%swap3A_356, %swap3A_357] {strides = array<i32>} : memref<128x128xf32, #tpu.memory_space<vmem>>, vector<1x16xf32>,
      %swap3A_359 = vector.shape_cast %swap3A_358 : vector<1x16xf32> to vector<16xf32>
      %swap3A_360 = vector.shape_cast %mul3A_355 : vector<16xf32> to vector<1x16xf32>
      tpu.vector_store %arg12[%swap3A_356, %swap3A_357], %swap3A_360 {strides = array<i32>} : memref<128x128xf32, #tpu.memory_space<vmem>>, vector<1x16xf32>,
      %get3A_361 = arith.index_cast %add3A_301 : i32 to index
      %get3A_362 = arith.constant 96 : index
      %get3A_363 = tpu.vector_load %arg12[%get3A_361, %get3A_362] {strides = array<i32>} : memref<128x128xf32, #tpu.memory_space<vmem>>, vector<1x16xf32>,
      %get3A_364 = vector.shape_cast %get3A_363 : vector<1x16xf32> to vector<16xf32>
      %mul3A_365 = arith.mulf %get3A_364, %get3A_11 : vector<16xf32>
      %swap3A_366 = arith.index_cast %add3A_301 : i32 to index
      %swap3A_367 = arith.constant 96 : index
      %swap3A_368 = tpu.vector_load %arg12[%swap3A_366, %swap3A_367] {strides = array<i32>} : memref<128x128xf32, #tpu.memory_space<vmem>>, vector<1x16xf32>,
      %swap3A_369 = vector.shape_cast %swap3A_368 : vector<1x16xf32> to vector<16xf32>
      %swap3A_370 = vector.shape_cast %mul3A_365 : vector<16xf32> to vector<1x16xf32>
      tpu.vector_store %arg12[%swap3A_366, %swap3A_367], %swap3A_370 {strides = array<i32>} : memref<128x128xf32, #tpu.memory_space<vmem>>, vector<1x16xf32>,
      %get3A_371 = arith.index_cast %add3A_301 : i32 to index
      %get3A_372 = arith.constant 112 : index
      %get3A_373 = tpu.vector_load %arg12[%get3A_371, %get3A_372] {strides = array<i32>} : memref<128x128xf32, #tpu.memory_space<vmem>>, vector<1x16xf32>,
      %get3A_374 = vector.shape_cast %get3A_373 : vector<1x16xf32> to vector<16xf32>
      %mul3A_375 = arith.mulf %get3A_374, %get3A_11 : vector<16xf32>
      %swap3A_376 = arith.index_cast %add3A_301 : i32 to index
      %swap3A_377 = arith.constant 112 : index
      %swap3A_378 = tpu.vector_load %arg12[%swap3A_376, %swap3A_377] {strides = array<i32>} : memref<128x128xf32, #tpu.memory_space<vmem>>, vector<1x16xf32>,
      %swap3A_379 = vector.shape_cast %swap3A_378 : vector<1x16xf32> to vector<16xf32>
      %swap3A_380 = vector.shape_cast %mul3A_375 : vector<16xf32> to vector<1x16xf32>
      tpu.vector_store %arg12[%swap3A_376, %swap3A_377], %swap3A_380 {strides = array<i32>} : memref<128x128xf32, #tpu.memory_space<vmem>>, vector<1x16xf32>,
    }
    %scan3A_131 = arith.constant 128 : i32
    %add3A_132 = arith.constant 6272 : i32
    %add3A_133 = arith.addi %mul3A_2, %add3A_132 : i32
    %dma_start3A_134 = arith.constant 0 : i32
    %dma_start3A_135 = tpu.memref_slice %arg6[%add3A_133, %dma_start3A_134] : memref<204800x128xf32, #tpu.memory_space<hbm>> -> memref<128x128xf32, #tpu.memory_space<hbm>>
    %dma_start3A_136 = arith.constant 0 : i32
    %dma_start3A_137 = tpu.memref_slice %arg6[%add3A_133, %dma_start3A_136] : memref<204800x128xf32, #tpu.memory_space<hbm>> -> memref<128x128xf32, #tpu.memory_space<hbm>>
    tpu.enqueue_dma source(%arg12 : memref<128x128xf32, #tpu.memory_space<vmem>>) target(%dma_start3A_137 : memref<128x128xf32, #tpu.memory_space<hbm>>) target_semaphore(%arg18 : memref<!tpu.dma_semaphore, #tpu.memory_space<semaphore_mem>>)
    %add3A_138 = arith.constant 6144 : i32
    %add3A_139 = arith.addi %mul3A_2, %add3A_138 : i32
    %dma_wait3A_140 = arith.constant 0 : i32
    %dma_wait3A_141 = tpu.memref_slice %arg6[%add3A_139, %dma_wait3A_140] : memref<204800x128xf32, #tpu.memory_space<hbm>> -> memref<128x128xf32, #tpu.memory_space<hbm>>
    %dma_wait3A_142 = arith.constant 0 : i32
    %dma_wait3A_143 = tpu.memref_slice %arg6[%add3A_139, %dma_wait3A_142] : memref<204800x128xf32, #tpu.memory_space<hbm>> -> memref<128x128xf32, #tpu.memory_space<hbm>>
    tpu.wait_dma2 semaphore(%arg17 : memref<!tpu.dma_semaphore, #tpu.memory_space<semaphore_mem>>) src(%arg11 : memref<128x128xf32, #tpu.memory_space<vmem>>) dst(%dma_wait3A_143 : memref<128x128xf32, #tpu.memory_space<hbm>>)
    %add3A_144 = arith.constant 6272 : i32
    %add3A_145 = arith.addi %mul3A_2, %add3A_144 : i32
    %dma_wait3A_146 = arith.constant 0 : i32
    %dma_wait3A_147 = tpu.memref_slice %arg6[%add3A_145, %dma_wait3A_146] : memref<204800x128xf32, #tpu.memory_space<hbm>> -> memref<128x128xf32, #tpu.memory_space<hbm>>
    %dma_wait3A_148 = arith.constant 0 : i32
    %dma_wait3A_149 = tpu.memref_slice %arg6[%add3A_145, %dma_wait3A_148] : memref<204800x128xf32, #tpu.memory_space<hbm>> -> memref<128x128xf32, #tpu.memory_space<hbm>>
    tpu.wait_dma2 semaphore(%arg18 : memref<!tpu.dma_semaphore, #tpu.memory_space<semaphore_mem>>) src(%arg12 : memref<128x128xf32, #tpu.memory_space<vmem>>) dst(%dma_wait3A_149 : memref<128x128xf32, #tpu.memory_space<hbm>>)
    %dma_wait3A_150 = tpu.memref_slice %arg3[%mul3A_6] : memref<204800xi32, #tpu.memory_space<hbm>> -> memref<6400xi32, #tpu.memory_space<hbm>>
    %dma_wait3A_151 = tpu.memref_slice %arg3[%mul3A_6] : memref<204800xi32, #tpu.memory_space<hbm>> -> memref<6400xi32, #tpu.memory_space<hbm>>
    tpu.wait_dma2 semaphore(%arg20 : memref<!tpu.dma_semaphore, #tpu.memory_space<semaphore_mem>>) src(%dma_wait3A_151 : memref<6400xi32, #tpu.memory_space<hbm>>) dst(%arg9 : memref<6400xi32, #tpu.memory_space<vmem>>)
    %get3A_152 = arith.constant 1 : i32
    %get3A_153 = arith.index_cast %get3A_152 : i32 to index
    %get3A_154 = arith.constant 0 : index
    %get3A_155 = tpu.vector_load %arg10[%get3A_153, %get3A_154] {strides = array<i32>} : memref<2x16xf32, #tpu.memory_space<vmem>>, vector<1x16xf32>,
    %get3A_156 = vector.shape_cast %get3A_155 : vector<1x16xf32> to vector<16xf32>
    %dma_start3A_157 = arith.constant 0 : i32
    %dma_start3A_158 = tpu.memref_slice %arg9[%dma_start3A_157] : memref<6400xi32, #tpu.memory_space<vmem>> -> memref<128xi32, #tpu.memory_space<vmem>>
    %dma_start3A_159 = arith.constant 0 : i32
    %dma_start3A_160 = arith.constant 0 : i32
    %dma_start3A_161 = tpu.memref_slice %arg5[%dma_start3A_159, %dma_start3A_160] : memref<100000x128xf32, #tpu.memory_space<hbm>> -> memref<100000x128xf32, #tpu.memory_space<hbm>>
    tpu.enqueue_indirect_dma source(%dma_start3A_161 : memref<100000x128xf32, #tpu.memory_space<hbm>>) target(%arg11 : memref<128x128xf32, #tpu.memory_space<vmem>>) offsets(%dma_start3A_158 : memref<128xi32, #tpu.memory_space<vmem>>) semaphore(%arg14 : memref<!tpu.dma_semaphore, #tpu.memory_space<semaphore_mem>>)
    %dma_start3A_162 = arith.constant 128 : i32
    %dma_start3A_163 = tpu.memref_slice %arg9[%dma_start3A_162] : memref<6400xi32, #tpu.memory_space<vmem>> -> memref<128xi32, #tpu.memory_space<vmem>>
    %dma_start3A_164 = arith.constant 0 : i32
    %dma_start3A_165 = arith.constant 0 : i32
    %dma_start3A_166 = tpu.memref_slice %arg5[%dma_start3A_164, %dma_start3A_165] : memref<100000x128xf32, #tpu.memory_space<hbm>> -> memref<100000x128xf32, #tpu.memory_space<hbm>>
    tpu.enqueue_indirect_dma source(%dma_start3A_166 : memref<100000x128xf32, #tpu.memory_space<hbm>>) target(%arg12 : memref<128x128xf32, #tpu.memory_space<vmem>>) offsets(%dma_start3A_163 : memref<128xi32, #tpu.memory_space<vmem>>) semaphore(%arg15 : memref<!tpu.dma_semaphore, #tpu.memory_space<semaphore_mem>>)
    %dma_wait3A_167 = arith.constant 0 : i32
    %dma_wait3A_168 = tpu.memref_slice %arg9[%dma_wait3A_167] : memref<6400xi32, #tpu.memory_space<vmem>> -> memref<128xi32, #tpu.memory_space<vmem>>
    %dma_wait3A_169 = arith.constant 0 : i32
    %dma_wait3A_170 = arith.constant 0 : i32
    %dma_wait3A_171 = tpu.memref_slice %arg5[%dma_wait3A_169, %dma_wait3A_170] : memref<100000x128xf32, #tpu.memory_space<hbm>> -> memref<100000x128xf32, #tpu.memory_space<hbm>>
    tpu.wait_indirect_dma semaphore(%arg14 : memref<!tpu.dma_semaphore, #tpu.memory_space<semaphore_mem>>) src(%dma_wait3A_171 : memref<100000x128xf32, #tpu.memory_space<hbm>>) dst(%arg11 : memref<128x128xf32, #tpu.memory_space<vmem>>)
    %scan3A_172 = arith.constant 0 : i32
    %scan3A_173 = arith.constant 128 : i32
    %scan3A_174 = arith.addi %scan3A_172, %scan3A_173 : i32
    %scan3A_175 = arith.constant 1 : i32
    scf.for %scan3A_297 = %scan3A_172 to %scan3A_174 step %scan3A_175  : i32 {
      %mul3A_298 = arith.constant 1 : i32
      %mul3A_299 = arith.muli %scan3A_297, %mul3A_298 : i32
      %add3A_300 = arith.constant 0 : i32
      %add3A_301 = arith.addi %add3A_300, %mul3A_299 : i32
      %get3A_302 = arith.index_cast %add3A_301 : i32 to index
      %get3A_303 = arith.constant 0 : index
      %get3A_304 = tpu.vector_load %arg11[%get3A_302, %get3A_303] {strides = array<i32>} : memref<128x128xf32, #tpu.memory_space<vmem>>, vector<1x16xf32>,
      %get3A_305 = vector.shape_cast %get3A_304 : vector<1x16xf32> to vector<16xf32>
      %mul3A_306 = arith.mulf %get3A_305, %get3A_156 : vector<16xf32>
      %swap3A = arith.index_cast %add3A_301 : i32 to index
      %swap3A_307 = arith.constant 0 : index
      %swap3A_308 = tpu.vector_load %arg11[%swap3A, %swap3A_307] {strides = array<i32>} : memref<128x128xf32, #tpu.memory_space<vmem>>, vector<1x16xf32>,
      %swap3A_309 = vector.shape_cast %swap3A_308 : vector<1x16xf32> to vector<16xf32>
      %swap3A_310 = vector.shape_cast %mul3A_306 : vector<16xf32> to vector<1x16xf32>
      tpu.vector_store %arg11[%swap3A, %swap3A_307], %swap3A_310 {strides = array<i32>} : memref<128x128xf32, #tpu.memory_space<vmem>>, vector<1x16xf32>,
      %get3A_311 = arith.index_cast %add3A_301 : i32 to index
      %get3A_312 = arith.constant 16 : index
      %get3A_313 = tpu.vector_load %arg11[%get3A_311, %get3A_312] {strides = array<i32>} : memref<128x128xf32, #tpu.memory_space<vmem>>, vector<1x16xf32>,
      %get3A_314 = vector.shape_cast %get3A_313 : vector<1x16xf32> to vector<16xf32>
      %mul3A_315 = arith.mulf %get3A_314, %get3A_156 : vector<16xf32>
      %swap3A_316 = arith.index_cast %add3A_301 : i32 to index
      %swap3A_317 = arith.constant 16 : index
      %swap3A_318 = tpu.vector_load %arg11[%swap3A_316, %swap3A_317] {strides = array<i32>} : memref<128x128xf32, #tpu.memory_space<vmem>>, vector<1x16xf32>,
      %swap3A_319 = vector.shape_cast %swap3A_318 : vector<1x16xf32> to vector<16xf32>
      %swap3A_320 = vector.shape_cast %mul3A_315 : vector<16xf32> to vector<1x16xf32>
      tpu.vector_store %arg11[%swap3A_316, %swap3A_317], %swap3A_320 {strides = array<i32>} : memref<128x128xf32, #tpu.memory_space<vmem>>, vector<1x16xf32>,
      %get3A_321 = arith.index_cast %add3A_301 : i32 to index
      %get3A_322 = arith.constant 32 : index
      %get3A_323 = tpu.vector_load %arg11[%get3A_321, %get3A_322] {strides = array<i32>} : memref<128x128xf32, #tpu.memory_space<vmem>>, vector<1x16xf32>,
      %get3A_324 = vector.shape_cast %get3A_323 : vector<1x16xf32> to vector<16xf32>
      %mul3A_325 = arith.mulf %get3A_324, %get3A_156 : vector<16xf32>
      %swap3A_326 = arith.index_cast %add3A_301 : i32 to index
      %swap3A_327 = arith.constant 32 : index
      %swap3A_328 = tpu.vector_load %arg11[%swap3A_326, %swap3A_327] {strides = array<i32>} : memref<128x128xf32, #tpu.memory_space<vmem>>, vector<1x16xf32>,
      %swap3A_329 = vector.shape_cast %swap3A_328 : vector<1x16xf32> to vector<16xf32>
      %swap3A_330 = vector.shape_cast %mul3A_325 : vector<16xf32> to vector<1x16xf32>
      tpu.vector_store %arg11[%swap3A_326, %swap3A_327], %swap3A_330 {strides = array<i32>} : memref<128x128xf32, #tpu.memory_space<vmem>>, vector<1x16xf32>,
      %get3A_331 = arith.index_cast %add3A_301 : i32 to index
      %get3A_332 = arith.constant 48 : index
      %get3A_333 = tpu.vector_load %arg11[%get3A_331, %get3A_332] {strides = array<i32>} : memref<128x128xf32, #tpu.memory_space<vmem>>, vector<1x16xf32>,
      %get3A_334 = vector.shape_cast %get3A_333 : vector<1x16xf32> to vector<16xf32>
      %mul3A_335 = arith.mulf %get3A_334, %get3A_156 : vector<16xf32>
      %swap3A_336 = arith.index_cast %add3A_301 : i32 to index
      %swap3A_337 = arith.constant 48 : index
      %swap3A_338 = tpu.vector_load %arg11[%swap3A_336, %swap3A_337] {strides = array<i32>} : memref<128x128xf32, #tpu.memory_space<vmem>>, vector<1x16xf32>,
      %swap3A_339 = vector.shape_cast %swap3A_338 : vector<1x16xf32> to vector<16xf32>
      %swap3A_340 = vector.shape_cast %mul3A_335 : vector<16xf32> to vector<1x16xf32>
      tpu.vector_store %arg11[%swap3A_336, %swap3A_337], %swap3A_340 {strides = array<i32>} : memref<128x128xf32, #tpu.memory_space<vmem>>, vector<1x16xf32>,
      %get3A_341 = arith.index_cast %add3A_301 : i32 to index
      %get3A_342 = arith.constant 64 : index
      %get3A_343 = tpu.vector_load %arg11[%get3A_341, %get3A_342] {strides = array<i32>} : memref<128x128xf32, #tpu.memory_space<vmem>>, vector<1x16xf32>,
      %get3A_344 = vector.shape_cast %get3A_343 : vector<1x16xf32> to vector<16xf32>
      %mul3A_345 = arith.mulf %get3A_344, %get3A_156 : vector<16xf32>
      %swap3A_346 = arith.index_cast %add3A_301 : i32 to index
      %swap3A_347 = arith.constant 64 : index
      %swap3A_348 = tpu.vector_load %arg11[%swap3A_346, %swap3A_347] {strides = array<i32>} : memref<128x128xf32, #tpu.memory_space<vmem>>, vector<1x16xf32>,
      %swap3A_349 = vector.shape_cast %swap3A_348 : vector<1x16xf32> to vector<16xf32>
      %swap3A_350 = vector.shape_cast %mul3A_345 : vector<16xf32> to vector<1x16xf32>
      tpu.vector_store %arg11[%swap3A_346, %swap3A_347], %swap3A_350 {strides = array<i32>} : memref<128x128xf32, #tpu.memory_space<vmem>>, vector<1x16xf32>,
      %get3A_351 = arith.index_cast %add3A_301 : i32 to index
      %get3A_352 = arith.constant 80 : index
      %get3A_353 = tpu.vector_load %arg11[%get3A_351, %get3A_352] {strides = array<i32>} : memref<128x128xf32, #tpu.memory_space<vmem>>, vector<1x16xf32>,
      %get3A_354 = vector.shape_cast %get3A_353 : vector<1x16xf32> to vector<16xf32>
      %mul3A_355 = arith.mulf %get3A_354, %get3A_156 : vector<16xf32>
      %swap3A_356 = arith.index_cast %add3A_301 : i32 to index
      %swap3A_357 = arith.constant 80 : index
      %swap3A_358 = tpu.vector_load %arg11[%swap3A_356, %swap3A_357] {strides = array<i32>} : memref<128x128xf32, #tpu.memory_space<vmem>>, vector<1x16xf32>,
      %swap3A_359 = vector.shape_cast %swap3A_358 : vector<1x16xf32> to vector<16xf32>
      %swap3A_360 = vector.shape_cast %mul3A_355 : vector<16xf32> to vector<1x16xf32>
      tpu.vector_store %arg11[%swap3A_356, %swap3A_357], %swap3A_360 {strides = array<i32>} : memref<128x128xf32, #tpu.memory_space<vmem>>, vector<1x16xf32>,
      %get3A_361 = arith.index_cast %add3A_301 : i32 to index
      %get3A_362 = arith.constant 96 : index
      %get3A_363 = tpu.vector_load %arg11[%get3A_361, %get3A_362] {strides = array<i32>} : memref<128x128xf32, #tpu.memory_space<vmem>>, vector<1x16xf32>,
      %get3A_364 = vector.shape_cast %get3A_363 : vector<1x16xf32> to vector<16xf32>
      %mul3A_365 = arith.mulf %get3A_364, %get3A_156 : vector<16xf32>
      %swap3A_366 = arith.index_cast %add3A_301 : i32 to index
      %swap3A_367 = arith.constant 96 : index
      %swap3A_368 = tpu.vector_load %arg11[%swap3A_366, %swap3A_367] {strides = array<i32>} : memref<128x128xf32, #tpu.memory_space<vmem>>, vector<1x16xf32>,
      %swap3A_369 = vector.shape_cast %swap3A_368 : vector<1x16xf32> to vector<16xf32>
      %swap3A_370 = vector.shape_cast %mul3A_365 : vector<16xf32> to vector<1x16xf32>
      tpu.vector_store %arg11[%swap3A_366, %swap3A_367], %swap3A_370 {strides = array<i32>} : memref<128x128xf32, #tpu.memory_space<vmem>>, vector<1x16xf32>,
      %get3A_371 = arith.index_cast %add3A_301 : i32 to index
      %get3A_372 = arith.constant 112 : index
      %get3A_373 = tpu.vector_load %arg11[%get3A_371, %get3A_372] {strides = array<i32>} : memref<128x128xf32, #tpu.memory_space<vmem>>, vector<1x16xf32>,
      %get3A_374 = vector.shape_cast %get3A_373 : vector<1x16xf32> to vector<16xf32>
      %mul3A_375 = arith.mulf %get3A_374, %get3A_156 : vector<16xf32>
      %swap3A_376 = arith.index_cast %add3A_301 : i32 to index
      %swap3A_377 = arith.constant 112 : index
      %swap3A_378 = tpu.vector_load %arg11[%swap3A_376, %swap3A_377] {strides = array<i32>} : memref<128x128xf32, #tpu.memory_space<vmem>>, vector<1x16xf32>,
      %swap3A_379 = vector.shape_cast %swap3A_378 : vector<1x16xf32> to vector<16xf32>
      %swap3A_380 = vector.shape_cast %mul3A_375 : vector<16xf32> to vector<1x16xf32>
      tpu.vector_store %arg11[%swap3A_376, %swap3A_377], %swap3A_380 {strides = array<i32>} : memref<128x128xf32, #tpu.memory_space<vmem>>, vector<1x16xf32>,
    }
    %scan3A_176 = arith.constant 128 : i32
    %add3A_177 = arith.constant 0 : i32
    %add3A_178 = arith.addi %mul3A_2, %add3A_177 : i32
    %dma_start3A_179 = arith.constant 0 : i32
    %dma_start3A_180 = tpu.memref_slice %arg7[%add3A_178, %dma_start3A_179] : memref<204800x128xf32, #tpu.memory_space<hbm>> -> memref<128x128xf32, #tpu.memory_space<hbm>>
    %dma_start3A_181 = arith.constant 0 : i32
    %dma_start3A_182 = tpu.memref_slice %arg7[%add3A_178, %dma_start3A_181] : memref<204800x128xf32, #tpu.memory_space<hbm>> -> memref<128x128xf32, #tpu.memory_space<hbm>>
    tpu.enqueue_dma source(%arg11 : memref<128x128xf32, #tpu.memory_space<vmem>>) target(%dma_start3A_182 : memref<128x128xf32, #tpu.memory_space<hbm>>) target_semaphore(%arg17 : memref<!tpu.dma_semaphore, #tpu.memory_space<semaphore_mem>>)
    %dma_start3A_183 = arith.constant 256 : i32
    %dma_start3A_184 = tpu.memref_slice %arg9[%dma_start3A_183] : memref<6400xi32, #tpu.memory_space<vmem>> -> memref<128xi32, #tpu.memory_space<vmem>>
    %dma_start3A_185 = arith.constant 0 : i32
    %dma_start3A_186 = arith.constant 0 : i32
    %dma_start3A_187 = tpu.memref_slice %arg5[%dma_start3A_185, %dma_start3A_186] : memref<100000x128xf32, #tpu.memory_space<hbm>> -> memref<100000x128xf32, #tpu.memory_space<hbm>>
    tpu.enqueue_indirect_dma source(%dma_start3A_187 : memref<100000x128xf32, #tpu.memory_space<hbm>>) target(%arg13 : memref<128x128xf32, #tpu.memory_space<vmem>>) offsets(%dma_start3A_184 : memref<128xi32, #tpu.memory_space<vmem>>) semaphore(%arg16 : memref<!tpu.dma_semaphore, #tpu.memory_space<semaphore_mem>>)
    %dma_wait3A_188 = arith.constant 128 : i32
    %dma_wait3A_189 = tpu.memref_slice %arg9[%dma_wait3A_188] : memref<6400xi32, #tpu.memory_space<vmem>> -> memref<128xi32, #tpu.memory_space<vmem>>
    %dma_wait3A_190 = arith.constant 0 : i32
    %dma_wait3A_191 = arith.constant 0 : i32
    %dma_wait3A_192 = tpu.memref_slice %arg5[%dma_wait3A_190, %dma_wait3A_191] : memref<100000x128xf32, #tpu.memory_space<hbm>> -> memref<100000x128xf32, #tpu.memory_space<hbm>>
    tpu.wait_indirect_dma semaphore(%arg15 : memref<!tpu.dma_semaphore, #tpu.memory_space<semaphore_mem>>) src(%dma_wait3A_192 : memref<100000x128xf32, #tpu.memory_space<hbm>>) dst(%arg12 : memref<128x128xf32, #tpu.memory_space<vmem>>)
    %scan3A_193 = arith.constant 0 : i32
    %scan3A_194 = arith.constant 128 : i32
    %scan3A_195 = arith.addi %scan3A_193, %scan3A_194 : i32
    %scan3A_196 = arith.constant 1 : i32
    scf.for %scan3A_297 = %scan3A_193 to %scan3A_195 step %scan3A_196  : i32 {
      %mul3A_298 = arith.constant 1 : i32
      %mul3A_299 = arith.muli %scan3A_297, %mul3A_298 : i32
      %add3A_300 = arith.constant 0 : i32
      %add3A_301 = arith.addi %add3A_300, %mul3A_299 : i32
      %get3A_302 = arith.index_cast %add3A_301 : i32 to index
      %get3A_303 = arith.constant 0 : index
      %get3A_304 = tpu.vector_load %arg12[%get3A_302, %get3A_303] {strides = array<i32>} : memref<128x128xf32, #tpu.memory_space<vmem>>, vector<1x16xf32>,
      %get3A_305 = vector.shape_cast %get3A_304 : vector<1x16xf32> to vector<16xf32>
      %mul3A_306 = arith.mulf %get3A_305, %get3A_156 : vector<16xf32>
      %swap3A = arith.index_cast %add3A_301 : i32 to index
      %swap3A_307 = arith.constant 0 : index
      %swap3A_308 = tpu.vector_load %arg12[%swap3A, %swap3A_307] {strides = array<i32>} : memref<128x128xf32, #tpu.memory_space<vmem>>, vector<1x16xf32>,
      %swap3A_309 = vector.shape_cast %swap3A_308 : vector<1x16xf32> to vector<16xf32>
      %swap3A_310 = vector.shape_cast %mul3A_306 : vector<16xf32> to vector<1x16xf32>
      tpu.vector_store %arg12[%swap3A, %swap3A_307], %swap3A_310 {strides = array<i32>} : memref<128x128xf32, #tpu.memory_space<vmem>>, vector<1x16xf32>,
      %get3A_311 = arith.index_cast %add3A_301 : i32 to index
      %get3A_312 = arith.constant 16 : index
      %get3A_313 = tpu.vector_load %arg12[%get3A_311, %get3A_312] {strides = array<i32>} : memref<128x128xf32, #tpu.memory_space<vmem>>, vector<1x16xf32>,
      %get3A_314 = vector.shape_cast %get3A_313 : vector<1x16xf32> to vector<16xf32>
      %mul3A_315 = arith.mulf %get3A_314, %get3A_156 : vector<16xf32>
      %swap3A_316 = arith.index_cast %add3A_301 : i32 to index
      %swap3A_317 = arith.constant 16 : index
      %swap3A_318 = tpu.vector_load %arg12[%swap3A_316, %swap3A_317] {strides = array<i32>} : memref<128x128xf32, #tpu.memory_space<vmem>>, vector<1x16xf32>,
      %swap3A_319 = vector.shape_cast %swap3A_318 : vector<1x16xf32> to vector<16xf32>
      %swap3A_320 = vector.shape_cast %mul3A_315 : vector<16xf32> to vector<1x16xf32>
      tpu.vector_store %arg12[%swap3A_316, %swap3A_317], %swap3A_320 {strides = array<i32>} : memref<128x128xf32, #tpu.memory_space<vmem>>, vector<1x16xf32>,
      %get3A_321 = arith.index_cast %add3A_301 : i32 to index
      %get3A_322 = arith.constant 32 : index
      %get3A_323 = tpu.vector_load %arg12[%get3A_321, %get3A_322] {strides = array<i32>} : memref<128x128xf32, #tpu.memory_space<vmem>>, vector<1x16xf32>,
      %get3A_324 = vector.shape_cast %get3A_323 : vector<1x16xf32> to vector<16xf32>
      %mul3A_325 = arith.mulf %get3A_324, %get3A_156 : vector<16xf32>
      %swap3A_326 = arith.index_cast %add3A_301 : i32 to index
      %swap3A_327 = arith.constant 32 : index
      %swap3A_328 = tpu.vector_load %arg12[%swap3A_326, %swap3A_327] {strides = array<i32>} : memref<128x128xf32, #tpu.memory_space<vmem>>, vector<1x16xf32>,
      %swap3A_329 = vector.shape_cast %swap3A_328 : vector<1x16xf32> to vector<16xf32>
      %swap3A_330 = vector.shape_cast %mul3A_325 : vector<16xf32> to vector<1x16xf32>
      tpu.vector_store %arg12[%swap3A_326, %swap3A_327], %swap3A_330 {strides = array<i32>} : memref<128x128xf32, #tpu.memory_space<vmem>>, vector<1x16xf32>,
      %get3A_331 = arith.index_cast %add3A_301 : i32 to index
      %get3A_332 = arith.constant 48 : index
      %get3A_333 = tpu.vector_load %arg12[%get3A_331, %get3A_332] {strides = array<i32>} : memref<128x128xf32, #tpu.memory_space<vmem>>, vector<1x16xf32>,
      %get3A_334 = vector.shape_cast %get3A_333 : vector<1x16xf32> to vector<16xf32>
      %mul3A_335 = arith.mulf %get3A_334, %get3A_156 : vector<16xf32>
      %swap3A_336 = arith.index_cast %add3A_301 : i32 to index
      %swap3A_337 = arith.constant 48 : index
      %swap3A_338 = tpu.vector_load %arg12[%swap3A_336, %swap3A_337] {strides = array<i32>} : memref<128x128xf32, #tpu.memory_space<vmem>>, vector<1x16xf32>,
      %swap3A_339 = vector.shape_cast %swap3A_338 : vector<1x16xf32> to vector<16xf32>
      %swap3A_340 = vector.shape_cast %mul3A_335 : vector<16xf32> to vector<1x16xf32>
      tpu.vector_store %arg12[%swap3A_336, %swap3A_337], %swap3A_340 {strides = array<i32>} : memref<128x128xf32, #tpu.memory_space<vmem>>, vector<1x16xf32>,
      %get3A_341 = arith.index_cast %add3A_301 : i32 to index
      %get3A_342 = arith.constant 64 : index
      %get3A_343 = tpu.vector_load %arg12[%get3A_341, %get3A_342] {strides = array<i32>} : memref<128x128xf32, #tpu.memory_space<vmem>>, vector<1x16xf32>,
      %get3A_344 = vector.shape_cast %get3A_343 : vector<1x16xf32> to vector<16xf32>
      %mul3A_345 = arith.mulf %get3A_344, %get3A_156 : vector<16xf32>
      %swap3A_346 = arith.index_cast %add3A_301 : i32 to index
      %swap3A_347 = arith.constant 64 : index
      %swap3A_348 = tpu.vector_load %arg12[%swap3A_346, %swap3A_347] {strides = array<i32>} : memref<128x128xf32, #tpu.memory_space<vmem>>, vector<1x16xf32>,
      %swap3A_349 = vector.shape_cast %swap3A_348 : vector<1x16xf32> to vector<16xf32>
      %swap3A_350 = vector.shape_cast %mul3A_345 : vector<16xf32> to vector<1x16xf32>
      tpu.vector_store %arg12[%swap3A_346, %swap3A_347], %swap3A_350 {strides = array<i32>} : memref<128x128xf32, #tpu.memory_space<vmem>>, vector<1x16xf32>,
      %get3A_351 = arith.index_cast %add3A_301 : i32 to index
      %get3A_352 = arith.constant 80 : index
      %get3A_353 = tpu.vector_load %arg12[%get3A_351, %get3A_352] {strides = array<i32>} : memref<128x128xf32, #tpu.memory_space<vmem>>, vector<1x16xf32>,
      %get3A_354 = vector.shape_cast %get3A_353 : vector<1x16xf32> to vector<16xf32>
      %mul3A_355 = arith.mulf %get3A_354, %get3A_156 : vector<16xf32>
      %swap3A_356 = arith.index_cast %add3A_301 : i32 to index
      %swap3A_357 = arith.constant 80 : index
      %swap3A_358 = tpu.vector_load %arg12[%swap3A_356, %swap3A_357] {strides = array<i32>} : memref<128x128xf32, #tpu.memory_space<vmem>>, vector<1x16xf32>,
      %swap3A_359 = vector.shape_cast %swap3A_358 : vector<1x16xf32> to vector<16xf32>
      %swap3A_360 = vector.shape_cast %mul3A_355 : vector<16xf32> to vector<1x16xf32>
      tpu.vector_store %arg12[%swap3A_356, %swap3A_357], %swap3A_360 {strides = array<i32>} : memref<128x128xf32, #tpu.memory_space<vmem>>, vector<1x16xf32>,
      %get3A_361 = arith.index_cast %add3A_301 : i32 to index
      %get3A_362 = arith.constant 96 : index
      %get3A_363 = tpu.vector_load %arg12[%get3A_361, %get3A_362] {strides = array<i32>} : memref<128x128xf32, #tpu.memory_space<vmem>>, vector<1x16xf32>,
      %get3A_364 = vector.shape_cast %get3A_363 : vector<1x16xf32> to vector<16xf32>
      %mul3A_365 = arith.mulf %get3A_364, %get3A_156 : vector<16xf32>
      %swap3A_366 = arith.index_cast %add3A_301 : i32 to index
      %swap3A_367 = arith.constant 96 : index
      %swap3A_368 = tpu.vector_load %arg12[%swap3A_366, %swap3A_367] {strides = array<i32>} : memref<128x128xf32, #tpu.memory_space<vmem>>, vector<1x16xf32>,
      %swap3A_369 = vector.shape_cast %swap3A_368 : vector<1x16xf32> to vector<16xf32>
      %swap3A_370 = vector.shape_cast %mul3A_365 : vector<16xf32> to vector<1x16xf32>
      tpu.vector_store %arg12[%swap3A_366, %swap3A_367], %swap3A_370 {strides = array<i32>} : memref<128x128xf32, #tpu.memory_space<vmem>>, vector<1x16xf32>,
      %get3A_371 = arith.index_cast %add3A_301 : i32 to index
      %get3A_372 = arith.constant 112 : index
      %get3A_373 = tpu.vector_load %arg12[%get3A_371, %get3A_372] {strides = array<i32>} : memref<128x128xf32, #tpu.memory_space<vmem>>, vector<1x16xf32>,
      %get3A_374 = vector.shape_cast %get3A_373 : vector<1x16xf32> to vector<16xf32>
      %mul3A_375 = arith.mulf %get3A_374, %get3A_156 : vector<16xf32>
      %swap3A_376 = arith.index_cast %add3A_301 : i32 to index
      %swap3A_377 = arith.constant 112 : index
      %swap3A_378 = tpu.vector_load %arg12[%swap3A_376, %swap3A_377] {strides = array<i32>} : memref<128x128xf32, #tpu.memory_space<vmem>>, vector<1x16xf32>,
      %swap3A_379 = vector.shape_cast %swap3A_378 : vector<1x16xf32> to vector<16xf32>
      %swap3A_380 = vector.shape_cast %mul3A_375 : vector<16xf32> to vector<1x16xf32>
      tpu.vector_store %arg12[%swap3A_376, %swap3A_377], %swap3A_380 {strides = array<i32>} : memref<128x128xf32, #tpu.memory_space<vmem>>, vector<1x16xf32>,
    }
    %scan3A_197 = arith.constant 128 : i32
    %add3A_198 = arith.constant 128 : i32
    %add3A_199 = arith.addi %mul3A_2, %add3A_198 : i32
    %dma_start3A_200 = arith.constant 0 : i32
    %dma_start3A_201 = tpu.memref_slice %arg7[%add3A_199, %dma_start3A_200] : memref<204800x128xf32, #tpu.memory_space<hbm>> -> memref<128x128xf32, #tpu.memory_space<hbm>>
    %dma_start3A_202 = arith.constant 0 : i32
    %dma_start3A_203 = tpu.memref_slice %arg7[%add3A_199, %dma_start3A_202] : memref<204800x128xf32, #tpu.memory_space<hbm>> -> memref<128x128xf32, #tpu.memory_space<hbm>>
    tpu.enqueue_dma source(%arg12 : memref<128x128xf32, #tpu.memory_space<vmem>>) target(%dma_start3A_203 : memref<128x128xf32, #tpu.memory_space<hbm>>) target_semaphore(%arg18 : memref<!tpu.dma_semaphore, #tpu.memory_space<semaphore_mem>>)
    %add3A_204 = arith.constant 0 : i32
    %add3A_205 = arith.addi %mul3A_2, %add3A_204 : i32
    %dma_wait3A_206 = arith.constant 0 : i32
    %dma_wait3A_207 = tpu.memref_slice %arg7[%add3A_205, %dma_wait3A_206] : memref<204800x128xf32, #tpu.memory_space<hbm>> -> memref<128x128xf32, #tpu.memory_space<hbm>>
    %dma_wait3A_208 = arith.constant 0 : i32
    %dma_wait3A_209 = tpu.memref_slice %arg7[%add3A_205, %dma_wait3A_208] : memref<204800x128xf32, #tpu.memory_space<hbm>> -> memref<128x128xf32, #tpu.memory_space<hbm>>
    tpu.wait_dma2 semaphore(%arg17 : memref<!tpu.dma_semaphore, #tpu.memory_space<semaphore_mem>>) src(%arg11 : memref<128x128xf32, #tpu.memory_space<vmem>>) dst(%dma_wait3A_209 : memref<128x128xf32, #tpu.memory_space<hbm>>)
    %dma_start3A_210 = arith.constant 384 : i32
    %dma_start3A_211 = tpu.memref_slice %arg9[%dma_start3A_210] : memref<6400xi32, #tpu.memory_space<vmem>> -> memref<128xi32, #tpu.memory_space<vmem>>
    %dma_start3A_212 = arith.constant 0 : i32
    %dma_start3A_213 = arith.constant 0 : i32
    %dma_start3A_214 = tpu.memref_slice %arg5[%dma_start3A_212, %dma_start3A_213] : memref<100000x128xf32, #tpu.memory_space<hbm>> -> memref<100000x128xf32, #tpu.memory_space<hbm>>
    tpu.enqueue_indirect_dma source(%dma_start3A_214 : memref<100000x128xf32, #tpu.memory_space<hbm>>) target(%arg11 : memref<128x128xf32, #tpu.memory_space<vmem>>) offsets(%dma_start3A_211 : memref<128xi32, #tpu.memory_space<vmem>>) semaphore(%arg14 : memref<!tpu.dma_semaphore, #tpu.memory_space<semaphore_mem>>)
    %scan3A_215 = arith.constant 0 : i32
    %scan3A_216 = arith.constant 15 : i32
    %scan3A_217 = arith.addi %scan3A_215, %scan3A_216 : i32
    %scan3A_218 = arith.constant 1 : i32
    scf.for %scan3A_297 = %scan3A_215 to %scan3A_217 step %scan3A_218  : i32 {
      %mul3A_298 = arith.constant 3 : i32
      %mul3A_299 = arith.muli %scan3A_297, %mul3A_298 : i32
      %add3A_300 = arith.constant 2 : i32
      %add3A_301 = arith.addi %add3A_300, %mul3A_299 : i32
      %add3A_302 = arith.constant 0 : i32
      %add3A_303 = arith.addi %add3A_301, %add3A_302 : i32
      %mul3A_304 = arith.constant 128 : i32
      %mul3A_305 = arith.muli %add3A_303, %mul3A_304 : i32
      %dma_wait3A_306 = tpu.memref_slice %arg9[%mul3A_305] : memref<6400xi32, #tpu.memory_space<vmem>> -> memref<128xi32, #tpu.memory_space<vmem>>
      %dma_wait3A_307 = arith.constant 0 : i32
      %dma_wait3A_308 = arith.constant 0 : i32
      %dma_wait3A_309 = tpu.memref_slice %arg5[%dma_wait3A_307, %dma_wait3A_308] : memref<100000x128xf32, #tpu.memory_space<hbm>> -> memref<100000x128xf32, #tpu.memory_space<hbm>>
      tpu.wait_indirect_dma semaphore(%arg16 : memref<!tpu.dma_semaphore, #tpu.memory_space<semaphore_mem>>) src(%dma_wait3A_309 : memref<100000x128xf32, #tpu.memory_space<hbm>>) dst(%arg13 : memref<128x128xf32, #tpu.memory_space<vmem>>)
      %scan3A_310 = arith.constant 0 : i32
      %scan3A_311 = arith.constant 128 : i32
      %scan3A_312 = arith.addi %scan3A_310, %scan3A_311 : i32
      %scan3A_313 = arith.constant 1 : i32
      scf.for %scan3A_412 = %scan3A_310 to %scan3A_312 step %scan3A_313  : i32 {
        %mul3A_413 = arith.constant 1 : i32
        %mul3A_414 = arith.muli %scan3A_412, %mul3A_413 : i32
        %add3A_415 = arith.constant 0 : i32
        %add3A_416 = arith.addi %add3A_415, %mul3A_414 : i32
        %get3A_417 = arith.index_cast %add3A_416 : i32 to index
        %get3A_418 = arith.constant 0 : index
        %get3A_419 = tpu.vector_load %arg13[%get3A_417, %get3A_418] {strides = array<i32>} : memref<128x128xf32, #tpu.memory_space<vmem>>, vector<1x16xf32>,
        %get3A_420 = vector.shape_cast %get3A_419 : vector<1x16xf32> to vector<16xf32>
        %mul3A_421 = arith.mulf %get3A_420, %get3A_156 : vector<16xf32>
        %swap3A = arith.index_cast %add3A_416 : i32 to index
        %swap3A_422 = arith.constant 0 : index
        %swap3A_423 = tpu.vector_load %arg13[%swap3A, %swap3A_422] {strides = array<i32>} : memref<128x128xf32, #tpu.memory_space<vmem>>, vector<1x16xf32>,
        %swap3A_424 = vector.shape_cast %swap3A_423 : vector<1x16xf32> to vector<16xf32>
        %swap3A_425 = vector.shape_cast %mul3A_421 : vector<16xf32> to vector<1x16xf32>
        tpu.vector_store %arg13[%swap3A, %swap3A_422], %swap3A_425 {strides = array<i32>} : memref<128x128xf32, #tpu.memory_space<vmem>>, vector<1x16xf32>,
        %get3A_426 = arith.index_cast %add3A_416 : i32 to index
        %get3A_427 = arith.constant 16 : index
        %get3A_428 = tpu.vector_load %arg13[%get3A_426, %get3A_427] {strides = array<i32>} : memref<128x128xf32, #tpu.memory_space<vmem>>, vector<1x16xf32>,
        %get3A_429 = vector.shape_cast %get3A_428 : vector<1x16xf32> to vector<16xf32>
        %mul3A_430 = arith.mulf %get3A_429, %get3A_156 : vector<16xf32>
        %swap3A_431 = arith.index_cast %add3A_416 : i32 to index
        %swap3A_432 = arith.constant 16 : index
        %swap3A_433 = tpu.vector_load %arg13[%swap3A_431, %swap3A_432] {strides = array<i32>} : memref<128x128xf32, #tpu.memory_space<vmem>>, vector<1x16xf32>,
        %swap3A_434 = vector.shape_cast %swap3A_433 : vector<1x16xf32> to vector<16xf32>
        %swap3A_435 = vector.shape_cast %mul3A_430 : vector<16xf32> to vector<1x16xf32>
        tpu.vector_store %arg13[%swap3A_431, %swap3A_432], %swap3A_435 {strides = array<i32>} : memref<128x128xf32, #tpu.memory_space<vmem>>, vector<1x16xf32>,
        %get3A_436 = arith.index_cast %add3A_416 : i32 to index
        %get3A_437 = arith.constant 32 : index
        %get3A_438 = tpu.vector_load %arg13[%get3A_436, %get3A_437] {strides = array<i32>} : memref<128x128xf32, #tpu.memory_space<vmem>>, vector<1x16xf32>,
        %get3A_439 = vector.shape_cast %get3A_438 : vector<1x16xf32> to vector<16xf32>
        %mul3A_440 = arith.mulf %get3A_439, %get3A_156 : vector<16xf32>
        %swap3A_441 = arith.index_cast %add3A_416 : i32 to index
        %swap3A_442 = arith.constant 32 : index
        %swap3A_443 = tpu.vector_load %arg13[%swap3A_441, %swap3A_442] {strides = array<i32>} : memref<128x128xf32, #tpu.memory_space<vmem>>, vector<1x16xf32>,
        %swap3A_444 = vector.shape_cast %swap3A_443 : vector<1x16xf32> to vector<16xf32>
        %swap3A_445 = vector.shape_cast %mul3A_440 : vector<16xf32> to vector<1x16xf32>
        tpu.vector_store %arg13[%swap3A_441, %swap3A_442], %swap3A_445 {strides = array<i32>} : memref<128x128xf32, #tpu.memory_space<vmem>>, vector<1x16xf32>,
        %get3A_446 = arith.index_cast %add3A_416 : i32 to index
        %get3A_447 = arith.constant 48 : index
        %get3A_448 = tpu.vector_load %arg13[%get3A_446, %get3A_447] {strides = array<i32>} : memref<128x128xf32, #tpu.memory_space<vmem>>, vector<1x16xf32>,
        %get3A_449 = vector.shape_cast %get3A_448 : vector<1x16xf32> to vector<16xf32>
        %mul3A_450 = arith.mulf %get3A_449, %get3A_156 : vector<16xf32>
        %swap3A_451 = arith.index_cast %add3A_416 : i32 to index
        %swap3A_452 = arith.constant 48 : index
        %swap3A_453 = tpu.vector_load %arg13[%swap3A_451, %swap3A_452] {strides = array<i32>} : memref<128x128xf32, #tpu.memory_space<vmem>>, vector<1x16xf32>,
        %swap3A_454 = vector.shape_cast %swap3A_453 : vector<1x16xf32> to vector<16xf32>
        %swap3A_455 = vector.shape_cast %mul3A_450 : vector<16xf32> to vector<1x16xf32>
        tpu.vector_store %arg13[%swap3A_451, %swap3A_452], %swap3A_455 {strides = array<i32>} : memref<128x128xf32, #tpu.memory_space<vmem>>, vector<1x16xf32>,
        %get3A_456 = arith.index_cast %add3A_416 : i32 to index
        %get3A_457 = arith.constant 64 : index
        %get3A_458 = tpu.vector_load %arg13[%get3A_456, %get3A_457] {strides = array<i32>} : memref<128x128xf32, #tpu.memory_space<vmem>>, vector<1x16xf32>,
        %get3A_459 = vector.shape_cast %get3A_458 : vector<1x16xf32> to vector<16xf32>
        %mul3A_460 = arith.mulf %get3A_459, %get3A_156 : vector<16xf32>
        %swap3A_461 = arith.index_cast %add3A_416 : i32 to index
        %swap3A_462 = arith.constant 64 : index
        %swap3A_463 = tpu.vector_load %arg13[%swap3A_461, %swap3A_462] {strides = array<i32>} : memref<128x128xf32, #tpu.memory_space<vmem>>, vector<1x16xf32>,
        %swap3A_464 = vector.shape_cast %swap3A_463 : vector<1x16xf32> to vector<16xf32>
        %swap3A_465 = vector.shape_cast %mul3A_460 : vector<16xf32> to vector<1x16xf32>
        tpu.vector_store %arg13[%swap3A_461, %swap3A_462], %swap3A_465 {strides = array<i32>} : memref<128x128xf32, #tpu.memory_space<vmem>>, vector<1x16xf32>,
        %get3A_466 = arith.index_cast %add3A_416 : i32 to index
        %get3A_467 = arith.constant 80 : index
        %get3A_468 = tpu.vector_load %arg13[%get3A_466, %get3A_467] {strides = array<i32>} : memref<128x128xf32, #tpu.memory_space<vmem>>, vector<1x16xf32>,
        %get3A_469 = vector.shape_cast %get3A_468 : vector<1x16xf32> to vector<16xf32>
        %mul3A_470 = arith.mulf %get3A_469, %get3A_156 : vector<16xf32>
        %swap3A_471 = arith.index_cast %add3A_416 : i32 to index
        %swap3A_472 = arith.constant 80 : index
        %swap3A_473 = tpu.vector_load %arg13[%swap3A_471, %swap3A_472] {strides = array<i32>} : memref<128x128xf32, #tpu.memory_space<vmem>>, vector<1x16xf32>,
        %swap3A_474 = vector.shape_cast %swap3A_473 : vector<1x16xf32> to vector<16xf32>
        %swap3A_475 = vector.shape_cast %mul3A_470 : vector<16xf32> to vector<1x16xf32>
        tpu.vector_store %arg13[%swap3A_471, %swap3A_472], %swap3A_475 {strides = array<i32>} : memref<128x128xf32, #tpu.memory_space<vmem>>, vector<1x16xf32>,
        %get3A_476 = arith.index_cast %add3A_416 : i32 to index
        %get3A_477 = arith.constant 96 : index
        %get3A_478 = tpu.vector_load %arg13[%get3A_476, %get3A_477] {strides = array<i32>} : memref<128x128xf32, #tpu.memory_space<vmem>>, vector<1x16xf32>,
        %get3A_479 = vector.shape_cast %get3A_478 : vector<1x16xf32> to vector<16xf32>
        %mul3A_480 = arith.mulf %get3A_479, %get3A_156 : vector<16xf32>
        %swap3A_481 = arith.index_cast %add3A_416 : i32 to index
        %swap3A_482 = arith.constant 96 : index
        %swap3A_483 = tpu.vector_load %arg13[%swap3A_481, %swap3A_482] {strides = array<i32>} : memref<128x128xf32, #tpu.memory_space<vmem>>, vector<1x16xf32>,
        %swap3A_484 = vector.shape_cast %swap3A_483 : vector<1x16xf32> to vector<16xf32>
        %swap3A_485 = vector.shape_cast %mul3A_480 : vector<16xf32> to vector<1x16xf32>
        tpu.vector_store %arg13[%swap3A_481, %swap3A_482], %swap3A_485 {strides = array<i32>} : memref<128x128xf32, #tpu.memory_space<vmem>>, vector<1x16xf32>,
        %get3A_486 = arith.index_cast %add3A_416 : i32 to index
        %get3A_487 = arith.constant 112 : index
        %get3A_488 = tpu.vector_load %arg13[%get3A_486, %get3A_487] {strides = array<i32>} : memref<128x128xf32, #tpu.memory_space<vmem>>, vector<1x16xf32>,
        %get3A_489 = vector.shape_cast %get3A_488 : vector<1x16xf32> to vector<16xf32>
        %mul3A_490 = arith.mulf %get3A_489, %get3A_156 : vector<16xf32>
        %swap3A_491 = arith.index_cast %add3A_416 : i32 to index
        %swap3A_492 = arith.constant 112 : index
        %swap3A_493 = tpu.vector_load %arg13[%swap3A_491, %swap3A_492] {strides = array<i32>} : memref<128x128xf32, #tpu.memory_space<vmem>>, vector<1x16xf32>,
        %swap3A_494 = vector.shape_cast %swap3A_493 : vector<1x16xf32> to vector<16xf32>
        %swap3A_495 = vector.shape_cast %mul3A_490 : vector<16xf32> to vector<1x16xf32>
        tpu.vector_store %arg13[%swap3A_491, %swap3A_492], %swap3A_495 {strides = array<i32>} : memref<128x128xf32, #tpu.memory_space<vmem>>, vector<1x16xf32>,
      }
      %scan3A_314 = arith.constant 128 : i32
      %mul3A_315 = arith.constant 128 : i32
      %mul3A_316 = arith.muli %add3A_303, %mul3A_315 : i32
      %add3A_317 = arith.addi %mul3A_2, %mul3A_316 : i32
      %dma_start3A_318 = arith.constant 0 : i32
      %dma_start3A_319 = tpu.memref_slice %arg7[%add3A_317, %dma_start3A_318] : memref<204800x128xf32, #tpu.memory_space<hbm>> -> memref<128x128xf32, #tpu.memory_space<hbm>>
      %dma_start3A_320 = arith.constant 0 : i32
      %dma_start3A_321 = tpu.memref_slice %arg7[%add3A_317, %dma_start3A_320] : memref<204800x128xf32, #tpu.memory_space<hbm>> -> memref<128x128xf32, #tpu.memory_space<hbm>>
      tpu.enqueue_dma source(%arg13 : memref<128x128xf32, #tpu.memory_space<vmem>>) target(%dma_start3A_321 : memref<128x128xf32, #tpu.memory_space<hbm>>) target_semaphore(%arg19 : memref<!tpu.dma_semaphore, #tpu.memory_space<semaphore_mem>>)
      %sub3A = arith.constant 1 : i32
      %sub3A_322 = arith.subi %add3A_303, %sub3A : i32
      %mul3A_323 = arith.constant 128 : i32
      %mul3A_324 = arith.muli %sub3A_322, %mul3A_323 : i32
      %add3A_325 = arith.addi %mul3A_2, %mul3A_324 : i32
      %dma_wait3A_326 = arith.constant 0 : i32
      %dma_wait3A_327 = tpu.memref_slice %arg7[%add3A_325, %dma_wait3A_326] : memref<204800x128xf32, #tpu.memory_space<hbm>> -> memref<128x128xf32, #tpu.memory_space<hbm>>
      %dma_wait3A_328 = arith.constant 0 : i32
      %dma_wait3A_329 = tpu.memref_slice %arg7[%add3A_325, %dma_wait3A_328] : memref<204800x128xf32, #tpu.memory_space<hbm>> -> memref<128x128xf32, #tpu.memory_space<hbm>>
      tpu.wait_dma2 semaphore(%arg18 : memref<!tpu.dma_semaphore, #tpu.memory_space<semaphore_mem>>) src(%arg12 : memref<128x128xf32, #tpu.memory_space<vmem>>) dst(%dma_wait3A_329 : memref<128x128xf32, #tpu.memory_space<hbm>>)
      %add3A_330 = arith.constant 2 : i32
      %add3A_331 = arith.addi %add3A_303, %add3A_330 : i32
      %mul3A_332 = arith.constant 128 : i32
      %mul3A_333 = arith.muli %add3A_331, %mul3A_332 : i32
      %dma_start3A_334 = tpu.memref_slice %arg9[%mul3A_333] : memref<6400xi32, #tpu.memory_space<vmem>> -> memref<128xi32, #tpu.memory_space<vmem>>
      %dma_start3A_335 = arith.constant 0 : i32
      %dma_start3A_336 = arith.constant 0 : i32
      %dma_start3A_337 = tpu.memref_slice %arg5[%dma_start3A_335, %dma_start3A_336] : memref<100000x128xf32, #tpu.memory_space<hbm>> -> memref<100000x128xf32, #tpu.memory_space<hbm>>
      tpu.enqueue_indirect_dma source(%dma_start3A_337 : memref<100000x128xf32, #tpu.memory_space<hbm>>) target(%arg12 : memref<128x128xf32, #tpu.memory_space<vmem>>) offsets(%dma_start3A_334 : memref<128xi32, #tpu.memory_space<vmem>>) semaphore(%arg15 : memref<!tpu.dma_semaphore, #tpu.memory_space<semaphore_mem>>)
      %add3A_338 = arith.constant 1 : i32
      %add3A_339 = arith.addi %add3A_301, %add3A_338 : i32
      %mul3A_340 = arith.constant 128 : i32
      %mul3A_341 = arith.muli %add3A_339, %mul3A_340 : i32
      %dma_wait3A_342 = tpu.memref_slice %arg9[%mul3A_341] : memref<6400xi32, #tpu.memory_space<vmem>> -> memref<128xi32, #tpu.memory_space<vmem>>
      %dma_wait3A_343 = arith.constant 0 : i32
      %dma_wait3A_344 = arith.constant 0 : i32
      %dma_wait3A_345 = tpu.memref_slice %arg5[%dma_wait3A_343, %dma_wait3A_344] : memref<100000x128xf32, #tpu.memory_space<hbm>> -> memref<100000x128xf32, #tpu.memory_space<hbm>>
      tpu.wait_indirect_dma semaphore(%arg14 : memref<!tpu.dma_semaphore, #tpu.memory_space<semaphore_mem>>) src(%dma_wait3A_345 : memref<100000x128xf32, #tpu.memory_space<hbm>>) dst(%arg11 : memref<128x128xf32, #tpu.memory_space<vmem>>)
      %scan3A_346 = arith.constant 0 : i32
      %scan3A_347 = arith.constant 128 : i32
      %scan3A_348 = arith.addi %scan3A_346, %scan3A_347 : i32
      %scan3A_349 = arith.constant 1 : i32
      scf.for %scan3A_412 = %scan3A_346 to %scan3A_348 step %scan3A_349  : i32 {
        %mul3A_413 = arith.constant 1 : i32
        %mul3A_414 = arith.muli %scan3A_412, %mul3A_413 : i32
        %add3A_415 = arith.constant 0 : i32
        %add3A_416 = arith.addi %add3A_415, %mul3A_414 : i32
        %get3A_417 = arith.index_cast %add3A_416 : i32 to index
        %get3A_418 = arith.constant 0 : index
        %get3A_419 = tpu.vector_load %arg11[%get3A_417, %get3A_418] {strides = array<i32>} : memref<128x128xf32, #tpu.memory_space<vmem>>, vector<1x16xf32>,
        %get3A_420 = vector.shape_cast %get3A_419 : vector<1x16xf32> to vector<16xf32>
        %mul3A_421 = arith.mulf %get3A_420, %get3A_156 : vector<16xf32>
        %swap3A = arith.index_cast %add3A_416 : i32 to index
        %swap3A_422 = arith.constant 0 : index
        %swap3A_423 = tpu.vector_load %arg11[%swap3A, %swap3A_422] {strides = array<i32>} : memref<128x128xf32, #tpu.memory_space<vmem>>, vector<1x16xf32>,
        %swap3A_424 = vector.shape_cast %swap3A_423 : vector<1x16xf32> to vector<16xf32>
        %swap3A_425 = vector.shape_cast %mul3A_421 : vector<16xf32> to vector<1x16xf32>
        tpu.vector_store %arg11[%swap3A, %swap3A_422], %swap3A_425 {strides = array<i32>} : memref<128x128xf32, #tpu.memory_space<vmem>>, vector<1x16xf32>,
        %get3A_426 = arith.index_cast %add3A_416 : i32 to index
        %get3A_427 = arith.constant 16 : index
        %get3A_428 = tpu.vector_load %arg11[%get3A_426, %get3A_427] {strides = array<i32>} : memref<128x128xf32, #tpu.memory_space<vmem>>, vector<1x16xf32>,
        %get3A_429 = vector.shape_cast %get3A_428 : vector<1x16xf32> to vector<16xf32>
        %mul3A_430 = arith.mulf %get3A_429, %get3A_156 : vector<16xf32>
        %swap3A_431 = arith.index_cast %add3A_416 : i32 to index
        %swap3A_432 = arith.constant 16 : index
        %swap3A_433 = tpu.vector_load %arg11[%swap3A_431, %swap3A_432] {strides = array<i32>} : memref<128x128xf32, #tpu.memory_space<vmem>>, vector<1x16xf32>,
        %swap3A_434 = vector.shape_cast %swap3A_433 : vector<1x16xf32> to vector<16xf32>
        %swap3A_435 = vector.shape_cast %mul3A_430 : vector<16xf32> to vector<1x16xf32>
        tpu.vector_store %arg11[%swap3A_431, %swap3A_432], %swap3A_435 {strides = array<i32>} : memref<128x128xf32, #tpu.memory_space<vmem>>, vector<1x16xf32>,
        %get3A_436 = arith.index_cast %add3A_416 : i32 to index
        %get3A_437 = arith.constant 32 : index
        %get3A_438 = tpu.vector_load %arg11[%get3A_436, %get3A_437] {strides = array<i32>} : memref<128x128xf32, #tpu.memory_space<vmem>>, vector<1x16xf32>,
        %get3A_439 = vector.shape_cast %get3A_438 : vector<1x16xf32> to vector<16xf32>
        %mul3A_440 = arith.mulf %get3A_439, %get3A_156 : vector<16xf32>
        %swap3A_441 = arith.index_cast %add3A_416 : i32 to index
        %swap3A_442 = arith.constant 32 : index
        %swap3A_443 = tpu.vector_load %arg11[%swap3A_441, %swap3A_442] {strides = array<i32>} : memref<128x128xf32, #tpu.memory_space<vmem>>, vector<1x16xf32>,
        %swap3A_444 = vector.shape_cast %swap3A_443 : vector<1x16xf32> to vector<16xf32>
        %swap3A_445 = vector.shape_cast %mul3A_440 : vector<16xf32> to vector<1x16xf32>
        tpu.vector_store %arg11[%swap3A_441, %swap3A_442], %swap3A_445 {strides = array<i32>} : memref<128x128xf32, #tpu.memory_space<vmem>>, vector<1x16xf32>,
        %get3A_446 = arith.index_cast %add3A_416 : i32 to index
        %get3A_447 = arith.constant 48 : index
        %get3A_448 = tpu.vector_load %arg11[%get3A_446, %get3A_447] {strides = array<i32>} : memref<128x128xf32, #tpu.memory_space<vmem>>, vector<1x16xf32>,
        %get3A_449 = vector.shape_cast %get3A_448 : vector<1x16xf32> to vector<16xf32>
        %mul3A_450 = arith.mulf %get3A_449, %get3A_156 : vector<16xf32>
        %swap3A_451 = arith.index_cast %add3A_416 : i32 to index
        %swap3A_452 = arith.constant 48 : index
        %swap3A_453 = tpu.vector_load %arg11[%swap3A_451, %swap3A_452] {strides = array<i32>} : memref<128x128xf32, #tpu.memory_space<vmem>>, vector<1x16xf32>,
        %swap3A_454 = vector.shape_cast %swap3A_453 : vector<1x16xf32> to vector<16xf32>
        %swap3A_455 = vector.shape_cast %mul3A_450 : vector<16xf32> to vector<1x16xf32>
        tpu.vector_store %arg11[%swap3A_451, %swap3A_452], %swap3A_455 {strides = array<i32>} : memref<128x128xf32, #tpu.memory_space<vmem>>, vector<1x16xf32>,
        %get3A_456 = arith.index_cast %add3A_416 : i32 to index
        %get3A_457 = arith.constant 64 : index
        %get3A_458 = tpu.vector_load %arg11[%get3A_456, %get3A_457] {strides = array<i32>} : memref<128x128xf32, #tpu.memory_space<vmem>>, vector<1x16xf32>,
        %get3A_459 = vector.shape_cast %get3A_458 : vector<1x16xf32> to vector<16xf32>
        %mul3A_460 = arith.mulf %get3A_459, %get3A_156 : vector<16xf32>
        %swap3A_461 = arith.index_cast %add3A_416 : i32 to index
        %swap3A_462 = arith.constant 64 : index
        %swap3A_463 = tpu.vector_load %arg11[%swap3A_461, %swap3A_462] {strides = array<i32>} : memref<128x128xf32, #tpu.memory_space<vmem>>, vector<1x16xf32>,
        %swap3A_464 = vector.shape_cast %swap3A_463 : vector<1x16xf32> to vector<16xf32>
        %swap3A_465 = vector.shape_cast %mul3A_460 : vector<16xf32> to vector<1x16xf32>
        tpu.vector_store %arg11[%swap3A_461, %swap3A_462], %swap3A_465 {strides = array<i32>} : memref<128x128xf32, #tpu.memory_space<vmem>>, vector<1x16xf32>,
        %get3A_466 = arith.index_cast %add3A_416 : i32 to index
        %get3A_467 = arith.constant 80 : index
        %get3A_468 = tpu.vector_load %arg11[%get3A_466, %get3A_467] {strides = array<i32>} : memref<128x128xf32, #tpu.memory_space<vmem>>, vector<1x16xf32>,
        %get3A_469 = vector.shape_cast %get3A_468 : vector<1x16xf32> to vector<16xf32>
        %mul3A_470 = arith.mulf %get3A_469, %get3A_156 : vector<16xf32>
        %swap3A_471 = arith.index_cast %add3A_416 : i32 to index
        %swap3A_472 = arith.constant 80 : index
        %swap3A_473 = tpu.vector_load %arg11[%swap3A_471, %swap3A_472] {strides = array<i32>} : memref<128x128xf32, #tpu.memory_space<vmem>>, vector<1x16xf32>,
        %swap3A_474 = vector.shape_cast %swap3A_473 : vector<1x16xf32> to vector<16xf32>
        %swap3A_475 = vector.shape_cast %mul3A_470 : vector<16xf32> to vector<1x16xf32>
        tpu.vector_store %arg11[%swap3A_471, %swap3A_472], %swap3A_475 {strides = array<i32>} : memref<128x128xf32, #tpu.memory_space<vmem>>, vector<1x16xf32>,
        %get3A_476 = arith.index_cast %add3A_416 : i32 to index
        %get3A_477 = arith.constant 96 : index
        %get3A_478 = tpu.vector_load %arg11[%get3A_476, %get3A_477] {strides = array<i32>} : memref<128x128xf32, #tpu.memory_space<vmem>>, vector<1x16xf32>,
        %get3A_479 = vector.shape_cast %get3A_478 : vector<1x16xf32> to vector<16xf32>
        %mul3A_480 = arith.mulf %get3A_479, %get3A_156 : vector<16xf32>
        %swap3A_481 = arith.index_cast %add3A_416 : i32 to index
        %swap3A_482 = arith.constant 96 : index
        %swap3A_483 = tpu.vector_load %arg11[%swap3A_481, %swap3A_482] {strides = array<i32>} : memref<128x128xf32, #tpu.memory_space<vmem>>, vector<1x16xf32>,
        %swap3A_484 = vector.shape_cast %swap3A_483 : vector<1x16xf32> to vector<16xf32>
        %swap3A_485 = vector.shape_cast %mul3A_480 : vector<16xf32> to vector<1x16xf32>
        tpu.vector_store %arg11[%swap3A_481, %swap3A_482], %swap3A_485 {strides = array<i32>} : memref<128x128xf32, #tpu.memory_space<vmem>>, vector<1x16xf32>,
        %get3A_486 = arith.index_cast %add3A_416 : i32 to index
        %get3A_487 = arith.constant 112 : index
        %get3A_488 = tpu.vector_load %arg11[%get3A_486, %get3A_487] {strides = array<i32>} : memref<128x128xf32, #tpu.memory_space<vmem>>, vector<1x16xf32>,
        %get3A_489 = vector.shape_cast %get3A_488 : vector<1x16xf32> to vector<16xf32>
        %mul3A_490 = arith.mulf %get3A_489, %get3A_156 : vector<16xf32>
        %swap3A_491 = arith.index_cast %add3A_416 : i32 to index
        %swap3A_492 = arith.constant 112 : index
        %swap3A_493 = tpu.vector_load %arg11[%swap3A_491, %swap3A_492] {strides = array<i32>} : memref<128x128xf32, #tpu.memory_space<vmem>>, vector<1x16xf32>,
        %swap3A_494 = vector.shape_cast %swap3A_493 : vector<1x16xf32> to vector<16xf32>
        %swap3A_495 = vector.shape_cast %mul3A_490 : vector<16xf32> to vector<1x16xf32>
        tpu.vector_store %arg11[%swap3A_491, %swap3A_492], %swap3A_495 {strides = array<i32>} : memref<128x128xf32, #tpu.memory_space<vmem>>, vector<1x16xf32>,
      }
      %scan3A_350 = arith.constant 128 : i32
      %mul3A_351 = arith.constant 128 : i32
      %mul3A_352 = arith.muli %add3A_339, %mul3A_351 : i32
      %add3A_353 = arith.addi %mul3A_2, %mul3A_352 : i32
      %dma_start3A_354 = arith.constant 0 : i32
      %dma_start3A_355 = tpu.memref_slice %arg7[%add3A_353, %dma_start3A_354] : memref<204800x128xf32, #tpu.memory_space<hbm>> -> memref<128x128xf32, #tpu.memory_space<hbm>>
      %dma_start3A_356 = arith.constant 0 : i32
      %dma_start3A_357 = tpu.memref_slice %arg7[%add3A_353, %dma_start3A_356] : memref<204800x128xf32, #tpu.memory_space<hbm>> -> memref<128x128xf32, #tpu.memory_space<hbm>>
      tpu.enqueue_dma source(%arg11 : memref<128x128xf32, #tpu.memory_space<vmem>>) target(%dma_start3A_357 : memref<128x128xf32, #tpu.memory_space<hbm>>) target_semaphore(%arg17 : memref<!tpu.dma_semaphore, #tpu.memory_space<semaphore_mem>>)
      %sub3A_358 = arith.constant 1 : i32
      %sub3A_359 = arith.subi %add3A_339, %sub3A_358 : i32
      %mul3A_360 = arith.constant 128 : i32
      %mul3A_361 = arith.muli %sub3A_359, %mul3A_360 : i32
      %add3A_362 = arith.addi %mul3A_2, %mul3A_361 : i32
      %dma_wait3A_363 = arith.constant 0 : i32
      %dma_wait3A_364 = tpu.memref_slice %arg7[%add3A_362, %dma_wait3A_363] : memref<204800x128xf32, #tpu.memory_space<hbm>> -> memref<128x128xf32, #tpu.memory_space<hbm>>
      %dma_wait3A_365 = arith.constant 0 : i32
      %dma_wait3A_366 = tpu.memref_slice %arg7[%add3A_362, %dma_wait3A_365] : memref<204800x128xf32, #tpu.memory_space<hbm>> -> memref<128x128xf32, #tpu.memory_space<hbm>>
      tpu.wait_dma2 semaphore(%arg19 : memref<!tpu.dma_semaphore, #tpu.memory_space<semaphore_mem>>) src(%arg13 : memref<128x128xf32, #tpu.memory_space<vmem>>) dst(%dma_wait3A_366 : memref<128x128xf32, #tpu.memory_space<hbm>>)
      %add3A_367 = arith.constant 2 : i32
      %add3A_368 = arith.addi %add3A_339, %add3A_367 : i32
      %mul3A_369 = arith.constant 128 : i32
      %mul3A_370 = arith.muli %add3A_368, %mul3A_369 : i32
      %dma_start3A_371 = tpu.memref_slice %arg9[%mul3A_370] : memref<6400xi32, #tpu.memory_space<vmem>> -> memref<128xi32, #tpu.memory_space<vmem>>
      %dma_start3A_372 = arith.constant 0 : i32
      %dma_start3A_373 = arith.constant 0 : i32
      %dma_start3A_374 = tpu.memref_slice %arg5[%dma_start3A_372, %dma_start3A_373] : memref<100000x128xf32, #tpu.memory_space<hbm>> -> memref<100000x128xf32, #tpu.memory_space<hbm>>
      tpu.enqueue_indirect_dma source(%dma_start3A_374 : memref<100000x128xf32, #tpu.memory_space<hbm>>) target(%arg13 : memref<128x128xf32, #tpu.memory_space<vmem>>) offsets(%dma_start3A_371 : memref<128xi32, #tpu.memory_space<vmem>>) semaphore(%arg16 : memref<!tpu.dma_semaphore, #tpu.memory_space<semaphore_mem>>)
      %add3A_375 = arith.constant 2 : i32
      %add3A_376 = arith.addi %add3A_301, %add3A_375 : i32
      %mul3A_377 = arith.constant 128 : i32
      %mul3A_378 = arith.muli %add3A_376, %mul3A_377 : i32
      %dma_wait3A_379 = tpu.memref_slice %arg9[%mul3A_378] : memref<6400xi32, #tpu.memory_space<vmem>> -> memref<128xi32, #tpu.memory_space<vmem>>
      %dma_wait3A_380 = arith.constant 0 : i32
      %dma_wait3A_381 = arith.constant 0 : i32
      %dma_wait3A_382 = tpu.memref_slice %arg5[%dma_wait3A_380, %dma_wait3A_381] : memref<100000x128xf32, #tpu.memory_space<hbm>> -> memref<100000x128xf32, #tpu.memory_space<hbm>>
      tpu.wait_indirect_dma semaphore(%arg15 : memref<!tpu.dma_semaphore, #tpu.memory_space<semaphore_mem>>) src(%dma_wait3A_382 : memref<100000x128xf32, #tpu.memory_space<hbm>>) dst(%arg12 : memref<128x128xf32, #tpu.memory_space<vmem>>)
      %scan3A_383 = arith.constant 0 : i32
      %scan3A_384 = arith.constant 128 : i32
      %scan3A_385 = arith.addi %scan3A_383, %scan3A_384 : i32
      %scan3A_386 = arith.constant 1 : i32
      scf.for %scan3A_412 = %scan3A_383 to %scan3A_385 step %scan3A_386  : i32 {
        %mul3A_413 = arith.constant 1 : i32
        %mul3A_414 = arith.muli %scan3A_412, %mul3A_413 : i32
        %add3A_415 = arith.constant 0 : i32
        %add3A_416 = arith.addi %add3A_415, %mul3A_414 : i32
        %get3A_417 = arith.index_cast %add3A_416 : i32 to index
        %get3A_418 = arith.constant 0 : index
        %get3A_419 = tpu.vector_load %arg12[%get3A_417, %get3A_418] {strides = array<i32>} : memref<128x128xf32, #tpu.memory_space<vmem>>, vector<1x16xf32>,
        %get3A_420 = vector.shape_cast %get3A_419 : vector<1x16xf32> to vector<16xf32>
        %mul3A_421 = arith.mulf %get3A_420, %get3A_156 : vector<16xf32>
        %swap3A = arith.index_cast %add3A_416 : i32 to index
        %swap3A_422 = arith.constant 0 : index
        %swap3A_423 = tpu.vector_load %arg12[%swap3A, %swap3A_422] {strides = array<i32>} : memref<128x128xf32, #tpu.memory_space<vmem>>, vector<1x16xf32>,
        %swap3A_424 = vector.shape_cast %swap3A_423 : vector<1x16xf32> to vector<16xf32>
        %swap3A_425 = vector.shape_cast %mul3A_421 : vector<16xf32> to vector<1x16xf32>
        tpu.vector_store %arg12[%swap3A, %swap3A_422], %swap3A_425 {strides = array<i32>} : memref<128x128xf32, #tpu.memory_space<vmem>>, vector<1x16xf32>,
        %get3A_426 = arith.index_cast %add3A_416 : i32 to index
        %get3A_427 = arith.constant 16 : index
        %get3A_428 = tpu.vector_load %arg12[%get3A_426, %get3A_427] {strides = array<i32>} : memref<128x128xf32, #tpu.memory_space<vmem>>, vector<1x16xf32>,
        %get3A_429 = vector.shape_cast %get3A_428 : vector<1x16xf32> to vector<16xf32>
        %mul3A_430 = arith.mulf %get3A_429, %get3A_156 : vector<16xf32>
        %swap3A_431 = arith.index_cast %add3A_416 : i32 to index
        %swap3A_432 = arith.constant 16 : index
        %swap3A_433 = tpu.vector_load %arg12[%swap3A_431, %swap3A_432] {strides = array<i32>} : memref<128x128xf32, #tpu.memory_space<vmem>>, vector<1x16xf32>,
        %swap3A_434 = vector.shape_cast %swap3A_433 : vector<1x16xf32> to vector<16xf32>
        %swap3A_435 = vector.shape_cast %mul3A_430 : vector<16xf32> to vector<1x16xf32>
        tpu.vector_store %arg12[%swap3A_431, %swap3A_432], %swap3A_435 {strides = array<i32>} : memref<128x128xf32, #tpu.memory_space<vmem>>, vector<1x16xf32>,
        %get3A_436 = arith.index_cast %add3A_416 : i32 to index
        %get3A_437 = arith.constant 32 : index
        %get3A_438 = tpu.vector_load %arg12[%get3A_436, %get3A_437] {strides = array<i32>} : memref<128x128xf32, #tpu.memory_space<vmem>>, vector<1x16xf32>,
        %get3A_439 = vector.shape_cast %get3A_438 : vector<1x16xf32> to vector<16xf32>
        %mul3A_440 = arith.mulf %get3A_439, %get3A_156 : vector<16xf32>
        %swap3A_441 = arith.index_cast %add3A_416 : i32 to index
        %swap3A_442 = arith.constant 32 : index
        %swap3A_443 = tpu.vector_load %arg12[%swap3A_441, %swap3A_442] {strides = array<i32>} : memref<128x128xf32, #tpu.memory_space<vmem>>, vector<1x16xf32>,
        %swap3A_444 = vector.shape_cast %swap3A_443 : vector<1x16xf32> to vector<16xf32>
        %swap3A_445 = vector.shape_cast %mul3A_440 : vector<16xf32> to vector<1x16xf32>
        tpu.vector_store %arg12[%swap3A_441, %swap3A_442], %swap3A_445 {strides = array<i32>} : memref<128x128xf32, #tpu.memory_space<vmem>>, vector<1x16xf32>,
        %get3A_446 = arith.index_cast %add3A_416 : i32 to index
        %get3A_447 = arith.constant 48 : index
        %get3A_448 = tpu.vector_load %arg12[%get3A_446, %get3A_447] {strides = array<i32>} : memref<128x128xf32, #tpu.memory_space<vmem>>, vector<1x16xf32>,
        %get3A_449 = vector.shape_cast %get3A_448 : vector<1x16xf32> to vector<16xf32>
        %mul3A_450 = arith.mulf %get3A_449, %get3A_156 : vector<16xf32>
        %swap3A_451 = arith.index_cast %add3A_416 : i32 to index
        %swap3A_452 = arith.constant 48 : index
        %swap3A_453 = tpu.vector_load %arg12[%swap3A_451, %swap3A_452] {strides = array<i32>} : memref<128x128xf32, #tpu.memory_space<vmem>>, vector<1x16xf32>,
        %swap3A_454 = vector.shape_cast %swap3A_453 : vector<1x16xf32> to vector<16xf32>
        %swap3A_455 = vector.shape_cast %mul3A_450 : vector<16xf32> to vector<1x16xf32>
        tpu.vector_store %arg12[%swap3A_451, %swap3A_452], %swap3A_455 {strides = array<i32>} : memref<128x128xf32, #tpu.memory_space<vmem>>, vector<1x16xf32>,
        %get3A_456 = arith.index_cast %add3A_416 : i32 to index
        %get3A_457 = arith.constant 64 : index
        %get3A_458 = tpu.vector_load %arg12[%get3A_456, %get3A_457] {strides = array<i32>} : memref<128x128xf32, #tpu.memory_space<vmem>>, vector<1x16xf32>,
        %get3A_459 = vector.shape_cast %get3A_458 : vector<1x16xf32> to vector<16xf32>
        %mul3A_460 = arith.mulf %get3A_459, %get3A_156 : vector<16xf32>
        %swap3A_461 = arith.index_cast %add3A_416 : i32 to index
        %swap3A_462 = arith.constant 64 : index
        %swap3A_463 = tpu.vector_load %arg12[%swap3A_461, %swap3A_462] {strides = array<i32>} : memref<128x128xf32, #tpu.memory_space<vmem>>, vector<1x16xf32>,
        %swap3A_464 = vector.shape_cast %swap3A_463 : vector<1x16xf32> to vector<16xf32>
        %swap3A_465 = vector.shape_cast %mul3A_460 : vector<16xf32> to vector<1x16xf32>
        tpu.vector_store %arg12[%swap3A_461, %swap3A_462], %swap3A_465 {strides = array<i32>} : memref<128x128xf32, #tpu.memory_space<vmem>>, vector<1x16xf32>,
        %get3A_466 = arith.index_cast %add3A_416 : i32 to index
        %get3A_467 = arith.constant 80 : index
        %get3A_468 = tpu.vector_load %arg12[%get3A_466, %get3A_467] {strides = array<i32>} : memref<128x128xf32, #tpu.memory_space<vmem>>, vector<1x16xf32>,
        %get3A_469 = vector.shape_cast %get3A_468 : vector<1x16xf32> to vector<16xf32>
        %mul3A_470 = arith.mulf %get3A_469, %get3A_156 : vector<16xf32>
        %swap3A_471 = arith.index_cast %add3A_416 : i32 to index
        %swap3A_472 = arith.constant 80 : index
        %swap3A_473 = tpu.vector_load %arg12[%swap3A_471, %swap3A_472] {strides = array<i32>} : memref<128x128xf32, #tpu.memory_space<vmem>>, vector<1x16xf32>,
        %swap3A_474 = vector.shape_cast %swap3A_473 : vector<1x16xf32> to vector<16xf32>
        %swap3A_475 = vector.shape_cast %mul3A_470 : vector<16xf32> to vector<1x16xf32>
        tpu.vector_store %arg12[%swap3A_471, %swap3A_472], %swap3A_475 {strides = array<i32>} : memref<128x128xf32, #tpu.memory_space<vmem>>, vector<1x16xf32>,
        %get3A_476 = arith.index_cast %add3A_416 : i32 to index
        %get3A_477 = arith.constant 96 : index
        %get3A_478 = tpu.vector_load %arg12[%get3A_476, %get3A_477] {strides = array<i32>} : memref<128x128xf32, #tpu.memory_space<vmem>>, vector<1x16xf32>,
        %get3A_479 = vector.shape_cast %get3A_478 : vector<1x16xf32> to vector<16xf32>
        %mul3A_480 = arith.mulf %get3A_479, %get3A_156 : vector<16xf32>
        %swap3A_481 = arith.index_cast %add3A_416 : i32 to index
        %swap3A_482 = arith.constant 96 : index
        %swap3A_483 = tpu.vector_load %arg12[%swap3A_481, %swap3A_482] {strides = array<i32>} : memref<128x128xf32, #tpu.memory_space<vmem>>, vector<1x16xf32>,
        %swap3A_484 = vector.shape_cast %swap3A_483 : vector<1x16xf32> to vector<16xf32>
        %swap3A_485 = vector.shape_cast %mul3A_480 : vector<16xf32> to vector<1x16xf32>
        tpu.vector_store %arg12[%swap3A_481, %swap3A_482], %swap3A_485 {strides = array<i32>} : memref<128x128xf32, #tpu.memory_space<vmem>>, vector<1x16xf32>,
        %get3A_486 = arith.index_cast %add3A_416 : i32 to index
        %get3A_487 = arith.constant 112 : index
        %get3A_488 = tpu.vector_load %arg12[%get3A_486, %get3A_487] {strides = array<i32>} : memref<128x128xf32, #tpu.memory_space<vmem>>, vector<1x16xf32>,
        %get3A_489 = vector.shape_cast %get3A_488 : vector<1x16xf32> to vector<16xf32>
        %mul3A_490 = arith.mulf %get3A_489, %get3A_156 : vector<16xf32>
        %swap3A_491 = arith.index_cast %add3A_416 : i32 to index
        %swap3A_492 = arith.constant 112 : index
        %swap3A_493 = tpu.vector_load %arg12[%swap3A_491, %swap3A_492] {strides = array<i32>} : memref<128x128xf32, #tpu.memory_space<vmem>>, vector<1x16xf32>,
        %swap3A_494 = vector.shape_cast %swap3A_493 : vector<1x16xf32> to vector<16xf32>
        %swap3A_495 = vector.shape_cast %mul3A_490 : vector<16xf32> to vector<1x16xf32>
        tpu.vector_store %arg12[%swap3A_491, %swap3A_492], %swap3A_495 {strides = array<i32>} : memref<128x128xf32, #tpu.memory_space<vmem>>, vector<1x16xf32>,
      }
      %scan3A_387 = arith.constant 128 : i32
      %mul3A_388 = arith.constant 128 : i32
      %mul3A_389 = arith.muli %add3A_376, %mul3A_388 : i32
      %add3A_390 = arith.addi %mul3A_2, %mul3A_389 : i32
      %dma_start3A_391 = arith.constant 0 : i32
      %dma_start3A_392 = tpu.memref_slice %arg7[%add3A_390, %dma_start3A_391] : memref<204800x128xf32, #tpu.memory_space<hbm>> -> memref<128x128xf32, #tpu.memory_space<hbm>>
      %dma_start3A_393 = arith.constant 0 : i32
      %dma_start3A_394 = tpu.memref_slice %arg7[%add3A_390, %dma_start3A_393] : memref<204800x128xf32, #tpu.memory_space<hbm>> -> memref<128x128xf32, #tpu.memory_space<hbm>>
      tpu.enqueue_dma source(%arg12 : memref<128x128xf32, #tpu.memory_space<vmem>>) target(%dma_start3A_394 : memref<128x128xf32, #tpu.memory_space<hbm>>) target_semaphore(%arg18 : memref<!tpu.dma_semaphore, #tpu.memory_space<semaphore_mem>>)
      %sub3A_395 = arith.constant 1 : i32
      %sub3A_396 = arith.subi %add3A_376, %sub3A_395 : i32
      %mul3A_397 = arith.constant 128 : i32
      %mul3A_398 = arith.muli %sub3A_396, %mul3A_397 : i32
      %add3A_399 = arith.addi %mul3A_2, %mul3A_398 : i32
      %dma_wait3A_400 = arith.constant 0 : i32
      %dma_wait3A_401 = tpu.memref_slice %arg7[%add3A_399, %dma_wait3A_400] : memref<204800x128xf32, #tpu.memory_space<hbm>> -> memref<128x128xf32, #tpu.memory_space<hbm>>
      %dma_wait3A_402 = arith.constant 0 : i32
      %dma_wait3A_403 = tpu.memref_slice %arg7[%add3A_399, %dma_wait3A_402] : memref<204800x128xf32, #tpu.memory_space<hbm>> -> memref<128x128xf32, #tpu.memory_space<hbm>>
      tpu.wait_dma2 semaphore(%arg17 : memref<!tpu.dma_semaphore, #tpu.memory_space<semaphore_mem>>) src(%arg11 : memref<128x128xf32, #tpu.memory_space<vmem>>) dst(%dma_wait3A_403 : memref<128x128xf32, #tpu.memory_space<hbm>>)
      %add3A_404 = arith.constant 2 : i32
      %add3A_405 = arith.addi %add3A_376, %add3A_404 : i32
      %mul3A_406 = arith.constant 128 : i32
      %mul3A_407 = arith.muli %add3A_405, %mul3A_406 : i32
      %dma_start3A_408 = tpu.memref_slice %arg9[%mul3A_407] : memref<6400xi32, #tpu.memory_space<vmem>> -> memref<128xi32, #tpu.memory_space<vmem>>
      %dma_start3A_409 = arith.constant 0 : i32
      %dma_start3A_410 = arith.constant 0 : i32
      %dma_start3A_411 = tpu.memref_slice %arg5[%dma_start3A_409, %dma_start3A_410] : memref<100000x128xf32, #tpu.memory_space<hbm>> -> memref<100000x128xf32, #tpu.memory_space<hbm>>
      tpu.enqueue_indirect_dma source(%dma_start3A_411 : memref<100000x128xf32, #tpu.memory_space<hbm>>) target(%arg11 : memref<128x128xf32, #tpu.memory_space<vmem>>) offsets(%dma_start3A_408 : memref<128xi32, #tpu.memory_space<vmem>>) semaphore(%arg14 : memref<!tpu.dma_semaphore, #tpu.memory_space<semaphore_mem>>)
    }
    %scan3A_219 = arith.constant 15 : i32
    %dma_wait3A_220 = arith.constant 6016 : i32
    %dma_wait3A_221 = tpu.memref_slice %arg9[%dma_wait3A_220] : memref<6400xi32, #tpu.memory_space<vmem>> -> memref<128xi32, #tpu.memory_space<vmem>>
    %dma_wait3A_222 = arith.constant 0 : i32
    %dma_wait3A_223 = arith.constant 0 : i32
    %dma_wait3A_224 = tpu.memref_slice %arg5[%dma_wait3A_222, %dma_wait3A_223] : memref<100000x128xf32, #tpu.memory_space<hbm>> -> memref<100000x128xf32, #tpu.memory_space<hbm>>
    tpu.wait_indirect_dma semaphore(%arg16 : memref<!tpu.dma_semaphore, #tpu.memory_space<semaphore_mem>>) src(%dma_wait3A_224 : memref<100000x128xf32, #tpu.memory_space<hbm>>) dst(%arg13 : memref<128x128xf32, #tpu.memory_space<vmem>>)
    %scan3A_225 = arith.constant 0 : i32
    %scan3A_226 = arith.constant 128 : i32
    %scan3A_227 = arith.addi %scan3A_225, %scan3A_226 : i32
    %scan3A_228 = arith.constant 1 : i32
    scf.for %scan3A_297 = %scan3A_225 to %scan3A_227 step %scan3A_228  : i32 {
      %mul3A_298 = arith.constant 1 : i32
      %mul3A_299 = arith.muli %scan3A_297, %mul3A_298 : i32
      %add3A_300 = arith.constant 0 : i32
      %add3A_301 = arith.addi %add3A_300, %mul3A_299 : i32
      %get3A_302 = arith.index_cast %add3A_301 : i32 to index
      %get3A_303 = arith.constant 0 : index
      %get3A_304 = tpu.vector_load %arg13[%get3A_302, %get3A_303] {strides = array<i32>} : memref<128x128xf32, #tpu.memory_space<vmem>>, vector<1x16xf32>,
      %get3A_305 = vector.shape_cast %get3A_304 : vector<1x16xf32> to vector<16xf32>
      %mul3A_306 = arith.mulf %get3A_305, %get3A_156 : vector<16xf32>
      %swap3A = arith.index_cast %add3A_301 : i32 to index
      %swap3A_307 = arith.constant 0 : index
      %swap3A_308 = tpu.vector_load %arg13[%swap3A, %swap3A_307] {strides = array<i32>} : memref<128x128xf32, #tpu.memory_space<vmem>>, vector<1x16xf32>,
      %swap3A_309 = vector.shape_cast %swap3A_308 : vector<1x16xf32> to vector<16xf32>
      %swap3A_310 = vector.shape_cast %mul3A_306 : vector<16xf32> to vector<1x16xf32>
      tpu.vector_store %arg13[%swap3A, %swap3A_307], %swap3A_310 {strides = array<i32>} : memref<128x128xf32, #tpu.memory_space<vmem>>, vector<1x16xf32>,
      %get3A_311 = arith.index_cast %add3A_301 : i32 to index
      %get3A_312 = arith.constant 16 : index
      %get3A_313 = tpu.vector_load %arg13[%get3A_311, %get3A_312] {strides = array<i32>} : memref<128x128xf32, #tpu.memory_space<vmem>>, vector<1x16xf32>,
      %get3A_314 = vector.shape_cast %get3A_313 : vector<1x16xf32> to vector<16xf32>
      %mul3A_315 = arith.mulf %get3A_314, %get3A_156 : vector<16xf32>
      %swap3A_316 = arith.index_cast %add3A_301 : i32 to index
      %swap3A_317 = arith.constant 16 : index
      %swap3A_318 = tpu.vector_load %arg13[%swap3A_316, %swap3A_317] {strides = array<i32>} : memref<128x128xf32, #tpu.memory_space<vmem>>, vector<1x16xf32>,
      %swap3A_319 = vector.shape_cast %swap3A_318 : vector<1x16xf32> to vector<16xf32>
      %swap3A_320 = vector.shape_cast %mul3A_315 : vector<16xf32> to vector<1x16xf32>
      tpu.vector_store %arg13[%swap3A_316, %swap3A_317], %swap3A_320 {strides = array<i32>} : memref<128x128xf32, #tpu.memory_space<vmem>>, vector<1x16xf32>,
      %get3A_321 = arith.index_cast %add3A_301 : i32 to index
      %get3A_322 = arith.constant 32 : index
      %get3A_323 = tpu.vector_load %arg13[%get3A_321, %get3A_322] {strides = array<i32>} : memref<128x128xf32, #tpu.memory_space<vmem>>, vector<1x16xf32>,
      %get3A_324 = vector.shape_cast %get3A_323 : vector<1x16xf32> to vector<16xf32>
      %mul3A_325 = arith.mulf %get3A_324, %get3A_156 : vector<16xf32>
      %swap3A_326 = arith.index_cast %add3A_301 : i32 to index
      %swap3A_327 = arith.constant 32 : index
      %swap3A_328 = tpu.vector_load %arg13[%swap3A_326, %swap3A_327] {strides = array<i32>} : memref<128x128xf32, #tpu.memory_space<vmem>>, vector<1x16xf32>,
      %swap3A_329 = vector.shape_cast %swap3A_328 : vector<1x16xf32> to vector<16xf32>
      %swap3A_330 = vector.shape_cast %mul3A_325 : vector<16xf32> to vector<1x16xf32>
      tpu.vector_store %arg13[%swap3A_326, %swap3A_327], %swap3A_330 {strides = array<i32>} : memref<128x128xf32, #tpu.memory_space<vmem>>, vector<1x16xf32>,
      %get3A_331 = arith.index_cast %add3A_301 : i32 to index
      %get3A_332 = arith.constant 48 : index
      %get3A_333 = tpu.vector_load %arg13[%get3A_331, %get3A_332] {strides = array<i32>} : memref<128x128xf32, #tpu.memory_space<vmem>>, vector<1x16xf32>,
      %get3A_334 = vector.shape_cast %get3A_333 : vector<1x16xf32> to vector<16xf32>
      %mul3A_335 = arith.mulf %get3A_334, %get3A_156 : vector<16xf32>
      %swap3A_336 = arith.index_cast %add3A_301 : i32 to index
      %swap3A_337 = arith.constant 48 : index
      %swap3A_338 = tpu.vector_load %arg13[%swap3A_336, %swap3A_337] {strides = array<i32>} : memref<128x128xf32, #tpu.memory_space<vmem>>, vector<1x16xf32>,
      %swap3A_339 = vector.shape_cast %swap3A_338 : vector<1x16xf32> to vector<16xf32>
      %swap3A_340 = vector.shape_cast %mul3A_335 : vector<16xf32> to vector<1x16xf32>
      tpu.vector_store %arg13[%swap3A_336, %swap3A_337], %swap3A_340 {strides = array<i32>} : memref<128x128xf32, #tpu.memory_space<vmem>>, vector<1x16xf32>,
      %get3A_341 = arith.index_cast %add3A_301 : i32 to index
      %get3A_342 = arith.constant 64 : index
      %get3A_343 = tpu.vector_load %arg13[%get3A_341, %get3A_342] {strides = array<i32>} : memref<128x128xf32, #tpu.memory_space<vmem>>, vector<1x16xf32>,
      %get3A_344 = vector.shape_cast %get3A_343 : vector<1x16xf32> to vector<16xf32>
      %mul3A_345 = arith.mulf %get3A_344, %get3A_156 : vector<16xf32>
      %swap3A_346 = arith.index_cast %add3A_301 : i32 to index
      %swap3A_347 = arith.constant 64 : index
      %swap3A_348 = tpu.vector_load %arg13[%swap3A_346, %swap3A_347] {strides = array<i32>} : memref<128x128xf32, #tpu.memory_space<vmem>>, vector<1x16xf32>,
      %swap3A_349 = vector.shape_cast %swap3A_348 : vector<1x16xf32> to vector<16xf32>
      %swap3A_350 = vector.shape_cast %mul3A_345 : vector<16xf32> to vector<1x16xf32>
      tpu.vector_store %arg13[%swap3A_346, %swap3A_347], %swap3A_350 {strides = array<i32>} : memref<128x128xf32, #tpu.memory_space<vmem>>, vector<1x16xf32>,
      %get3A_351 = arith.index_cast %add3A_301 : i32 to index
      %get3A_352 = arith.constant 80 : index
      %get3A_353 = tpu.vector_load %arg13[%get3A_351, %get3A_352] {strides = array<i32>} : memref<128x128xf32, #tpu.memory_space<vmem>>, vector<1x16xf32>,
      %get3A_354 = vector.shape_cast %get3A_353 : vector<1x16xf32> to vector<16xf32>
      %mul3A_355 = arith.mulf %get3A_354, %get3A_156 : vector<16xf32>
      %swap3A_356 = arith.index_cast %add3A_301 : i32 to index
      %swap3A_357 = arith.constant 80 : index
      %swap3A_358 = tpu.vector_load %arg13[%swap3A_356, %swap3A_357] {strides = array<i32>} : memref<128x128xf32, #tpu.memory_space<vmem>>, vector<1x16xf32>,
      %swap3A_359 = vector.shape_cast %swap3A_358 : vector<1x16xf32> to vector<16xf32>
      %swap3A_360 = vector.shape_cast %mul3A_355 : vector<16xf32> to vector<1x16xf32>
      tpu.vector_store %arg13[%swap3A_356, %swap3A_357], %swap3A_360 {strides = array<i32>} : memref<128x128xf32, #tpu.memory_space<vmem>>, vector<1x16xf32>,
      %get3A_361 = arith.index_cast %add3A_301 : i32 to index
      %get3A_362 = arith.constant 96 : index
      %get3A_363 = tpu.vector_load %arg13[%get3A_361, %get3A_362] {strides = array<i32>} : memref<128x128xf32, #tpu.memory_space<vmem>>, vector<1x16xf32>,
      %get3A_364 = vector.shape_cast %get3A_363 : vector<1x16xf32> to vector<16xf32>
      %mul3A_365 = arith.mulf %get3A_364, %get3A_156 : vector<16xf32>
      %swap3A_366 = arith.index_cast %add3A_301 : i32 to index
      %swap3A_367 = arith.constant 96 : index
      %swap3A_368 = tpu.vector_load %arg13[%swap3A_366, %swap3A_367] {strides = array<i32>} : memref<128x128xf32, #tpu.memory_space<vmem>>, vector<1x16xf32>,
      %swap3A_369 = vector.shape_cast %swap3A_368 : vector<1x16xf32> to vector<16xf32>
      %swap3A_370 = vector.shape_cast %mul3A_365 : vector<16xf32> to vector<1x16xf32>
      tpu.vector_store %arg13[%swap3A_366, %swap3A_367], %swap3A_370 {strides = array<i32>} : memref<128x128xf32, #tpu.memory_space<vmem>>, vector<1x16xf32>,
      %get3A_371 = arith.index_cast %add3A_301 : i32 to index
      %get3A_372 = arith.constant 112 : index
      %get3A_373 = tpu.vector_load %arg13[%get3A_371, %get3A_372] {strides = array<i32>} : memref<128x128xf32, #tpu.memory_space<vmem>>, vector<1x16xf32>,
      %get3A_374 = vector.shape_cast %get3A_373 : vector<1x16xf32> to vector<16xf32>
      %mul3A_375 = arith.mulf %get3A_374, %get3A_156 : vector<16xf32>
      %swap3A_376 = arith.index_cast %add3A_301 : i32 to index
      %swap3A_377 = arith.constant 112 : index
      %swap3A_378 = tpu.vector_load %arg13[%swap3A_376, %swap3A_377] {strides = array<i32>} : memref<128x128xf32, #tpu.memory_space<vmem>>, vector<1x16xf32>,
      %swap3A_379 = vector.shape_cast %swap3A_378 : vector<1x16xf32> to vector<16xf32>
      %swap3A_380 = vector.shape_cast %mul3A_375 : vector<16xf32> to vector<1x16xf32>
      tpu.vector_store %arg13[%swap3A_376, %swap3A_377], %swap3A_380 {strides = array<i32>} : memref<128x128xf32, #tpu.memory_space<vmem>>, vector<1x16xf32>,
    }
    %scan3A_229 = arith.constant 128 : i32
    %add3A_230 = arith.constant 6016 : i32
    %add3A_231 = arith.addi %mul3A_2, %add3A_230 : i32
    %dma_start3A_232 = arith.constant 0 : i32
    %dma_start3A_233 = tpu.memref_slice %arg7[%add3A_231, %dma_start3A_232] : memref<204800x128xf32, #tpu.memory_space<hbm>> -> memref<128x128xf32, #tpu.memory_space<hbm>>
    %dma_start3A_234 = arith.constant 0 : i32
    %dma_start3A_235 = tpu.memref_slice %arg7[%add3A_231, %dma_start3A_234] : memref<204800x128xf32, #tpu.memory_space<hbm>> -> memref<128x128xf32, #tpu.memory_space<hbm>>
    tpu.enqueue_dma source(%arg13 : memref<128x128xf32, #tpu.memory_space<vmem>>) target(%dma_start3A_235 : memref<128x128xf32, #tpu.memory_space<hbm>>) target_semaphore(%arg19 : memref<!tpu.dma_semaphore, #tpu.memory_space<semaphore_mem>>)
    %add3A_236 = arith.constant 5888 : i32
    %add3A_237 = arith.addi %mul3A_2, %add3A_236 : i32
    %dma_wait3A_238 = arith.constant 0 : i32
    %dma_wait3A_239 = tpu.memref_slice %arg7[%add3A_237, %dma_wait3A_238] : memref<204800x128xf32, #tpu.memory_space<hbm>> -> memref<128x128xf32, #tpu.memory_space<hbm>>
    %dma_wait3A_240 = arith.constant 0 : i32
    %dma_wait3A_241 = tpu.memref_slice %arg7[%add3A_237, %dma_wait3A_240] : memref<204800x128xf32, #tpu.memory_space<hbm>> -> memref<128x128xf32, #tpu.memory_space<hbm>>
    tpu.wait_dma2 semaphore(%arg18 : memref<!tpu.dma_semaphore, #tpu.memory_space<semaphore_mem>>) src(%arg12 : memref<128x128xf32, #tpu.memory_space<vmem>>) dst(%dma_wait3A_241 : memref<128x128xf32, #tpu.memory_space<hbm>>)
    %dma_start3A_242 = arith.constant 6272 : i32
    %dma_start3A_243 = tpu.memref_slice %arg9[%dma_start3A_242] : memref<6400xi32, #tpu.memory_space<vmem>> -> memref<128xi32, #tpu.memory_space<vmem>>
    %dma_start3A_244 = arith.constant 0 : i32
    %dma_start3A_245 = arith.constant 0 : i32
    %dma_start3A_246 = tpu.memref_slice %arg5[%dma_start3A_244, %dma_start3A_245] : memref<100000x128xf32, #tpu.memory_space<hbm>> -> memref<100000x128xf32, #tpu.memory_space<hbm>>
    tpu.enqueue_indirect_dma source(%dma_start3A_246 : memref<100000x128xf32, #tpu.memory_space<hbm>>) target(%arg12 : memref<128x128xf32, #tpu.memory_space<vmem>>) offsets(%dma_start3A_243 : memref<128xi32, #tpu.memory_space<vmem>>) semaphore(%arg15 : memref<!tpu.dma_semaphore, #tpu.memory_space<semaphore_mem>>)
    %dma_wait3A_247 = arith.constant 6144 : i32
    %dma_wait3A_248 = tpu.memref_slice %arg9[%dma_wait3A_247] : memref<6400xi32, #tpu.memory_space<vmem>> -> memref<128xi32, #tpu.memory_space<vmem>>
    %dma_wait3A_249 = arith.constant 0 : i32
    %dma_wait3A_250 = arith.constant 0 : i32
    %dma_wait3A_251 = tpu.memref_slice %arg5[%dma_wait3A_249, %dma_wait3A_250] : memref<100000x128xf32, #tpu.memory_space<hbm>> -> memref<100000x128xf32, #tpu.memory_space<hbm>>
    tpu.wait_indirect_dma semaphore(%arg14 : memref<!tpu.dma_semaphore, #tpu.memory_space<semaphore_mem>>) src(%dma_wait3A_251 : memref<100000x128xf32, #tpu.memory_space<hbm>>) dst(%arg11 : memref<128x128xf32, #tpu.memory_space<vmem>>)
    %scan3A_252 = arith.constant 0 : i32
    %scan3A_253 = arith.constant 128 : i32
    %scan3A_254 = arith.addi %scan3A_252, %scan3A_253 : i32
    %scan3A_255 = arith.constant 1 : i32
    scf.for %scan3A_297 = %scan3A_252 to %scan3A_254 step %scan3A_255  : i32 {
      %mul3A_298 = arith.constant 1 : i32
      %mul3A_299 = arith.muli %scan3A_297, %mul3A_298 : i32
      %add3A_300 = arith.constant 0 : i32
      %add3A_301 = arith.addi %add3A_300, %mul3A_299 : i32
      %get3A_302 = arith.index_cast %add3A_301 : i32 to index
      %get3A_303 = arith.constant 0 : index
      %get3A_304 = tpu.vector_load %arg11[%get3A_302, %get3A_303] {strides = array<i32>} : memref<128x128xf32, #tpu.memory_space<vmem>>, vector<1x16xf32>,
      %get3A_305 = vector.shape_cast %get3A_304 : vector<1x16xf32> to vector<16xf32>
      %mul3A_306 = arith.mulf %get3A_305, %get3A_156 : vector<16xf32>
      %swap3A = arith.index_cast %add3A_301 : i32 to index
      %swap3A_307 = arith.constant 0 : index
      %swap3A_308 = tpu.vector_load %arg11[%swap3A, %swap3A_307] {strides = array<i32>} : memref<128x128xf32, #tpu.memory_space<vmem>>, vector<1x16xf32>,
      %swap3A_309 = vector.shape_cast %swap3A_308 : vector<1x16xf32> to vector<16xf32>
      %swap3A_310 = vector.shape_cast %mul3A_306 : vector<16xf32> to vector<1x16xf32>
      tpu.vector_store %arg11[%swap3A, %swap3A_307], %swap3A_310 {strides = array<i32>} : memref<128x128xf32, #tpu.memory_space<vmem>>, vector<1x16xf32>,
      %get3A_311 = arith.index_cast %add3A_301 : i32 to index
      %get3A_312 = arith.constant 16 : index
      %get3A_313 = tpu.vector_load %arg11[%get3A_311, %get3A_312] {strides = array<i32>} : memref<128x128xf32, #tpu.memory_space<vmem>>, vector<1x16xf32>,
      %get3A_314 = vector.shape_cast %get3A_313 : vector<1x16xf32> to vector<16xf32>
      %mul3A_315 = arith.mulf %get3A_314, %get3A_156 : vector<16xf32>
      %swap3A_316 = arith.index_cast %add3A_301 : i32 to index
      %swap3A_317 = arith.constant 16 : index
      %swap3A_318 = tpu.vector_load %arg11[%swap3A_316, %swap3A_317] {strides = array<i32>} : memref<128x128xf32, #tpu.memory_space<vmem>>, vector<1x16xf32>,
      %swap3A_319 = vector.shape_cast %swap3A_318 : vector<1x16xf32> to vector<16xf32>
      %swap3A_320 = vector.shape_cast %mul3A_315 : vector<16xf32> to vector<1x16xf32>
      tpu.vector_store %arg11[%swap3A_316, %swap3A_317], %swap3A_320 {strides = array<i32>} : memref<128x128xf32, #tpu.memory_space<vmem>>, vector<1x16xf32>,
      %get3A_321 = arith.index_cast %add3A_301 : i32 to index
      %get3A_322 = arith.constant 32 : index
      %get3A_323 = tpu.vector_load %arg11[%get3A_321, %get3A_322] {strides = array<i32>} : memref<128x128xf32, #tpu.memory_space<vmem>>, vector<1x16xf32>,
      %get3A_324 = vector.shape_cast %get3A_323 : vector<1x16xf32> to vector<16xf32>
      %mul3A_325 = arith.mulf %get3A_324, %get3A_156 : vector<16xf32>
      %swap3A_326 = arith.index_cast %add3A_301 : i32 to index
      %swap3A_327 = arith.constant 32 : index
      %swap3A_328 = tpu.vector_load %arg11[%swap3A_326, %swap3A_327] {strides = array<i32>} : memref<128x128xf32, #tpu.memory_space<vmem>>, vector<1x16xf32>,
      %swap3A_329 = vector.shape_cast %swap3A_328 : vector<1x16xf32> to vector<16xf32>
      %swap3A_330 = vector.shape_cast %mul3A_325 : vector<16xf32> to vector<1x16xf32>
      tpu.vector_store %arg11[%swap3A_326, %swap3A_327], %swap3A_330 {strides = array<i32>} : memref<128x128xf32, #tpu.memory_space<vmem>>, vector<1x16xf32>,
      %get3A_331 = arith.index_cast %add3A_301 : i32 to index
      %get3A_332 = arith.constant 48 : index
      %get3A_333 = tpu.vector_load %arg11[%get3A_331, %get3A_332] {strides = array<i32>} : memref<128x128xf32, #tpu.memory_space<vmem>>, vector<1x16xf32>,
      %get3A_334 = vector.shape_cast %get3A_333 : vector<1x16xf32> to vector<16xf32>
      %mul3A_335 = arith.mulf %get3A_334, %get3A_156 : vector<16xf32>
      %swap3A_336 = arith.index_cast %add3A_301 : i32 to index
      %swap3A_337 = arith.constant 48 : index
      %swap3A_338 = tpu.vector_load %arg11[%swap3A_336, %swap3A_337] {strides = array<i32>} : memref<128x128xf32, #tpu.memory_space<vmem>>, vector<1x16xf32>,
      %swap3A_339 = vector.shape_cast %swap3A_338 : vector<1x16xf32> to vector<16xf32>
      %swap3A_340 = vector.shape_cast %mul3A_335 : vector<16xf32> to vector<1x16xf32>
      tpu.vector_store %arg11[%swap3A_336, %swap3A_337], %swap3A_340 {strides = array<i32>} : memref<128x128xf32, #tpu.memory_space<vmem>>, vector<1x16xf32>,
      %get3A_341 = arith.index_cast %add3A_301 : i32 to index
      %get3A_342 = arith.constant 64 : index
      %get3A_343 = tpu.vector_load %arg11[%get3A_341, %get3A_342] {strides = array<i32>} : memref<128x128xf32, #tpu.memory_space<vmem>>, vector<1x16xf32>,
      %get3A_344 = vector.shape_cast %get3A_343 : vector<1x16xf32> to vector<16xf32>
      %mul3A_345 = arith.mulf %get3A_344, %get3A_156 : vector<16xf32>
      %swap3A_346 = arith.index_cast %add3A_301 : i32 to index
      %swap3A_347 = arith.constant 64 : index
      %swap3A_348 = tpu.vector_load %arg11[%swap3A_346, %swap3A_347] {strides = array<i32>} : memref<128x128xf32, #tpu.memory_space<vmem>>, vector<1x16xf32>,
      %swap3A_349 = vector.shape_cast %swap3A_348 : vector<1x16xf32> to vector<16xf32>
      %swap3A_350 = vector.shape_cast %mul3A_345 : vector<16xf32> to vector<1x16xf32>
      tpu.vector_store %arg11[%swap3A_346, %swap3A_347], %swap3A_350 {strides = array<i32>} : memref<128x128xf32, #tpu.memory_space<vmem>>, vector<1x16xf32>,
      %get3A_351 = arith.index_cast %add3A_301 : i32 to index
      %get3A_352 = arith.constant 80 : index
      %get3A_353 = tpu.vector_load %arg11[%get3A_351, %get3A_352] {strides = array<i32>} : memref<128x128xf32, #tpu.memory_space<vmem>>, vector<1x16xf32>,
      %get3A_354 = vector.shape_cast %get3A_353 : vector<1x16xf32> to vector<16xf32>
      %mul3A_355 = arith.mulf %get3A_354, %get3A_156 : vector<16xf32>
      %swap3A_356 = arith.index_cast %add3A_301 : i32 to index
      %swap3A_357 = arith.constant 80 : index
      %swap3A_358 = tpu.vector_load %arg11[%swap3A_356, %swap3A_357] {strides = array<i32>} : memref<128x128xf32, #tpu.memory_space<vmem>>, vector<1x16xf32>,
      %swap3A_359 = vector.shape_cast %swap3A_358 : vector<1x16xf32> to vector<16xf32>
      %swap3A_360 = vector.shape_cast %mul3A_355 : vector<16xf32> to vector<1x16xf32>
      tpu.vector_store %arg11[%swap3A_356, %swap3A_357], %swap3A_360 {strides = array<i32>} : memref<128x128xf32, #tpu.memory_space<vmem>>, vector<1x16xf32>,
      %get3A_361 = arith.index_cast %add3A_301 : i32 to index
      %get3A_362 = arith.constant 96 : index
      %get3A_363 = tpu.vector_load %arg11[%get3A_361, %get3A_362] {strides = array<i32>} : memref<128x128xf32, #tpu.memory_space<vmem>>, vector<1x16xf32>,
      %get3A_364 = vector.shape_cast %get3A_363 : vector<1x16xf32> to vector<16xf32>
      %mul3A_365 = arith.mulf %get3A_364, %get3A_156 : vector<16xf32>
      %swap3A_366 = arith.index_cast %add3A_301 : i32 to index
      %swap3A_367 = arith.constant 96 : index
      %swap3A_368 = tpu.vector_load %arg11[%swap3A_366, %swap3A_367] {strides = array<i32>} : memref<128x128xf32, #tpu.memory_space<vmem>>, vector<1x16xf32>,
      %swap3A_369 = vector.shape_cast %swap3A_368 : vector<1x16xf32> to vector<16xf32>
      %swap3A_370 = vector.shape_cast %mul3A_365 : vector<16xf32> to vector<1x16xf32>
      tpu.vector_store %arg11[%swap3A_366, %swap3A_367], %swap3A_370 {strides = array<i32>} : memref<128x128xf32, #tpu.memory_space<vmem>>, vector<1x16xf32>,
      %get3A_371 = arith.index_cast %add3A_301 : i32 to index
      %get3A_372 = arith.constant 112 : index
      %get3A_373 = tpu.vector_load %arg11[%get3A_371, %get3A_372] {strides = array<i32>} : memref<128x128xf32, #tpu.memory_space<vmem>>, vector<1x16xf32>,
      %get3A_374 = vector.shape_cast %get3A_373 : vector<1x16xf32> to vector<16xf32>
      %mul3A_375 = arith.mulf %get3A_374, %get3A_156 : vector<16xf32>
      %swap3A_376 = arith.index_cast %add3A_301 : i32 to index
      %swap3A_377 = arith.constant 112 : index
      %swap3A_378 = tpu.vector_load %arg11[%swap3A_376, %swap3A_377] {strides = array<i32>} : memref<128x128xf32, #tpu.memory_space<vmem>>, vector<1x16xf32>,
      %swap3A_379 = vector.shape_cast %swap3A_378 : vector<1x16xf32> to vector<16xf32>
      %swap3A_380 = vector.shape_cast %mul3A_375 : vector<16xf32> to vector<1x16xf32>
      tpu.vector_store %arg11[%swap3A_376, %swap3A_377], %swap3A_380 {strides = array<i32>} : memref<128x128xf32, #tpu.memory_space<vmem>>, vector<1x16xf32>,
    }
    %scan3A_256 = arith.constant 128 : i32
    %add3A_257 = arith.constant 6144 : i32
    %add3A_258 = arith.addi %mul3A_2, %add3A_257 : i32
    %dma_start3A_259 = arith.constant 0 : i32
    %dma_start3A_260 = tpu.memref_slice %arg7[%add3A_258, %dma_start3A_259] : memref<204800x128xf32, #tpu.memory_space<hbm>> -> memref<128x128xf32, #tpu.memory_space<hbm>>
    %dma_start3A_261 = arith.constant 0 : i32
    %dma_start3A_262 = tpu.memref_slice %arg7[%add3A_258, %dma_start3A_261] : memref<204800x128xf32, #tpu.memory_space<hbm>> -> memref<128x128xf32, #tpu.memory_space<hbm>>
    tpu.enqueue_dma source(%arg11 : memref<128x128xf32, #tpu.memory_space<vmem>>) target(%dma_start3A_262 : memref<128x128xf32, #tpu.memory_space<hbm>>) target_semaphore(%arg17 : memref<!tpu.dma_semaphore, #tpu.memory_space<semaphore_mem>>)
    %add3A_263 = arith.constant 6016 : i32
    %add3A_264 = arith.addi %mul3A_2, %add3A_263 : i32
    %dma_wait3A_265 = arith.constant 0 : i32
    %dma_wait3A_266 = tpu.memref_slice %arg7[%add3A_264, %dma_wait3A_265] : memref<204800x128xf32, #tpu.memory_space<hbm>> -> memref<128x128xf32, #tpu.memory_space<hbm>>
    %dma_wait3A_267 = arith.constant 0 : i32
    %dma_wait3A_268 = tpu.memref_slice %arg7[%add3A_264, %dma_wait3A_267] : memref<204800x128xf32, #tpu.memory_space<hbm>> -> memref<128x128xf32, #tpu.memory_space<hbm>>
    tpu.wait_dma2 semaphore(%arg19 : memref<!tpu.dma_semaphore, #tpu.memory_space<semaphore_mem>>) src(%arg13 : memref<128x128xf32, #tpu.memory_space<vmem>>) dst(%dma_wait3A_268 : memref<128x128xf32, #tpu.memory_space<hbm>>)
    %dma_wait3A_269 = arith.constant 6272 : i32
    %dma_wait3A_270 = tpu.memref_slice %arg9[%dma_wait3A_269] : memref<6400xi32, #tpu.memory_space<vmem>> -> memref<128xi32, #tpu.memory_space<vmem>>
    %dma_wait3A_271 = arith.constant 0 : i32
    %dma_wait3A_272 = arith.constant 0 : i32
    %dma_wait3A_273 = tpu.memref_slice %arg5[%dma_wait3A_271, %dma_wait3A_272] : memref<100000x128xf32, #tpu.memory_space<hbm>> -> memref<100000x128xf32, #tpu.memory_space<hbm>>
    tpu.wait_indirect_dma semaphore(%arg15 : memref<!tpu.dma_semaphore, #tpu.memory_space<semaphore_mem>>) src(%dma_wait3A_273 : memref<100000x128xf32, #tpu.memory_space<hbm>>) dst(%arg12 : memref<128x128xf32, #tpu.memory_space<vmem>>)
    %scan3A_274 = arith.constant 0 : i32
    %scan3A_275 = arith.constant 128 : i32
    %scan3A_276 = arith.addi %scan3A_274, %scan3A_275 : i32
    %scan3A_277 = arith.constant 1 : i32
    scf.for %scan3A_297 = %scan3A_274 to %scan3A_276 step %scan3A_277  : i32 {
      %mul3A_298 = arith.constant 1 : i32
      %mul3A_299 = arith.muli %scan3A_297, %mul3A_298 : i32
      %add3A_300 = arith.constant 0 : i32
      %add3A_301 = arith.addi %add3A_300, %mul3A_299 : i32
      %get3A_302 = arith.index_cast %add3A_301 : i32 to index
      %get3A_303 = arith.constant 0 : index
      %get3A_304 = tpu.vector_load %arg12[%get3A_302, %get3A_303] {strides = array<i32>} : memref<128x128xf32, #tpu.memory_space<vmem>>, vector<1x16xf32>,
      %get3A_305 = vector.shape_cast %get3A_304 : vector<1x16xf32> to vector<16xf32>
      %mul3A_306 = arith.mulf %get3A_305, %get3A_156 : vector<16xf32>
      %swap3A = arith.index_cast %add3A_301 : i32 to index
      %swap3A_307 = arith.constant 0 : index
      %swap3A_308 = tpu.vector_load %arg12[%swap3A, %swap3A_307] {strides = array<i32>} : memref<128x128xf32, #tpu.memory_space<vmem>>, vector<1x16xf32>,
      %swap3A_309 = vector.shape_cast %swap3A_308 : vector<1x16xf32> to vector<16xf32>
      %swap3A_310 = vector.shape_cast %mul3A_306 : vector<16xf32> to vector<1x16xf32>
      tpu.vector_store %arg12[%swap3A, %swap3A_307], %swap3A_310 {strides = array<i32>} : memref<128x128xf32, #tpu.memory_space<vmem>>, vector<1x16xf32>,
      %get3A_311 = arith.index_cast %add3A_301 : i32 to index
      %get3A_312 = arith.constant 16 : index
      %get3A_313 = tpu.vector_load %arg12[%get3A_311, %get3A_312] {strides = array<i32>} : memref<128x128xf32, #tpu.memory_space<vmem>>, vector<1x16xf32>,
      %get3A_314 = vector.shape_cast %get3A_313 : vector<1x16xf32> to vector<16xf32>
      %mul3A_315 = arith.mulf %get3A_314, %get3A_156 : vector<16xf32>
      %swap3A_316 = arith.index_cast %add3A_301 : i32 to index
      %swap3A_317 = arith.constant 16 : index
      %swap3A_318 = tpu.vector_load %arg12[%swap3A_316, %swap3A_317] {strides = array<i32>} : memref<128x128xf32, #tpu.memory_space<vmem>>, vector<1x16xf32>,
      %swap3A_319 = vector.shape_cast %swap3A_318 : vector<1x16xf32> to vector<16xf32>
      %swap3A_320 = vector.shape_cast %mul3A_315 : vector<16xf32> to vector<1x16xf32>
      tpu.vector_store %arg12[%swap3A_316, %swap3A_317], %swap3A_320 {strides = array<i32>} : memref<128x128xf32, #tpu.memory_space<vmem>>, vector<1x16xf32>,
      %get3A_321 = arith.index_cast %add3A_301 : i32 to index
      %get3A_322 = arith.constant 32 : index
      %get3A_323 = tpu.vector_load %arg12[%get3A_321, %get3A_322] {strides = array<i32>} : memref<128x128xf32, #tpu.memory_space<vmem>>, vector<1x16xf32>,
      %get3A_324 = vector.shape_cast %get3A_323 : vector<1x16xf32> to vector<16xf32>
      %mul3A_325 = arith.mulf %get3A_324, %get3A_156 : vector<16xf32>
      %swap3A_326 = arith.index_cast %add3A_301 : i32 to index
      %swap3A_327 = arith.constant 32 : index
      %swap3A_328 = tpu.vector_load %arg12[%swap3A_326, %swap3A_327] {strides = array<i32>} : memref<128x128xf32, #tpu.memory_space<vmem>>, vector<1x16xf32>,
      %swap3A_329 = vector.shape_cast %swap3A_328 : vector<1x16xf32> to vector<16xf32>
      %swap3A_330 = vector.shape_cast %mul3A_325 : vector<16xf32> to vector<1x16xf32>
      tpu.vector_store %arg12[%swap3A_326, %swap3A_327], %swap3A_330 {strides = array<i32>} : memref<128x128xf32, #tpu.memory_space<vmem>>, vector<1x16xf32>,
      %get3A_331 = arith.index_cast %add3A_301 : i32 to index
      %get3A_332 = arith.constant 48 : index
      %get3A_333 = tpu.vector_load %arg12[%get3A_331, %get3A_332] {strides = array<i32>} : memref<128x128xf32, #tpu.memory_space<vmem>>, vector<1x16xf32>,
      %get3A_334 = vector.shape_cast %get3A_333 : vector<1x16xf32> to vector<16xf32>
      %mul3A_335 = arith.mulf %get3A_334, %get3A_156 : vector<16xf32>
      %swap3A_336 = arith.index_cast %add3A_301 : i32 to index
      %swap3A_337 = arith.constant 48 : index
      %swap3A_338 = tpu.vector_load %arg12[%swap3A_336, %swap3A_337] {strides = array<i32>} : memref<128x128xf32, #tpu.memory_space<vmem>>, vector<1x16xf32>,
      %swap3A_339 = vector.shape_cast %swap3A_338 : vector<1x16xf32> to vector<16xf32>
      %swap3A_340 = vector.shape_cast %mul3A_335 : vector<16xf32> to vector<1x16xf32>
      tpu.vector_store %arg12[%swap3A_336, %swap3A_337], %swap3A_340 {strides = array<i32>} : memref<128x128xf32, #tpu.memory_space<vmem>>, vector<1x16xf32>,
      %get3A_341 = arith.index_cast %add3A_301 : i32 to index
      %get3A_342 = arith.constant 64 : index
      %get3A_343 = tpu.vector_load %arg12[%get3A_341, %get3A_342] {strides = array<i32>} : memref<128x128xf32, #tpu.memory_space<vmem>>, vector<1x16xf32>,
      %get3A_344 = vector.shape_cast %get3A_343 : vector<1x16xf32> to vector<16xf32>
      %mul3A_345 = arith.mulf %get3A_344, %get3A_156 : vector<16xf32>
      %swap3A_346 = arith.index_cast %add3A_301 : i32 to index
      %swap3A_347 = arith.constant 64 : index
      %swap3A_348 = tpu.vector_load %arg12[%swap3A_346, %swap3A_347] {strides = array<i32>} : memref<128x128xf32, #tpu.memory_space<vmem>>, vector<1x16xf32>,
      %swap3A_349 = vector.shape_cast %swap3A_348 : vector<1x16xf32> to vector<16xf32>
      %swap3A_350 = vector.shape_cast %mul3A_345 : vector<16xf32> to vector<1x16xf32>
      tpu.vector_store %arg12[%swap3A_346, %swap3A_347], %swap3A_350 {strides = array<i32>} : memref<128x128xf32, #tpu.memory_space<vmem>>, vector<1x16xf32>,
      %get3A_351 = arith.index_cast %add3A_301 : i32 to index
      %get3A_352 = arith.constant 80 : index
      %get3A_353 = tpu.vector_load %arg12[%get3A_351, %get3A_352] {strides = array<i32>} : memref<128x128xf32, #tpu.memory_space<vmem>>, vector<1x16xf32>,
      %get3A_354 = vector.shape_cast %get3A_353 : vector<1x16xf32> to vector<16xf32>
      %mul3A_355 = arith.mulf %get3A_354, %get3A_156 : vector<16xf32>
      %swap3A_356 = arith.index_cast %add3A_301 : i32 to index
      %swap3A_357 = arith.constant 80 : index
      %swap3A_358 = tpu.vector_load %arg12[%swap3A_356, %swap3A_357] {strides = array<i32>} : memref<128x128xf32, #tpu.memory_space<vmem>>, vector<1x16xf32>,
      %swap3A_359 = vector.shape_cast %swap3A_358 : vector<1x16xf32> to vector<16xf32>
      %swap3A_360 = vector.shape_cast %mul3A_355 : vector<16xf32> to vector<1x16xf32>
      tpu.vector_store %arg12[%swap3A_356, %swap3A_357], %swap3A_360 {strides = array<i32>} : memref<128x128xf32, #tpu.memory_space<vmem>>, vector<1x16xf32>,
      %get3A_361 = arith.index_cast %add3A_301 : i32 to index
      %get3A_362 = arith.constant 96 : index
      %get3A_363 = tpu.vector_load %arg12[%get3A_361, %get3A_362] {strides = array<i32>} : memref<128x128xf32, #tpu.memory_space<vmem>>, vector<1x16xf32>,
      %get3A_364 = vector.shape_cast %get3A_363 : vector<1x16xf32> to vector<16xf32>
      %mul3A_365 = arith.mulf %get3A_364, %get3A_156 : vector<16xf32>
      %swap3A_366 = arith.index_cast %add3A_301 : i32 to index
      %swap3A_367 = arith.constant 96 : index
      %swap3A_368 = tpu.vector_load %arg12[%swap3A_366, %swap3A_367] {strides = array<i32>} : memref<128x128xf32, #tpu.memory_space<vmem>>, vector<1x16xf32>,
      %swap3A_369 = vector.shape_cast %swap3A_368 : vector<1x16xf32> to vector<16xf32>
      %swap3A_370 = vector.shape_cast %mul3A_365 : vector<16xf32> to vector<1x16xf32>
      tpu.vector_store %arg12[%swap3A_366, %swap3A_367], %swap3A_370 {strides = array<i32>} : memref<128x128xf32, #tpu.memory_space<vmem>>, vector<1x16xf32>,
      %get3A_371 = arith.index_cast %add3A_301 : i32 to index
      %get3A_372 = arith.constant 112 : index
      %get3A_373 = tpu.vector_load %arg12[%get3A_371, %get3A_372] {strides = array<i32>} : memref<128x128xf32, #tpu.memory_space<vmem>>, vector<1x16xf32>,
      %get3A_374 = vector.shape_cast %get3A_373 : vector<1x16xf32> to vector<16xf32>
      %mul3A_375 = arith.mulf %get3A_374, %get3A_156 : vector<16xf32>
      %swap3A_376 = arith.index_cast %add3A_301 : i32 to index
      %swap3A_377 = arith.constant 112 : index
      %swap3A_378 = tpu.vector_load %arg12[%swap3A_376, %swap3A_377] {strides = array<i32>} : memref<128x128xf32, #tpu.memory_space<vmem>>, vector<1x16xf32>,
      %swap3A_379 = vector.shape_cast %swap3A_378 : vector<1x16xf32> to vector<16xf32>
      %swap3A_380 = vector.shape_cast %mul3A_375 : vector<16xf32> to vector<1x16xf32>
      tpu.vector_store %arg12[%swap3A_376, %swap3A_377], %swap3A_380 {strides = array<i32>} : memref<128x128xf32, #tpu.memory_space<vmem>>, vector<1x16xf32>,
    }
    %scan3A_278 = arith.constant 128 : i32
    %add3A_279 = arith.constant 6272 : i32
    %add3A_280 = arith.addi %mul3A_2, %add3A_279 : i32
    %dma_start3A_281 = arith.constant 0 : i32
    %dma_start3A_282 = tpu.memref_slice %arg7[%add3A_280, %dma_start3A_281] : memref<204800x128xf32, #tpu.memory_space<hbm>> -> memref<128x128xf32, #tpu.memory_space<hbm>>
    %dma_start3A_283 = arith.constant 0 : i32
    %dma_start3A_284 = tpu.memref_slice %arg7[%add3A_280, %dma_start3A_283] : memref<204800x128xf32, #tpu.memory_space<hbm>> -> memref<128x128xf32, #tpu.memory_space<hbm>>
    tpu.enqueue_dma source(%arg12 : memref<128x128xf32, #tpu.memory_space<vmem>>) target(%dma_start3A_284 : memref<128x128xf32, #tpu.memory_space<hbm>>) target_semaphore(%arg18 : memref<!tpu.dma_semaphore, #tpu.memory_space<semaphore_mem>>)
    %add3A_285 = arith.constant 6144 : i32
    %add3A_286 = arith.addi %mul3A_2, %add3A_285 : i32
    %dma_wait3A_287 = arith.constant 0 : i32
    %dma_wait3A_288 = tpu.memref_slice %arg7[%add3A_286, %dma_wait3A_287] : memref<204800x128xf32, #tpu.memory_space<hbm>> -> memref<128x128xf32, #tpu.memory_space<hbm>>
    %dma_wait3A_289 = arith.constant 0 : i32
    %dma_wait3A_290 = tpu.memref_slice %arg7[%add3A_286, %dma_wait3A_289] : memref<204800x128xf32, #tpu.memory_space<hbm>> -> memref<128x128xf32, #tpu.memory_space<hbm>>
    tpu.wait_dma2 semaphore(%arg17 : memref<!tpu.dma_semaphore, #tpu.memory_space<semaphore_mem>>) src(%arg11 : memref<128x128xf32, #tpu.memory_space<vmem>>) dst(%dma_wait3A_290 : memref<128x128xf32, #tpu.memory_space<hbm>>)
    %add3A_291 = arith.constant 6272 : i32
    %add3A_292 = arith.addi %mul3A_2, %add3A_291 : i32
    %dma_wait3A_293 = arith.constant 0 : i32
    %dma_wait3A_294 = tpu.memref_slice %arg7[%add3A_292, %dma_wait3A_293] : memref<204800x128xf32, #tpu.memory_space<hbm>> -> memref<128x128xf32, #tpu.memory_space<hbm>>
    %dma_wait3A_295 = arith.constant 0 : i32
    %dma_wait3A_296 = tpu.memref_slice %arg7[%add3A_292, %dma_wait3A_295] : memref<204800x128xf32, #tpu.memory_space<hbm>> -> memref<128x128xf32, #tpu.memory_space<hbm>>
    tpu.wait_dma2 semaphore(%arg18 : memref<!tpu.dma_semaphore, #tpu.memory_space<semaphore_mem>>) src(%arg12 : memref<128x128xf32, #tpu.memory_space<vmem>>) dst(%dma_wait3A_296 : memref<128x128xf32, #tpu.memory_space<hbm>>)
    return
  }
}

</mosaic_0001>

<sc_bundles>
// kernel: kernel.3.cloned.1.call-start
scs
__scs_entry_jumppad:
0x0: {  	(pc) =	sbr.rel $0x88, $3  }
0x1: {  	(tag) =	ssettag $0x0;
	lr =	simm.s32 $0x1  }
0x2: {  	[smem:$0x3F9C] =	sst lr;
	_ =	strace $0xD0000000  }
0x3: {  	_ = 	snop  }
0x4: {  	_ = 	snop  }
0x5: {  	_ = 	snop  }
0x6: {  	_ = 	snop  }
0x7: {  	_ = 	snop  }
__scs_overlays_trampoline_lowered:
0x8: {  	[smem:$0x3FAB] =	sst s0  }
0x9: {  	[smem:$0x3FAC] =	sst s1  }
0xa: {  	[smem:$0x3FAD] =	sst s2  }
0xb: {  	[smem:$0x3FAE] =	sst s3  }
0xc: {  	[smem:$0x3FAF] =	sst s4  }
0xd: {  	[smem:$0x3FB0] =	sst s5  }
0xe: {  	[smem:$0x3FB1] =	sst s6  }
0xf: {  	[smem:$0x3FB2] =	sst s7  }
0x10: {  	[smem:$0x3FB3] =	sst s8  }
0x11: {  	[smem:$0x3FB4] =	sst s9;
	s0 =	simm.s32 @!p0 $0x0  }
0x12: {  	s1 =	sld [smem:$0x3F9A];
	s0 =	simm.s32 @p0 $0x1  }
0x13: {  	[smem:$0x3FB5] =	sst s0;
	s0 =	simm.s32 @!p1 $0x0  }
0x14: {  	s2 =	sld [smem:$0x3F99];
	s0 =	simm.s32 @p1 $0x1  }
0x15: {  	[smem:$0x3FB6] =	sst s0;
	s0 =	simm.s32 @!p2 $0x0  }
0x16: {  	s3 =	sld [smem:$0x3FDB];
	s0 =	simm.s32 @p2 $0x1  }
0x17: {  	s4 =	simm.s32 $0x1BF5;
	[smem:$0x3FB8] =	sst s0  }
0x18: {  	s0 =	sld [smem:$0x3F9B];
	_ =	swait.ge [sflag:s4], $0x0  }
0x19: {  	s7 =	sld [smem:$0x3F9C]  }
0x1a: {  	s8 =	sadd.s32 $0xFFFFE003, lr  }
0x1b: {  	s9 =	sadd.s32 $0xFFFFFEF7, lr;
	s5 =	simm.s32 $0xFFFFFFFF;
	p2 =	slt.u32 s8, $0xFFFFF086  }
0x1c: {  	p1 =	slt.u32 s9, $0xF7A;
	s5 =	simm.s32 @!p2 $0x0  }
0x1d: {  	s5 =	simm.s32 @p1 $0x1;
	p0 =	seq.s32 s7, s2  }
0x1e: {  	s7 =	smul.u32 @!p0 $0xF7A, s2;
	p2 =	seq.s32 @!p0 s5, $0x0  }
0x1f: {  	s9 =	smul.u32 $0xF7A, s1;
	s8 =	simm.s32 @!p0 $0x1BF5;
	p2 =	por !p2, p0  }
0x20: {  	[sflag:s8] =	ssyncset.s32 @!p0 $0xFFFFF086;
	s6 =	sadd.s32 @!p0 s3, s7;
	s7 =	simm.s32 @!p0 $0x108  }
0x21: {  	s3 =	sadd.s32 s3, s9;
	s6 =	sadd.s32 @!p0 $0x88, s6;
	s7 =	simm.s32 @p2 $0x1082  }
0x22: {  	[simem:s7], [sflag:s8] =	dma.local @!p0 [hbm:s6], $0xF7A  }
0x23: {  	s9 =	sor.u32 $0xD0000000, s2;
	s6 =	simm.s32 $0x108;
	_ =	swait.ge @!p0 [sflag:s8], $0x0  }
0x24: {  	s3 =	sadd.s32 $0x88, s3;
	s6 =	simm.s32 @!p1 $0x1082;
	[sflag:s4] =	ssyncset.s32 $0xFFFFF086  }
0x25: {  	[simem:s6], [sflag:s4] =	dma.local [hbm:s3], $0xF7A  }
0x26: {  	[smem:$0x3F9C] =	sst s1;
	(tag) =	ssettag s2;
	_ =	strace s9  }
0x27: {  	s1 =	sld [smem:$0x3FAC]  }
0x28: {  	s2 =	sld [smem:$0x3FAD]  }
0x29: {  	s4 =	sld [smem:$0x3FAF]  }
0x2a: {  	p0 =	seq.s32 s5, $0x0;
	s5 =	sld [smem:$0x3FB0]  }
0x2b: {  	s6 =	sld [smem:$0x3FB1]  }
0x2c: {  	s7 =	sld [smem:$0x3FB2]  }
0x2d: {  	s3 =	simm.s32 $0x108;
	s8 =	sld [smem:$0x3FB3]  }
0x2e: {  	s3 =	simm.s32 @!p0 $0x1082;
	s9 =	sld [smem:$0x3FB4]  }
0x2f: {  	lr =	sadd.s32 s0, s3;
	s0 =	sld [smem:$0x3FAB]  }
0x30: {  	s3 =	sld [smem:$0x3FAE]  }
0x31: {  	[smem:$0x3FB7] =	sst s10  }
0x32: {  	s10 =	sld [smem:$0x3FB5];
	_ =	sdelay $0x3  }
0x33: {  	p0 =	seq.s32 s10, $0x1;
	s10 =	sld [smem:$0x3FB7];
	_ =	sdelay $0x3  }
0x34: {  	[smem:$0x3FB7] =	sst s10  }
0x35: {  	s10 =	sld [smem:$0x3FB6];
	_ =	sdelay $0x3  }
0x36: {  	p1 =	seq.s32 s10, $0x1;
	s10 =	sld [smem:$0x3FB7];
	_ =	sdelay $0x3  }
0x37: {  	[smem:$0x3FB7] =	sst s10  }
0x38: {  	s10 =	sld [smem:$0x3FB8]  }
0x39: {  	_ = 	snop;
	(pc) =	sbr.ind lr, $3  }
0x3a: {  	_ = 	snop  }
0x3b: {  	_ = 	snop  }
0x3c: {  	p2 =	seq.s32 s10, $0x1;
	s10 =	sld [smem:$0x3FB7]  }
0x3d: {  	_ =	shalt  }
0x3e: {  	_ =	shalt  }
0x3f: {  	_ =	shalt  }
0x40: {  	_ =	shalt  }
0x41: {  	_ =	shalt  }
0x42: {  	_ =	shalt  }
0x43: {  	_ =	shalt  }
0x44: {  	_ =	shalt  }
0x45: {  	_ =	shalt  }
0x46: {  	_ =	shalt  }
0x47: {  	_ =	shalt  }
0x48: {  	_ =	shalt  }
0x49: {  	_ =	shalt  }
0x4a: {  	_ =	shalt  }
0x4b: {  	_ =	shalt  }
0x4c: {  	_ =	shalt  }
0x4d: {  	_ =	shalt  }
0x4e: {  	_ =	shalt  }
0x4f: {  	_ =	shalt  }
0x50: {  	_ =	shalt  }
0x51: {  	_ =	shalt  }
0x52: {  	_ =	shalt  }
0x53: {  	_ =	shalt  }
0x54: {  	_ =	shalt  }
0x55: {  	_ =	shalt  }
0x56: {  	_ =	shalt  }
0x57: {  	_ =	shalt  }
0x58: {  	_ =	shalt  }
0x59: {  	_ =	shalt  }
0x5a: {  	_ =	shalt  }
0x5b: {  	_ =	shalt  }
0x5c: {  	_ =	shalt  }
0x5d: {  	_ =	shalt  }
0x5e: {  	_ =	shalt  }
0x5f: {  	_ =	shalt  }
0x60: {  	_ =	shalt  }
0x61: {  	_ =	shalt  }
0x62: {  	_ =	shalt  }
0x63: {  	_ =	shalt  }
0x64: {  	_ =	shalt  }
0x65: {  	_ =	shalt  }
0x66: {  	_ =	shalt  }
0x67: {  	_ =	shalt  }
0x68: {  	_ =	shalt  }
0x69: {  	_ =	shalt  }
0x6a: {  	_ =	shalt  }
0x6b: {  	_ =	shalt  }
0x6c: {  	_ =	shalt  }
0x6d: {  	_ =	shalt  }
0x6e: {  	_ =	shalt  }
0x6f: {  	_ =	shalt  }
0x70: {  	_ =	shalt  }
0x71: {  	_ =	shalt  }
0x72: {  	_ =	shalt  }
0x73: {  	_ =	shalt  }
0x74: {  	_ =	shalt  }
0x75: {  	_ =	shalt  }
0x76: {  	_ =	shalt  }
0x77: {  	_ =	shalt  }
0x78: {  	_ =	shalt  }
0x79: {  	_ =	shalt  }
0x7a: {  	_ =	shalt  }
0x7b: {  	_ =	shalt  }
0x7c: {  	_ =	shalt  }
0x7d: {  	_ =	shalt  }
0x7e: {  	_ =	shalt  }
0x7f: {  	_ =	shalt  }
0x80: {  	_ =	shalt  }
0x81: {  	_ =	shalt  }
0x82: {  	_ =	shalt  }
0x83: {  	_ =	shalt  }
0x84: {  	_ =	shalt  }
0x85: {  	_ =	shalt  }
0x86: {  	_ =	shalt  }
0x87: {  	_ =	shalt  }
.Lfunc_end0:
.L_simem_size_0:
called_computation_lowered:
.L_overlay_start_0:
0x88: {  	s2 =	sld [smem:$0x3FD9]  }
0x89: {  	s3 =	sld [smem:$0x3FFE];
	_ =	sdelay $0x1  }
0x8a: {  	s1 =	srdreg.scid  }
0x8b: {  	s0 =	sand.u32 $0x1, s1  }
0x8c: {  	s14 =	sshll.u32 s0, $0xA;
	s2 =	sadd.s32 s3, s2  }
0x8d: {  	s2 =	sadd.s32 s2, s14  }
0x8e: {  	[smem:$0x3FC3] =	sst s2  }
0x8f: {  	_ = 	snop  }
0x90: {  	s2 =	sld [smem:$0x3FD0];
	_ =	sdelay $0x2  }
0x91: {  	s4 =	simm.s32 $0xA;
	s5 =	simm.s32 $0x10;
	s15 =	sld [smem:$0x3FC5]  }
0x92: {  	[smem:s5], [sflag:s4] =	dma.local [hbm:s2], $0x1  }
0x93: {  	_ =	swait.eq [sflag:s4], $0x1  }
0x94: {  	[sflag:s4] =	ssyncset.done $0x0  }
0x95: {  	s16 =	sld [smem:$0x10];
	[sflag:s4] =	ssyncadd.s32 $0xFFFFFFFF  }
0x96: {  	s17 =	sld [smem:$0x11];
	(tm) =	ssettm $0x1  }
0x97: {  	s18 =	sld [smem:$0x3FFB];
	_ =	sdelay $0x3  }
0x98: {  	_ =	strace s18  }
0x99: {  	s5 =	sld [smem:$0x3FFC];
	_ =	sdelay $0x3  }
0x9a: {  	_ =	strace s5  }
0x9b: {  	s5 =	sld [smem:$0x3FFD];
	_ =	sdelay $0x3  }
0x9c: {  	_ =	strace s5  }
0x9d: {  	_ =	strace $0x8FFFFFFF  }
0x9e: {  	s19 =	sld [smem:$0x3FDB];
	_ =	sdelay $0x1  }
0x9f: {  	s6 =	simm.s32 $_scs_section_size  }
0xa0: {  	s7 =	simm.s32 $_size__tile_overlayer_lowered;
	s8 =	simm.s32 $_tile_overlayer_lowered  }
0xa1: {  	s22 =	simm.s32 $0x1BFF;
	s21 =	sshll.u32 s8, $0x1;
	s5 =	sadd.s32 s6, s19  }
0xa2: {  	s9 =	simm.s32 $0x0;
	s20 =	sshll.u32 s7, $0x1;
	s7 =	sadd.s32 s21, s5  }
0xa3: {  	[timem:s9], [sflag:s22] =	dma.local [hbm:s7], s20  }
0xa4: {  	_ =	swait.ge [sflag:s22], s20  }
0xa5: {  	s6 =	ssub.s32 $0x0, s20;
	[sflag:s22] =	ssyncset.done $0x0  }
0xa6: {  	[sflag:s22] =	ssyncadd.s32 s6;
	_ =	sdelay $0x1  }
0xa7: {  	s23 =	simm.s32 $0x1B8B  }
0xa8: {  	_ =	swait.ge [sflag:s23], $0x1  }
0xa9: {  	[sflag:s23] =	ssyncset.done $0x0  }
0xaa: {  	s25 =	simm.s32 $0x1B8E;
	s24 =	sld [smem:$0x3FFE];
	[sflag:s23] =	ssyncadd.s32 $0xFFFFFFFF  }
0xab: {  	s26 =	simm.s32 $execute0_lowered;
	[smem:$0x3FD2] =	sst s25  }
0xac: {  	s7 =	sshll.u32 s26, $0x1;
	_ =	strace $0x80000046;
	[dreg:$0x1] =	wrdreg $0xFFFFFFFF  }
0xad: {  	s28 =	simm.s32 $_size_execute0_lowered;
	s5 =	sadd.s32 s5, s7;
	[dreg:$0x0] =	wrdreg $0x0  }
0xae: {  	s7 =	sshll.u32 s28, $0x1;
	[dreg:$0x2] =	wrdreg s5  }
0xaf: {  	[dreg:$0x3] =	wrdreg s7  }
0xb0: {  	[dreg:$0x4] =	wrdreg $0xC0  }
0xb1: {  	_ =	task [dreg:s9], $0x5FFFF  }
0xb2: {  	[dreg:$0x1] =	wrdreg $0xFFFFFFFF  }
0xb3: {  	[dreg:$0x0] =	wrdreg $0x60  }
0xb4: {  	[dreg:$0x2] =	wrdreg s24  }
0xb5: {  	[dreg:$0x3] =	wrdreg s15  }
0xb6: {  	[dreg:$0x4] =	wrdreg s16  }
0xb7: {  	[dreg:$0x5] =	wrdreg s17  }
0xb8: {  	[dreg:$0x6] =	wrdreg $0x9  }
0xb9: {  	_ =	task.clear_ibuf [dreg:s9], $0x7FFFF;
	_ =	strace $0x90000046  }
0xba: {  	s29 =	simm.s32 $0x9;
	_ =	strace $0x80000048  }
0xbb: {  	_ =	swait.ge [sflag:s29], $0x1  }
0xbc: {  	[sflag:s29] =	ssyncadd.s32 $0xFFFFFFFF  }
0xbd: {  	_ =	strace $0x90000048  }
0xbe: {  	_ =	sfence  }
0xbf: {  	s30 =	sld [smem:$0x0];
	_ =	sdelay $0x2  }
0xc0: {  	s31 =	sshll.u32 s1, $0xD;
	s1 =	sshrl.u32 s1, $0x2  }
0xc1: {  	s3 =	sand.u32 $0x4000, s31;
	s1 =	sadd.s32 s1, s30  }
0xc2: {  	s0 =	sor.u32 s3, s0;
	s1 =	sshll.u32 s1, $0x11  }
0xc3: {  	s0 =	sor.u32 s1, s0  }
0xc4: {  	s0 =	sadd.s32 $0x8F2B, s0  }
0xc5: {  	[sflag:s0] =	ssyncadd.remote.s32 $0x1  }
0xc6: {  	_ =	sfence.sel $0xFFFF  }
0xc7: {  	[dreg:$0x0] =	wrdreg $0xFFFFFFFF;
	(pc) =	sbr.abs _section_cstart, $3  }
0xc8: {  	[dreg:$0x1] =	wrdreg $0xFFFFFFFF  }
0xc9: {  	_ =	task.clear_ibuf [dreg:s9], $0x2FFFF;
	_ =	strace $0x9FFFFFFF  }
0xca: {  	(tm) =	ssettm $0x7FFFFFFF  }
0xcb: {  	_ =	shalt  }
tec
execute0_lowered:
.L_overlay_start_1:
0x0: {  	(tag) =	ssettag $0x1  }
0x1: {  	s0 =	rddreg [dreg:$0x0]  }
0x2: {  	s1 =	rddreg [dreg:$0x1];
	s2 =	srdreg.scid  }
0x3: {  	s4 =	stileid.u32;
	s3 =	rddreg [dreg:$0x2];
	s28 =	simm.s32 $0x3300  }
0x4: {  	s29 =	simm.s32 $0x7300;
	s2 =	sand.u32 $0x1, s2;
	s5 =	sshll.u32 s4, $0x1  }
0x5: {  	s30 =	simm.s32 $0x1;
	s31 =	simm.s32 $0x3;
	s7 =	sor.u32 s2, s5  }
0x6: {  	s4 =	rddreg [dreg:$0x3];
	s5 =	simm.s32 $0x0;
	s6 =	smul.u32 $0x1900, s7  }
0x7: {  	s2 =	ssub.s32 $0x2, s2;
	[smem:$0x7FF] =	sst s5;
	s10 =	smul.u32 $0x19000, s7  }
0x8: {  	s9 =	sshrl.u32 s2, $0x1;
	s17 =	smul.u32 $0xC8000, s7;
	s7 =	simm.s32 $0x5  }
0x9: {  	_ =	strace $0x80000047;
	s16 =	ssub.s32 s2, s9;
	s9 =	simm.s32 $0x0  }
0xa: {  	s8 =	sshrl.u32 s6, $0x3;
	s20 =	sor.u32 $0x800, s10;
	s21 =	sadd.s32 s3, s10  }
0xb: {  	s2 =	sshrl.u32 s17, $0x3;
	s12 =	sadd.s32 $0x100, s6;
	s13 =	sadd.s32 $0x180, s6  }
0xc: {  	s10 =	sadd.s32 s4, s10;
	s8 =	sadd.s32 s8, s0;
	[dreg:$0x8] =	wrdreg s21  }
0xd: {  	s0 =	sadd.s32 $0xD000, s0;
	s22 =	sadd.s32 s3, s20;
	[dreg:$0xd] =	wrdreg s10  }
0xe: {  	s23 =	sadd.s32 $0x17800, s2;
	s25 =	sadd.s32 $0x18000, s2;
	[dreg:$0x5] =	wrdreg s0  }
0xf: {  	s2 =	sadd.s32 $0x18800, s2;
	s18 =	sadd.s32 $0x800, s8;
	[dreg:$0x9] =	wrdreg s22  }
0x10: {  	s19 =	sadd.s32 $0x6C00, s8;
	s24 =	sadd.s32 s3, s23;
	[dreg:$0x6] =	wrdreg s18  }
0x11: {  	s11 =	sadd.s32 s3, s25;
	s26 =	sadd.s32 s3, s2;
	[dreg:$0x7] =	wrdreg s19  }
0x12: {  	s21 =	sadd.s32 s4, s2;
	s22 =	smax.u32 s16, $0x1;
	[dreg:$0xa] =	wrdreg s24  }
0x13: {  	s2 =	simm.s32 $0xB300;
	s0 =	simm.s32 $0x2;
	[dreg:$0xb] =	wrdreg s11  }
0x14: {  	s8 =	simm.s32 $0x6;
	[dreg:$0xc] =	wrdreg s26;
	s18 =	sadd.s32 s4, s20  }
0x15: {  	s19 =	sadd.s32 s4, s23;
	s20 =	sadd.s32 s4, s25;
	s23 =	simm.s32 $0x8  }
0x16: {  	s26 =	simm.s32 $0x80;
	s25 =	simm.s32 $0x4;
	s24 =	simm.s32 $0x7  }
.LBB2_1:
0x17: {  	s10 =	rddreg [dreg:$0x6]  }
0x18: {  	[tilespmem:s5], [sflag:$0x8] =	stream.linear.gather [hbm4b:s10+s5], $0x1900, $0x38;
	[tilespmem:$0xF300] =	vst v63  }
0x19: {  	_ =	swait.ge [sflag:s23], $0x1900  }
0x1a: {  	[sflag:s23] =	ssyncset.done $0x0  }
0x1b: {  	s11 =	simm.s32 $0x1900;
	s15 =	rddreg [dreg:$0x7];
	[sflag:s23] =	ssyncadd.s32 $0xFFFFE700  }
0x1c: {  	[tilespmem:s11], [sflag:$0x7] =	stream.linear.gather [hbm4b:s15+s5], $0x1900, $0x38;
	[tilespmem:$0xF300] =	vst v63  }
0x1d: {  	s17 =	simm.s32 $0x3200;
	s16 =	rddreg [dreg:$0x5]  }
0x1e: {  	[tilespmem:s17], [sflag:$0x8] =	stream.linear.gather [hbm4b:s16+s5], $0x100, $0x38;
	[tilespmem:$0xF300] =	vst v63  }
0x1f: {  	_ =	swait.ge [sflag:s23], $0x100  }
0x20: {  	[sflag:s23] =	ssyncset.done $0x0  }
0x21: {  	[sflag:s23] =	ssyncadd.s32 $0xFFFFFF00  }
0x22: {  	v0 =	vld [tilespmem:$0x3200];
	[tilespmem:s28], [sflag:$0x1] =	stream.indirect.gather [hbm4b:s1+s26], $0x80, s5, s26, $0xb8  }
0x23: {  	_ = 	snop  }
0x24: {  	[tilespmem:s29], [sflag:$0x2] =	stream.indirect.gather [hbm4b:s1+s26], $0x80, s26, s26, $0xb8;
	[tilespmem:$0xF300] =	vst v63  }
0x25: {  	_ =	swait.ge [sflag:s30], $0x4000  }
0x26: {  	[sflag:s30] =	ssyncset.done $0x0  }
0x27: {  	s10 =	simm.s32 $0x0;
	[sflag:s30] =	ssyncadd.s32 $0xFFFFC000  }
0x28: {  	v4 =	vld [tilespmem:s10+$0x3300]  }
0x29: {  	v6 =	vld [tilespmem:s10+$0x3310]  }
0x2a: {  	v5 =	vld [tilespmem:s10+$0x3320]  }
0x2b: {  	v3 =	vld [tilespmem:s10+$0x3330]  }
0x2c: {  	v1 =	vld [tilespmem:s10+$0x3340]  }
0x2d: {  	v2 =	vld [tilespmem:s10+$0x3350];
	v7 =	vmul.f32 v4, v0  }
0x2e: {  	s11 =	simm.s32 $0x200;
	v6 =	vmul.f32 v6, v0;
	v4 =	vld [tilespmem:s10+$0x3360]  }
.LBB2_2:
0x2f: {  	s14 =	sshra.s32 s11, $0x2;
	p0 =	sne.s32 s11, $0xFE00;
	[tilespmem:s10+$0x3300] =	vst v7;
	v5 =	vmul.f32 v5, v0;
	v7 =	vld [tilespmem:s10+$0x3370]  }
0x30: {  	v8 =	vld [tilespmem:s14+$0x3300];
	[tilespmem:s10+$0x3310] =	vst v6;
	v3 =	vmul.f32 v3, v0  }
0x31: {  	v6 =	vld [tilespmem:s14+$0x3310];
	[tilespmem:s10+$0x3320] =	vst v5;
	v1 =	vmul.f32 v1, v0  }
.Ltmp0:
0x32: {  	v5 =	vld [tilespmem:s14+$0x3320];
	[tilespmem:s10+$0x3330] =	vst v3;
	v2 =	vmul.f32 v2, v0;
	(pc) =	sbr.rel @p0 .LBB2_2-.Ltmp0, $4  }
0x33: {  	v3 =	vld [tilespmem:s14+$0x3330];
	[tilespmem:s10+$0x3340] =	vst v1;
	v4 =	vmul.f32 v4, v0  }
0x34: {  	v1 =	vld [tilespmem:s14+$0x3340];
	[tilespmem:s10+$0x3350] =	vst v2;
	v9 =	vmul.f32 v7, v0  }
0x35: {  	v7 =	vmul.f32 v8, v0;
	v2 =	vld [tilespmem:s14+$0x3350];
	[tilespmem:s10+$0x3360] =	vst v4  }
0x36: {  	s11 =	sadd.s32 $0x200, s11;
	v6 =	vmul.f32 v6, v0;
	v4 =	vld [tilespmem:s14+$0x3360];
	[tilespmem:s10+$0x3370] =	vst v9;
	s10 =	smov.u32 s14  }
0x37: {  	[tilespmem:s10+$0x3300] =	vst v7;
	v5 =	vmul.f32 v5, v0;
	v7 =	vld [tilespmem:s10+$0x3370]  }
0x38: {  	[tilespmem:s10+$0x3310] =	vst v6;
	v3 =	vmul.f32 v3, v0  }
0x39: {  	[tilespmem:s10+$0x3320] =	vst v5;
	v1 =	vmul.f32 v1, v0  }
0x3a: {  	[tilespmem:s10+$0x3330] =	vst v3;
	v2 =	vmul.f32 v2, v0  }
0x3b: {  	[tilespmem:s10+$0x3340] =	vst v1;
	v1 =	vmul.f32 v4, v0  }
0x3c: {  	[tilespmem:s10+$0x3350] =	vst v2;
	v2 =	vmul.f32 v7, v0  }
0x3d: {  	[tilespmem:s10+$0x3360] =	vst v1  }
0x3e: {  	s16 =	simm.s32 $0x0;
	s11 =	rddreg [dreg:$0x8];
	[tilespmem:s10+$0x3370] =	vst v2  }
0x3f: {  	[hbm4b:s11+s16] =	stream.linear.scatter [tilespmem:s28], [sflag:$0x4], $0x4000, $0x38;
	[tilespmem:$0xF300] =	vst v63  }
0x40: {  	s17 =	simm.s32 $0x100  }
0x41: {  	[tilespmem:s2], [sflag:$0x3] =	stream.indirect.gather [hbm4b:s1+s26], $0x80, s17, s26, $0xb8;
	[tilespmem:$0xF300] =	vst v63  }
0x42: {  	_ =	swait.ge [sflag:s0], $0x4000  }
0x43: {  	[sflag:s0] =	ssyncset.done $0x0  }
0x44: {  	s10 =	simm.s32 $0x0;
	[sflag:s0] =	ssyncadd.s32 $0xFFFFC000  }
0x45: {  	v4 =	vld [tilespmem:s10+$0x7300]  }
0x46: {  	v6 =	vld [tilespmem:s10+$0x7310]  }
0x47: {  	v5 =	vld [tilespmem:s10+$0x7320]  }
0x48: {  	v3 =	vld [tilespmem:s10+$0x7330]  }
0x49: {  	v1 =	vld [tilespmem:s10+$0x7340]  }
0x4a: {  	v2 =	vld [tilespmem:s10+$0x7350];
	v7 =	vmul.f32 v4, v0  }
0x4b: {  	s11 =	simm.s32 $0x200;
	v6 =	vmul.f32 v6, v0;
	v4 =	vld [tilespmem:s10+$0x7360]  }
.LBB2_4:
0x4c: {  	s14 =	sshra.s32 s11, $0x2;
	p0 =	sne.s32 s11, $0xFE00;
	[tilespmem:s10+$0x7300] =	vst v7;
	v5 =	vmul.f32 v5, v0;
	v7 =	vld [tilespmem:s10+$0x7370]  }
0x4d: {  	v8 =	vld [tilespmem:s14+$0x7300];
	[tilespmem:s10+$0x7310] =	vst v6;
	v3 =	vmul.f32 v3, v0  }
0x4e: {  	v6 =	vld [tilespmem:s14+$0x7310];
	[tilespmem:s10+$0x7320] =	vst v5;
	v1 =	vmul.f32 v1, v0  }
.Ltmp1:
0x4f: {  	v5 =	vld [tilespmem:s14+$0x7320];
	[tilespmem:s10+$0x7330] =	vst v3;
	v2 =	vmul.f32 v2, v0;
	(pc) =	sbr.rel @p0 .LBB2_4-.Ltmp1, $4  }
0x50: {  	v3 =	vld [tilespmem:s14+$0x7330];
	[tilespmem:s10+$0x7340] =	vst v1;
	v4 =	vmul.f32 v4, v0  }
0x51: {  	v1 =	vld [tilespmem:s14+$0x7340];
	[tilespmem:s10+$0x7350] =	vst v2;
	v9 =	vmul.f32 v7, v0  }
0x52: {  	v7 =	vmul.f32 v8, v0;
	v2 =	vld [tilespmem:s14+$0x7350];
	[tilespmem:s10+$0x7360] =	vst v4  }
0x53: {  	s11 =	sadd.s32 $0x200, s11;
	v6 =	vmul.f32 v6, v0;
	v4 =	vld [tilespmem:s14+$0x7360];
	[tilespmem:s10+$0x7370] =	vst v9;
	s10 =	smov.u32 s14  }
0x54: {  	[tilespmem:s10+$0x7300] =	vst v7;
	v5 =	vmul.f32 v5, v0;
	v63 =	vld [tilespmem:s10+$0x7370]  }
0x55: {  	[tilespmem:s10+$0x7310] =	vst v6;
	v3 =	vmul.f32 v3, v0  }
0x56: {  	[tilespmem:s10+$0x7320] =	vst v5;
	v1 =	vmul.f32 v1, v0  }
0x57: {  	[tilespmem:s10+$0x7330] =	vst v3;
	v2 =	vmul.f32 v2, v0  }
0x58: {  	[tilespmem:s10+$0x7340] =	vst v1;
	v1 =	vmul.f32 v4, v0  }
0x59: {  	[tilespmem:s10+$0x7350] =	vst v2;
	v2 =	vmul.f32 v63, v0  }
0x5a: {  	[tilespmem:s10+$0x7360] =	vst v1  }
0x5b: {  	s11 =	rddreg [dreg:$0x9];
	[tilespmem:s10+$0x7370] =	vst v2;
	s10 =	simm.s32 $0x0  }
0x5c: {  	[hbm4b:s11+s10] =	stream.linear.scatter [tilespmem:s29], [sflag:$0x5], $0x4000, $0x38;
	[tilespmem:$0xF300] =	vst v63  }
0x5d: {  	_ =	swait.ge [sflag:s25], $0x4000  }
0x5e: {  	[sflag:s25] =	ssyncset.done $0x0  }
0x5f: {  	s17 =	simm.s32 $0x180;
	[sflag:s25] =	ssyncadd.s32 $0xFFFFC000  }
0x60: {  	[tilespmem:s28], [sflag:$0x1] =	stream.indirect.gather [hbm4b:s1+s26], $0x80, s17, s26, $0xb8;
	[tilespmem:$0xF300] =	vst v63  }
.LBB2_6:
0x61: {  	_ =	swait.ge [sflag:s31], $0x4000  }
0x62: {  	[sflag:s31] =	ssyncset.done $0x0  }
0x63: {  	s11 =	simm.s32 $0x0;
	[sflag:s31] =	ssyncadd.s32 $0xFFFFC000  }
0x64: {  	v3 =	vld [tilespmem:s11+$0xB300]  }
0x65: {  	v6 =	vld [tilespmem:s11+$0xB310]  }
0x66: {  	v5 =	vld [tilespmem:s11+$0xB320]  }
0x67: {  	v4 =	vld [tilespmem:s11+$0xB330]  }
0x68: {  	v1 =	vld [tilespmem:s11+$0xB340]  }
0x69: {  	v2 =	vld [tilespmem:s11+$0xB350];
	v7 =	vmul.f32 v3, v0  }
0x6a: {  	s14 =	simm.s32 $0x200;
	v6 =	vmul.f32 v6, v0;
	v3 =	vld [tilespmem:s11+$0xB360]  }
.LBB2_7:
0x6b: {  	s15 =	sshra.s32 s14, $0x2;
	p0 =	sne.s32 s14, $0xFE00;
	[tilespmem:s11+$0xB300] =	vst v7;
	v5 =	vmul.f32 v5, v0;
	v7 =	vld [tilespmem:s11+$0xB370]  }
0x6c: {  	v8 =	vld [tilespmem:s15+$0xB300];
	[tilespmem:s11+$0xB310] =	vst v6;
	v4 =	vmul.f32 v4, v0  }
0x6d: {  	v6 =	vld [tilespmem:s15+$0xB310];
	[tilespmem:s11+$0xB320] =	vst v5;
	v1 =	vmul.f32 v1, v0  }
.Ltmp2:
0x6e: {  	v5 =	vld [tilespmem:s15+$0xB320];
	[tilespmem:s11+$0xB330] =	vst v4;
	v2 =	vmul.f32 v2, v0;
	(pc) =	sbr.rel @p0 .LBB2_7-.Ltmp2, $4  }
0x6f: {  	v4 =	vld [tilespmem:s15+$0xB330];
	[tilespmem:s11+$0xB340] =	vst v1;
	v3 =	vmul.f32 v3, v0  }
0x70: {  	v1 =	vld [tilespmem:s15+$0xB340];
	[tilespmem:s11+$0xB350] =	vst v2;
	v9 =	vmul.f32 v7, v0  }
0x71: {  	v7 =	vmul.f32 v8, v0;
	v2 =	vld [tilespmem:s15+$0xB350];
	[tilespmem:s11+$0xB360] =	vst v3  }
0x72: {  	s14 =	sadd.s32 $0x200, s14;
	v6 =	vmul.f32 v6, v0;
	v3 =	vld [tilespmem:s15+$0xB360];
	[tilespmem:s11+$0xB370] =	vst v9;
	s11 =	smov.u32 s15  }
0x73: {  	[tilespmem:s11+$0xB300] =	vst v7;
	v5 =	vmul.f32 v5, v0;
	v7 =	vld [tilespmem:s11+$0xB370]  }
0x74: {  	[tilespmem:s11+$0xB310] =	vst v6;
	v4 =	vmul.f32 v4, v0  }
0x75: {  	[tilespmem:s11+$0xB320] =	vst v5;
	v1 =	vmul.f32 v1, v0  }
0x76: {  	s14 =	smul.u32 $0x180, s10;
	[tilespmem:s11+$0xB330] =	vst v4;
	v2 =	vmul.f32 v2, v0  }
0x77: {  	[tilespmem:s11+$0xB340] =	vst v1;
	v1 =	vmul.f32 v3, v0  }
0x78: {  	s15 =	sadd.s32 s14, s12;
	[tilespmem:s11+$0xB350] =	vst v2;
	v2 =	vmul.f32 v7, v0  }
0x79: {  	s15 =	sshll.u32 s15, $0x4;
	[tilespmem:s11+$0xB360] =	vst v1  }
0x7a: {  	s17 =	simm.s32 $0x0;
	s16 =	sadd.s32 s3, s15;
	[tilespmem:s11+$0xB370] =	vst v2  }
0x7b: {  	[hbm4b:s16+s17] =	stream.linear.scatter [tilespmem:s2], [sflag:$0x6], $0x4000, $0x38;
	[tilespmem:$0xF300] =	vst v63  }
0x7c: {  	_ =	swait.ge [sflag:s7], $0x4000  }
0x7d: {  	[sflag:s7] =	ssyncset.done $0x0  }
0x7e: {  	s11 =	sadd.s32 $0x200, s14;
	[sflag:s7] =	ssyncadd.s32 $0xFFFFC000  }
0x7f: {  	[tilespmem:s29], [sflag:$0x2] =	stream.indirect.gather [hbm4b:s1+s26], $0x80, s11, s26, $0xb8;
	[tilespmem:$0xF300] =	vst v63  }
0x80: {  	_ =	swait.ge [sflag:s30], $0x4000  }
0x81: {  	[sflag:s30] =	ssyncset.done $0x0  }
0x82: {  	s15 =	simm.s32 $0x0;
	[sflag:s30] =	ssyncadd.s32 $0xFFFFC000  }
0x83: {  	v4 =	vld [tilespmem:s15+$0x3300]  }
0x84: {  	v6 =	vld [tilespmem:s15+$0x3310]  }
0x85: {  	v5 =	vld [tilespmem:s15+$0x3320]  }
0x86: {  	v3 =	vld [tilespmem:s15+$0x3330]  }
0x87: {  	v1 =	vld [tilespmem:s15+$0x3340]  }
0x88: {  	v2 =	vld [tilespmem:s15+$0x3350];
	v7 =	vmul.f32 v4, v0  }
0x89: {  	s16 =	simm.s32 $0x200;
	v6 =	vmul.f32 v6, v0;
	v4 =	vld [tilespmem:s15+$0x3360]  }
.LBB2_9:
0x8a: {  	s17 =	sshra.s32 s16, $0x2;
	p0 =	sne.s32 s16, $0xFE00;
	[tilespmem:s15+$0x3300] =	vst v7;
	v5 =	vmul.f32 v5, v0;
	v7 =	vld [tilespmem:s15+$0x3370]  }
0x8b: {  	v8 =	vld [tilespmem:s17+$0x3300];
	[tilespmem:s15+$0x3310] =	vst v6;
	v3 =	vmul.f32 v3, v0  }
0x8c: {  	v6 =	vld [tilespmem:s17+$0x3310];
	[tilespmem:s15+$0x3320] =	vst v5;
	v1 =	vmul.f32 v1, v0  }
.Ltmp3:
0x8d: {  	v5 =	vld [tilespmem:s17+$0x3320];
	[tilespmem:s15+$0x3330] =	vst v3;
	v2 =	vmul.f32 v2, v0;
	(pc) =	sbr.rel @p0 .LBB2_9-.Ltmp3, $4  }
0x8e: {  	v3 =	vld [tilespmem:s17+$0x3330];
	[tilespmem:s15+$0x3340] =	vst v1;
	v4 =	vmul.f32 v4, v0  }
0x8f: {  	v1 =	vld [tilespmem:s17+$0x3340];
	[tilespmem:s15+$0x3350] =	vst v2;
	v9 =	vmul.f32 v7, v0  }
0x90: {  	v7 =	vmul.f32 v8, v0;
	v2 =	vld [tilespmem:s17+$0x3350];
	[tilespmem:s15+$0x3360] =	vst v4  }
0x91: {  	s16 =	sadd.s32 $0x200, s16;
	v6 =	vmul.f32 v6, v0;
	v4 =	vld [tilespmem:s17+$0x3360];
	[tilespmem:s15+$0x3370] =	vst v9;
	s15 =	smov.u32 s17  }
0x92: {  	[tilespmem:s15+$0x3300] =	vst v7;
	v5 =	vmul.f32 v5, v0;
	v7 =	vld [tilespmem:s15+$0x3370]  }
0x93: {  	[tilespmem:s15+$0x3310] =	vst v6;
	v3 =	vmul.f32 v3, v0  }
0x94: {  	[tilespmem:s15+$0x3320] =	vst v5;
	v1 =	vmul.f32 v1, v0  }
0x95: {  	[tilespmem:s15+$0x3330] =	vst v3;
	v2 =	vmul.f32 v2, v0  }
0x96: {  	[tilespmem:s15+$0x3340] =	vst v1;
	v1 =	vmul.f32 v4, v0  }
0x97: {  	s14 =	sadd.s32 s14, s13;
	[tilespmem:s15+$0x3350] =	vst v2;
	v2 =	vmul.f32 v7, v0  }
0x98: {  	s14 =	sshll.u32 s14, $0x4;
	[tilespmem:s15+$0x3360] =	vst v1  }
0x99: {  	s17 =	simm.s32 $0x0;
	s16 =	smul.u32 $0x600, s10;
	s14 =	sadd.s32 s3, s14;
	[tilespmem:s15+$0x3370] =	vst v2  }
0x9a: {  	[hbm4b:s14+s17] =	stream.linear.scatter [tilespmem:s28], [sflag:$0x4], $0x4000, $0x38;
	[tilespmem:$0xF300] =	vst v63  }
0x9b: {  	_ =	swait.ge [sflag:s8], $0x4000  }
0x9c: {  	s14 =	sshra.s32 s16, $0x2;
	[sflag:s8] =	ssyncset.done $0x0  }
0x9d: {  	s17 =	sadd.s32 $0x280, s14;
	[sflag:s8] =	ssyncadd.s32 $0xFFFFC000  }
0x9e: {  	[tilespmem:s2], [sflag:$0x3] =	stream.indirect.gather [hbm4b:s1+s26], $0x80, s17, s26, $0xb8;
	[tilespmem:$0xF300] =	vst v63  }
0x9f: {  	_ =	swait.ge [sflag:s0], $0x4000  }
0xa0: {  	[sflag:s0] =	ssyncset.done $0x0  }
0xa1: {  	s15 =	simm.s32 $0x0;
	[sflag:s0] =	ssyncadd.s32 $0xFFFFC000  }
0xa2: {  	v4 =	vld [tilespmem:s15+$0x7300]  }
0xa3: {  	v6 =	vld [tilespmem:s15+$0x7310]  }
0xa4: {  	v5 =	vld [tilespmem:s15+$0x7320]  }
0xa5: {  	v3 =	vld [tilespmem:s15+$0x7330]  }
0xa6: {  	v1 =	vld [tilespmem:s15+$0x7340]  }
0xa7: {  	v2 =	vld [tilespmem:s15+$0x7350];
	v7 =	vmul.f32 v4, v0  }
0xa8: {  	s16 =	simm.s32 $0x200;
	v6 =	vmul.f32 v6, v0;
	v4 =	vld [tilespmem:s15+$0x7360]  }
.LBB2_11:
0xa9: {  	s17 =	sshra.s32 s16, $0x2;
	p0 =	sne.s32 s16, $0xFE00;
	[tilespmem:s15+$0x7300] =	vst v7;
	v5 =	vmul.f32 v5, v0;
	v7 =	vld [tilespmem:s15+$0x7370]  }
0xaa: {  	v8 =	vld [tilespmem:s17+$0x7300];
	[tilespmem:s15+$0x7310] =	vst v6;
	v3 =	vmul.f32 v3, v0  }
0xab: {  	v6 =	vld [tilespmem:s17+$0x7310];
	[tilespmem:s15+$0x7320] =	vst v5;
	v1 =	vmul.f32 v1, v0  }
.Ltmp4:
0xac: {  	v5 =	vld [tilespmem:s17+$0x7320];
	[tilespmem:s15+$0x7330] =	vst v3;
	v2 =	vmul.f32 v2, v0;
	(pc) =	sbr.rel @p0 .LBB2_11-.Ltmp4, $4  }
0xad: {  	v3 =	vld [tilespmem:s17+$0x7330];
	[tilespmem:s15+$0x7340] =	vst v1;
	v4 =	vmul.f32 v4, v0  }
0xae: {  	v1 =	vld [tilespmem:s17+$0x7340];
	[tilespmem:s15+$0x7350] =	vst v2;
	v9 =	vmul.f32 v7, v0  }
0xaf: {  	v7 =	vmul.f32 v8, v0;
	v2 =	vld [tilespmem:s17+$0x7350];
	[tilespmem:s15+$0x7360] =	vst v4  }
0xb0: {  	s16 =	sadd.s32 $0x200, s16;
	v6 =	vmul.f32 v6, v0;
	v4 =	vld [tilespmem:s17+$0x7360];
	[tilespmem:s15+$0x7370] =	vst v9;
	s15 =	smov.u32 s17  }
0xb1: {  	[tilespmem:s15+$0x7300] =	vst v7;
	v5 =	vmul.f32 v5, v0;
	v63 =	vld [tilespmem:s15+$0x7370]  }
0xb2: {  	[tilespmem:s15+$0x7310] =	vst v6;
	v3 =	vmul.f32 v3, v0  }
0xb3: {  	[tilespmem:s15+$0x7320] =	vst v5;
	v1 =	vmul.f32 v1, v0  }
0xb4: {  	[tilespmem:s15+$0x7330] =	vst v3;
	v2 =	vmul.f32 v2, v0  }
0xb5: {  	[tilespmem:s15+$0x7340] =	vst v1;
	v1 =	vmul.f32 v4, v0  }
0xb6: {  	s11 =	sadd.s32 s6, s11;
	[tilespmem:s15+$0x7350] =	vst v2;
	v2 =	vmul.f32 v63, v0  }
0xb7: {  	s10 =	sadd.s32 $0x1, s10;
	s11 =	sshll.u32 s11, $0x4;
	[tilespmem:s15+$0x7360] =	vst v1  }
0xb8: {  	p0 =	sne.s32 s10, $0xF;
	s11 =	sadd.s32 s3, s11;
	[tilespmem:s15+$0x7370] =	vst v2  }
0xb9: {  	[hbm4b:s11+s5] =	stream.linear.scatter [tilespmem:s29], [sflag:$0x5], $0x4000, $0x38;
	[tilespmem:$0xF300] =	vst v63  }
.Ltmp5:
0xba: {  	_ = 	snop;
	(pc) =	sbr.rel @p0 .LBB2_6-.Ltmp5, $4  }
0xbb: {  	_ =	swait.ge [sflag:s25], $0x4000  }
0xbc: {  	[sflag:s25] =	ssyncset.done $0x0  }
0xbd: {  	s17 =	sadd.s32 $0x300, s14;
	[sflag:s25] =	ssyncadd.s32 $0xFFFFC000  }
0xbe: {  	[tilespmem:s28], [sflag:$0x1] =	stream.indirect.gather [hbm4b:s1+s26], $0x80, s17, s26, $0xb8;
	[tilespmem:$0xF300] =	vst v63  }
0xbf: {  	_ =	swait.ge [sflag:s31], $0x4000  }
0xc0: {  	[sflag:s31] =	ssyncset.done $0x0  }
0xc1: {  	s10 =	simm.s32 $0x0;
	[sflag:s31] =	ssyncadd.s32 $0xFFFFC000  }
0xc2: {  	v4 =	vld [tilespmem:s10+$0xB300]  }
0xc3: {  	v6 =	vld [tilespmem:s10+$0xB310]  }
0xc4: {  	v5 =	vld [tilespmem:s10+$0xB320]  }
0xc5: {  	v3 =	vld [tilespmem:s10+$0xB330]  }
0xc6: {  	v1 =	vld [tilespmem:s10+$0xB340]  }
0xc7: {  	v2 =	vld [tilespmem:s10+$0xB350];
	v7 =	vmul.f32 v4, v0  }
0xc8: {  	s11 =	simm.s32 $0x200;
	v6 =	vmul.f32 v6, v0;
	v4 =	vld [tilespmem:s10+$0xB360]  }
.LBB2_14:
0xc9: {  	s14 =	sshra.s32 s11, $0x2;
	p0 =	sne.s32 s11, $0xFE00;
	[tilespmem:s10+$0xB300] =	vst v7;
	v5 =	vmul.f32 v5, v0;
	v7 =	vld [tilespmem:s10+$0xB370]  }
0xca: {  	v8 =	vld [tilespmem:s14+$0xB300];
	[tilespmem:s10+$0xB310] =	vst v6;
	v3 =	vmul.f32 v3, v0  }
0xcb: {  	v6 =	vld [tilespmem:s14+$0xB310];
	[tilespmem:s10+$0xB320] =	vst v5;
	v1 =	vmul.f32 v1, v0  }
.Ltmp6:
0xcc: {  	v5 =	vld [tilespmem:s14+$0xB320];
	[tilespmem:s10+$0xB330] =	vst v3;
	v2 =	vmul.f32 v2, v0;
	(pc) =	sbr.rel @p0 .LBB2_14-.Ltmp6, $4  }
0xcd: {  	v3 =	vld [tilespmem:s14+$0xB330];
	[tilespmem:s10+$0xB340] =	vst v1;
	v4 =	vmul.f32 v4, v0  }
0xce: {  	v1 =	vld [tilespmem:s14+$0xB340];
	[tilespmem:s10+$0xB350] =	vst v2;
	v9 =	vmul.f32 v7, v0  }
0xcf: {  	v7 =	vmul.f32 v8, v0;
	v2 =	vld [tilespmem:s14+$0xB350];
	[tilespmem:s10+$0xB360] =	vst v4  }
0xd0: {  	s11 =	sadd.s32 $0x200, s11;
	v6 =	vmul.f32 v6, v0;
	v4 =	vld [tilespmem:s14+$0xB360];
	[tilespmem:s10+$0xB370] =	vst v9;
	s10 =	smov.u32 s14  }
0xd1: {  	[tilespmem:s10+$0xB300] =	vst v7;
	v5 =	vmul.f32 v5, v0;
	v7 =	vld [tilespmem:s10+$0xB370]  }
0xd2: {  	[tilespmem:s10+$0xB310] =	vst v6;
	v3 =	vmul.f32 v3, v0  }
0xd3: {  	[tilespmem:s10+$0xB320] =	vst v5;
	v1 =	vmul.f32 v1, v0  }
0xd4: {  	[tilespmem:s10+$0xB330] =	vst v3;
	v2 =	vmul.f32 v2, v0  }
0xd5: {  	[tilespmem:s10+$0xB340] =	vst v1;
	v1 =	vmul.f32 v4, v0  }
0xd6: {  	[tilespmem:s10+$0xB350] =	vst v2;
	v2 =	vmul.f32 v7, v0  }
0xd7: {  	[tilespmem:s10+$0xB360] =	vst v1  }
0xd8: {  	s16 =	simm.s32 $0x0;
	s11 =	rddreg [dreg:$0xa];
	[tilespmem:s10+$0xB370] =	vst v2  }
0xd9: {  	[hbm4b:s11+s16] =	stream.linear.scatter [tilespmem:s2], [sflag:$0x6], $0x4000, $0x38;
	[tilespmem:$0xF300] =	vst v63  }
0xda: {  	_ =	swait.ge [sflag:s7], $0x4000  }
0xdb: {  	[sflag:s7] =	ssyncset.done $0x0  }
0xdc: {  	s17 =	simm.s32 $0x1880;
	[sflag:s7] =	ssyncadd.s32 $0xFFFFC000  }
0xdd: {  	[tilespmem:s29], [sflag:$0x2] =	stream.indirect.gather [hbm4b:s1+s26], $0x80, s17, s26, $0xb8;
	[tilespmem:$0xF300] =	vst v63  }
0xde: {  	_ =	swait.ge [sflag:s30], $0x4000  }
0xdf: {  	[sflag:s30] =	ssyncset.done $0x0  }
0xe0: {  	s10 =	simm.s32 $0x0;
	[sflag:s30] =	ssyncadd.s32 $0xFFFFC000  }
0xe1: {  	v4 =	vld [tilespmem:s10+$0x3300]  }
0xe2: {  	v6 =	vld [tilespmem:s10+$0x3310]  }
0xe3: {  	v5 =	vld [tilespmem:s10+$0x3320]  }
0xe4: {  	v3 =	vld [tilespmem:s10+$0x3330]  }
0xe5: {  	v1 =	vld [tilespmem:s10+$0x3340]  }
0xe6: {  	v2 =	vld [tilespmem:s10+$0x3350];
	v7 =	vmul.f32 v4, v0  }
0xe7: {  	s11 =	simm.s32 $0x200;
	v6 =	vmul.f32 v6, v0;
	v4 =	vld [tilespmem:s10+$0x3360]  }
.LBB2_16:
0xe8: {  	s14 =	sshra.s32 s11, $0x2;
	p0 =	sne.s32 s11, $0xFE00;
	[tilespmem:s10+$0x3300] =	vst v7;
	v5 =	vmul.f32 v5, v0;
	v7 =	vld [tilespmem:s10+$0x3370]  }
0xe9: {  	v8 =	vld [tilespmem:s14+$0x3300];
	[tilespmem:s10+$0x3310] =	vst v6;
	v3 =	vmul.f32 v3, v0  }
0xea: {  	v6 =	vld [tilespmem:s14+$0x3310];
	[tilespmem:s10+$0x3320] =	vst v5;
	v1 =	vmul.f32 v1, v0  }
.Ltmp7:
0xeb: {  	v5 =	vld [tilespmem:s14+$0x3320];
	[tilespmem:s10+$0x3330] =	vst v3;
	v2 =	vmul.f32 v2, v0;
	(pc) =	sbr.rel @p0 .LBB2_16-.Ltmp7, $4  }
0xec: {  	v3 =	vld [tilespmem:s14+$0x3330];
	[tilespmem:s10+$0x3340] =	vst v1;
	v4 =	vmul.f32 v4, v0  }
0xed: {  	v1 =	vld [tilespmem:s14+$0x3340];
	[tilespmem:s10+$0x3350] =	vst v2;
	v9 =	vmul.f32 v7, v0  }
0xee: {  	v7 =	vmul.f32 v8, v0;
	v2 =	vld [tilespmem:s14+$0x3350];
	[tilespmem:s10+$0x3360] =	vst v4  }
0xef: {  	s11 =	sadd.s32 $0x200, s11;
	v6 =	vmul.f32 v6, v0;
	v4 =	vld [tilespmem:s14+$0x3360];
	[tilespmem:s10+$0x3370] =	vst v9;
	s10 =	smov.u32 s14  }
0xf0: {  	[tilespmem:s10+$0x3300] =	vst v7;
	v5 =	vmul.f32 v5, v0;
	v7 =	vld [tilespmem:s10+$0x3370]  }
0xf1: {  	[tilespmem:s10+$0x3310] =	vst v6;
	v3 =	vmul.f32 v3, v0  }
0xf2: {  	[tilespmem:s10+$0x3320] =	vst v5;
	v1 =	vmul.f32 v1, v0  }
0xf3: {  	[tilespmem:s10+$0x3330] =	vst v3;
	v2 =	vmul.f32 v2, v0  }
0xf4: {  	[tilespmem:s10+$0x3340] =	vst v1;
	v1 =	vmul.f32 v4, v0  }
0xf5: {  	[tilespmem:s10+$0x3350] =	vst v2;
	v2 =	vmul.f32 v7, v0  }
0xf6: {  	[tilespmem:s10+$0x3360] =	vst v1  }
0xf7: {  	s17 =	simm.s32 $0x0;
	s11 =	rddreg [dreg:$0xb];
	[tilespmem:s10+$0x3370] =	vst v2  }
0xf8: {  	[hbm4b:s11+s17] =	stream.linear.scatter [tilespmem:s28], [sflag:$0x4], $0x4000, $0x38;
	[tilespmem:$0xF300] =	vst v63  }
0xf9: {  	_ =	swait.ge [sflag:s8], $0x4000  }
0xfa: {  	[sflag:s8] =	ssyncset.done $0x0  }
0xfb: {  	[sflag:s8] =	ssyncadd.s32 $0xFFFFC000  }
0xfc: {  	_ =	swait.ge [sflag:s0], $0x4000  }
0xfd: {  	[sflag:s0] =	ssyncset.done $0x0  }
0xfe: {  	s10 =	simm.s32 $0x0;
	[sflag:s0] =	ssyncadd.s32 $0xFFFFC000  }
0xff: {  	v4 =	vld [tilespmem:s10+$0x7300]  }
0x100: {  	v6 =	vld [tilespmem:s10+$0x7310]  }
0x101: {  	v5 =	vld [tilespmem:s10+$0x7320]  }
0x102: {  	v3 =	vld [tilespmem:s10+$0x7330]  }
0x103: {  	v1 =	vld [tilespmem:s10+$0x7340]  }
0x104: {  	v2 =	vld [tilespmem:s10+$0x7350];
	v7 =	vmul.f32 v4, v0  }
0x105: {  	s11 =	simm.s32 $0x200;
	v6 =	vmul.f32 v6, v0;
	v4 =	vld [tilespmem:s10+$0x7360]  }
.LBB2_18:
0x106: {  	s14 =	sshra.s32 s11, $0x2;
	p0 =	sne.s32 s11, $0xFE00;
	[tilespmem:s10+$0x7300] =	vst v7;
	v5 =	vmul.f32 v5, v0;
	v7 =	vld [tilespmem:s10+$0x7370]  }
0x107: {  	v8 =	vld [tilespmem:s14+$0x7300];
	[tilespmem:s10+$0x7310] =	vst v6;
	v3 =	vmul.f32 v3, v0  }
0x108: {  	v6 =	vld [tilespmem:s14+$0x7310];
	[tilespmem:s10+$0x7320] =	vst v5;
	v1 =	vmul.f32 v1, v0  }
.Ltmp8:
0x109: {  	v5 =	vld [tilespmem:s14+$0x7320];
	[tilespmem:s10+$0x7330] =	vst v3;
	v2 =	vmul.f32 v2, v0;
	(pc) =	sbr.rel @p0 .LBB2_18-.Ltmp8, $4  }
0x10a: {  	v3 =	vld [tilespmem:s14+$0x7330];
	[tilespmem:s10+$0x7340] =	vst v1;
	v4 =	vmul.f32 v4, v0  }
0x10b: {  	v1 =	vld [tilespmem:s14+$0x7340];
	[tilespmem:s10+$0x7350] =	vst v2;
	v9 =	vmul.f32 v7, v0  }
0x10c: {  	v7 =	vmul.f32 v8, v0;
	v2 =	vld [tilespmem:s14+$0x7350];
	[tilespmem:s10+$0x7360] =	vst v4  }
0x10d: {  	s11 =	sadd.s32 $0x200, s11;
	v6 =	vmul.f32 v6, v0;
	v4 =	vld [tilespmem:s14+$0x7360];
	[tilespmem:s10+$0x7370] =	vst v9;
	s10 =	smov.u32 s14  }
0x10e: {  	[tilespmem:s10+$0x7300] =	vst v7;
	v5 =	vmul.f32 v5, v0;
	v7 =	vld [tilespmem:s10+$0x7370]  }
0x10f: {  	[tilespmem:s10+$0x7310] =	vst v6;
	v3 =	vmul.f32 v3, v0  }
0x110: {  	[tilespmem:s10+$0x7320] =	vst v5;
	v1 =	vmul.f32 v1, v0  }
0x111: {  	[tilespmem:s10+$0x7330] =	vst v3;
	v2 =	vmul.f32 v2, v0  }
0x112: {  	[tilespmem:s10+$0x7340] =	vst v1;
	v1 =	vmul.f32 v4, v0  }
0x113: {  	[tilespmem:s10+$0x7350] =	vst v2;
	v0 =	vmul.f32 v7, v0  }
0x114: {  	[tilespmem:s10+$0x7360] =	vst v1  }
0x115: {  	s15 =	simm.s32 $0x0;
	s11 =	rddreg [dreg:$0xc];
	[tilespmem:s10+$0x7370] =	vst v0  }
0x116: {  	[hbm4b:s11+s15] =	stream.linear.scatter [tilespmem:s29], [sflag:$0x5], $0x4000, $0x38;
	[tilespmem:$0xF300] =	vst v63  }
0x117: {  	_ =	swait.ge [sflag:s25], $0x4000  }
0x118: {  	[sflag:s25] =	ssyncset.done $0x0  }
0x119: {  	[sflag:s25] =	ssyncadd.s32 $0xFFFFC000  }
0x11a: {  	_ =	swait.ge [sflag:s7], $0x4000  }
0x11b: {  	[sflag:s7] =	ssyncset.done $0x0  }
0x11c: {  	[sflag:s7] =	ssyncadd.s32 $0xFFFFC000  }
0x11d: {  	_ =	swait.ge [sflag:s24], $0x1900  }
0x11e: {  	[sflag:s24] =	ssyncset.done $0x0  }
0x11f: {  	s16 =	simm.s32 $0x1900;
	[sflag:s24] =	ssyncadd.s32 $0xFFFFE700  }
0x120: {  	v0 =	vld [tilespmem:$0x3280];
	[tilespmem:s28], [sflag:$0x1] =	stream.indirect.gather [hbm4b:s1+s26], $0x80, s16, s26, $0xb8  }
0x121: {  	s17 =	simm.s32 $0x1980  }
0x122: {  	[tilespmem:s29], [sflag:$0x2] =	stream.indirect.gather [hbm4b:s1+s26], $0x80, s17, s26, $0xb8;
	[tilespmem:$0xF300] =	vst v63  }
0x123: {  	_ =	swait.ge [sflag:s30], $0x4000  }
0x124: {  	[sflag:s30] =	ssyncset.done $0x0  }
0x125: {  	s10 =	simm.s32 $0x0;
	[sflag:s30] =	ssyncadd.s32 $0xFFFFC000  }
0x126: {  	v4 =	vld [tilespmem:s10+$0x3300]  }
0x127: {  	v6 =	vld [tilespmem:s10+$0x3310]  }
0x128: {  	v5 =	vld [tilespmem:s10+$0x3320]  }
0x129: {  	v3 =	vld [tilespmem:s10+$0x3330]  }
0x12a: {  	v1 =	vld [tilespmem:s10+$0x3340]  }
0x12b: {  	v2 =	vld [tilespmem:s10+$0x3350];
	v7 =	vmul.f32 v4, v0  }
0x12c: {  	s11 =	simm.s32 $0x200;
	v6 =	vmul.f32 v6, v0;
	v4 =	vld [tilespmem:s10+$0x3360]  }
.LBB2_20:
0x12d: {  	s14 =	sshra.s32 s11, $0x2;
	p0 =	sne.s32 s11, $0xFE00;
	[tilespmem:s10+$0x3300] =	vst v7;
	v5 =	vmul.f32 v5, v0;
	v7 =	vld [tilespmem:s10+$0x3370]  }
0x12e: {  	v8 =	vld [tilespmem:s14+$0x3300];
	[tilespmem:s10+$0x3310] =	vst v6;
	v3 =	vmul.f32 v3, v0  }
0x12f: {  	v6 =	vld [tilespmem:s14+$0x3310];
	[tilespmem:s10+$0x3320] =	vst v5;
	v1 =	vmul.f32 v1, v0  }
.Ltmp9:
0x130: {  	v5 =	vld [tilespmem:s14+$0x3320];
	[tilespmem:s10+$0x3330] =	vst v3;
	v2 =	vmul.f32 v2, v0;
	(pc) =	sbr.rel @p0 .LBB2_20-.Ltmp9, $4  }
0x131: {  	v3 =	vld [tilespmem:s14+$0x3330];
	[tilespmem:s10+$0x3340] =	vst v1;
	v4 =	vmul.f32 v4, v0  }
0x132: {  	v1 =	vld [tilespmem:s14+$0x3340];
	[tilespmem:s10+$0x3350] =	vst v2;
	v9 =	vmul.f32 v7, v0  }
0x133: {  	v7 =	vmul.f32 v8, v0;
	v2 =	vld [tilespmem:s14+$0x3350];
	[tilespmem:s10+$0x3360] =	vst v4  }
0x134: {  	s11 =	sadd.s32 $0x200, s11;
	v6 =	vmul.f32 v6, v0;
	v4 =	vld [tilespmem:s14+$0x3360];
	[tilespmem:s10+$0x3370] =	vst v9;
	s10 =	smov.u32 s14  }
0x135: {  	[tilespmem:s10+$0x3300] =	vst v7;
	v5 =	vmul.f32 v5, v0;
	v7 =	vld [tilespmem:s10+$0x3370]  }
0x136: {  	[tilespmem:s10+$0x3310] =	vst v6;
	v3 =	vmul.f32 v3, v0  }
0x137: {  	[tilespmem:s10+$0x3320] =	vst v5;
	v1 =	vmul.f32 v1, v0  }
0x138: {  	[tilespmem:s10+$0x3330] =	vst v3;
	v2 =	vmul.f32 v2, v0  }
0x139: {  	[tilespmem:s10+$0x3340] =	vst v1;
	v1 =	vmul.f32 v4, v0  }
0x13a: {  	[tilespmem:s10+$0x3350] =	vst v2;
	v2 =	vmul.f32 v7, v0  }
0x13b: {  	[tilespmem:s10+$0x3360] =	vst v1  }
0x13c: {  	s16 =	simm.s32 $0x0;
	s11 =	rddreg [dreg:$0xd];
	[tilespmem:s10+$0x3370] =	vst v2  }
0x13d: {  	[hbm4b:s11+s16] =	stream.linear.scatter [tilespmem:s28], [sflag:$0x4], $0x4000, $0x38;
	[tilespmem:$0xF300] =	vst v63  }
0x13e: {  	s17 =	simm.s32 $0x1A00  }
0x13f: {  	[tilespmem:s2], [sflag:$0x3] =	stream.indirect.gather [hbm4b:s1+s26], $0x80, s17, s26, $0xb8;
	[tilespmem:$0xF300] =	vst v63  }
0x140: {  	_ =	swait.ge [sflag:s0], $0x4000  }
0x141: {  	[sflag:s0] =	ssyncset.done $0x0  }
0x142: {  	s10 =	simm.s32 $0x0;
	[sflag:s0] =	ssyncadd.s32 $0xFFFFC000  }
0x143: {  	v4 =	vld [tilespmem:s10+$0x7300]  }
0x144: {  	v6 =	vld [tilespmem:s10+$0x7310]  }
0x145: {  	v5 =	vld [tilespmem:s10+$0x7320]  }
0x146: {  	v3 =	vld [tilespmem:s10+$0x7330]  }
0x147: {  	v1 =	vld [tilespmem:s10+$0x7340]  }
0x148: {  	v2 =	vld [tilespmem:s10+$0x7350];
	v7 =	vmul.f32 v4, v0  }
0x149: {  	s11 =	simm.s32 $0x200;
	v6 =	vmul.f32 v6, v0;
	v4 =	vld [tilespmem:s10+$0x7360]  }
.LBB2_22:
0x14a: {  	s14 =	sshra.s32 s11, $0x2;
	p0 =	sne.s32 s11, $0xFE00;
	[tilespmem:s10+$0x7300] =	vst v7;
	v5 =	vmul.f32 v5, v0;
	v7 =	vld [tilespmem:s10+$0x7370]  }
0x14b: {  	v8 =	vld [tilespmem:s14+$0x7300];
	[tilespmem:s10+$0x7310] =	vst v6;
	v3 =	vmul.f32 v3, v0  }
0x14c: {  	v6 =	vld [tilespmem:s14+$0x7310];
	[tilespmem:s10+$0x7320] =	vst v5;
	v1 =	vmul.f32 v1, v0  }
.Ltmp10:
0x14d: {  	v5 =	vld [tilespmem:s14+$0x7320];
	[tilespmem:s10+$0x7330] =	vst v3;
	v2 =	vmul.f32 v2, v0;
	(pc) =	sbr.rel @p0 .LBB2_22-.Ltmp10, $4  }
0x14e: {  	v3 =	vld [tilespmem:s14+$0x7330];
	[tilespmem:s10+$0x7340] =	vst v1;
	v4 =	vmul.f32 v4, v0  }
0x14f: {  	v1 =	vld [tilespmem:s14+$0x7340];
	[tilespmem:s10+$0x7350] =	vst v2;
	v9 =	vmul.f32 v7, v0  }
0x150: {  	v7 =	vmul.f32 v8, v0;
	v2 =	vld [tilespmem:s14+$0x7350];
	[tilespmem:s10+$0x7360] =	vst v4  }
0x151: {  	s11 =	sadd.s32 $0x200, s11;
	v6 =	vmul.f32 v6, v0;
	v4 =	vld [tilespmem:s14+$0x7360];
	[tilespmem:s10+$0x7370] =	vst v9;
	s10 =	smov.u32 s14  }
0x152: {  	[tilespmem:s10+$0x7300] =	vst v7;
	v5 =	vmul.f32 v5, v0;
	v63 =	vld [tilespmem:s10+$0x7370]  }
0x153: {  	[tilespmem:s10+$0x7310] =	vst v6;
	v3 =	vmul.f32 v3, v0  }
0x154: {  	[tilespmem:s10+$0x7320] =	vst v5;
	v1 =	vmul.f32 v1, v0  }
0x155: {  	[tilespmem:s10+$0x7330] =	vst v3;
	v2 =	vmul.f32 v2, v0  }
0x156: {  	[tilespmem:s10+$0x7340] =	vst v1;
	v1 =	vmul.f32 v4, v0  }
0x157: {  	[tilespmem:s10+$0x7350] =	vst v2;
	v2 =	vmul.f32 v63, v0  }
0x158: {  	[tilespmem:s10+$0x7360] =	vst v1  }
0x159: {  	[tilespmem:s10+$0x7370] =	vst v2;
	s10 =	simm.s32 $0x0  }
0x15a: {  	[hbm4b:s18+s10] =	stream.linear.scatter [tilespmem:s29], [sflag:$0x5], $0x4000, $0x38;
	[tilespmem:$0xF300] =	vst v63  }
0x15b: {  	_ =	swait.ge [sflag:s25], $0x4000  }
0x15c: {  	[sflag:s25] =	ssyncset.done $0x0  }
0x15d: {  	s11 =	simm.s32 $0x1A80;
	[sflag:s25] =	ssyncadd.s32 $0xFFFFC000  }
0x15e: {  	[tilespmem:s28], [sflag:$0x1] =	stream.indirect.gather [hbm4b:s1+s26], $0x80, s11, s26, $0xb8;
	[tilespmem:$0xF300] =	vst v63  }
.LBB2_24:
0x15f: {  	_ =	swait.ge [sflag:s31], $0x4000  }
0x160: {  	[sflag:s31] =	ssyncset.done $0x0  }
0x161: {  	s11 =	simm.s32 $0x0;
	[sflag:s31] =	ssyncadd.s32 $0xFFFFC000  }
0x162: {  	v3 =	vld [tilespmem:s11+$0xB300]  }
0x163: {  	v6 =	vld [tilespmem:s11+$0xB310]  }
0x164: {  	v5 =	vld [tilespmem:s11+$0xB320]  }
0x165: {  	v4 =	vld [tilespmem:s11+$0xB330]  }
0x166: {  	v1 =	vld [tilespmem:s11+$0xB340]  }
0x167: {  	v2 =	vld [tilespmem:s11+$0xB350];
	v7 =	vmul.f32 v3, v0  }
0x168: {  	s14 =	simm.s32 $0x200;
	v6 =	vmul.f32 v6, v0;
	v3 =	vld [tilespmem:s11+$0xB360]  }
.LBB2_25:
0x169: {  	s15 =	sshra.s32 s14, $0x2;
	p0 =	sne.s32 s14, $0xFE00;
	[tilespmem:s11+$0xB300] =	vst v7;
	v5 =	vmul.f32 v5, v0;
	v7 =	vld [tilespmem:s11+$0xB370]  }
0x16a: {  	v8 =	vld [tilespmem:s15+$0xB300];
	[tilespmem:s11+$0xB310] =	vst v6;
	v4 =	vmul.f32 v4, v0  }
0x16b: {  	v6 =	vld [tilespmem:s15+$0xB310];
	[tilespmem:s11+$0xB320] =	vst v5;
	v1 =	vmul.f32 v1, v0  }
.Ltmp11:
0x16c: {  	v5 =	vld [tilespmem:s15+$0xB320];
	[tilespmem:s11+$0xB330] =	vst v4;
	v2 =	vmul.f32 v2, v0;
	(pc) =	sbr.rel @p0 .LBB2_25-.Ltmp11, $4  }
0x16d: {  	v4 =	vld [tilespmem:s15+$0xB330];
	[tilespmem:s11+$0xB340] =	vst v1;
	v3 =	vmul.f32 v3, v0  }
0x16e: {  	v1 =	vld [tilespmem:s15+$0xB340];
	[tilespmem:s11+$0xB350] =	vst v2;
	v9 =	vmul.f32 v7, v0  }
0x16f: {  	v7 =	vmul.f32 v8, v0;
	v2 =	vld [tilespmem:s15+$0xB350];
	[tilespmem:s11+$0xB360] =	vst v3  }
0x170: {  	s14 =	sadd.s32 $0x200, s14;
	v6 =	vmul.f32 v6, v0;
	v3 =	vld [tilespmem:s15+$0xB360];
	[tilespmem:s11+$0xB370] =	vst v9;
	s11 =	smov.u32 s15  }
0x171: {  	[tilespmem:s11+$0xB300] =	vst v7;
	v5 =	vmul.f32 v5, v0;
	v7 =	vld [tilespmem:s11+$0xB370]  }
0x172: {  	[tilespmem:s11+$0xB310] =	vst v6;
	v4 =	vmul.f32 v4, v0  }
0x173: {  	[tilespmem:s11+$0xB320] =	vst v5;
	v1 =	vmul.f32 v1, v0  }
0x174: {  	s14 =	smul.u32 $0x180, s10;
	[tilespmem:s11+$0xB330] =	vst v4;
	v2 =	vmul.f32 v2, v0  }
0x175: {  	[tilespmem:s11+$0xB340] =	vst v1;
	v1 =	vmul.f32 v3, v0  }
0x176: {  	s15 =	sadd.s32 s14, s12;
	[tilespmem:s11+$0xB350] =	vst v2;
	v2 =	vmul.f32 v7, v0  }
0x177: {  	s15 =	sshll.u32 s15, $0x4;
	[tilespmem:s11+$0xB360] =	vst v1  }
0x178: {  	s16 =	simm.s32 $0x0;
	s15 =	sadd.s32 s4, s15;
	[tilespmem:s11+$0xB370] =	vst v2  }
0x179: {  	[hbm4b:s15+s16] =	stream.linear.scatter [tilespmem:s2], [sflag:$0x6], $0x4000, $0x38;
	[tilespmem:$0xF300] =	vst v63  }
0x17a: {  	_ =	swait.ge [sflag:s7], $0x4000  }
0x17b: {  	[sflag:s7] =	ssyncset.done $0x0  }
0x17c: {  	s17 =	sadd.s32 $0x1B00, s14;
	[sflag:s7] =	ssyncadd.s32 $0xFFFFC000  }
0x17d: {  	[tilespmem:s29], [sflag:$0x2] =	stream.indirect.gather [hbm4b:s1+s26], $0x80, s17, s26, $0xb8;
	[tilespmem:$0xF300] =	vst v63  }
0x17e: {  	_ =	swait.ge [sflag:s30], $0x4000  }
0x17f: {  	[sflag:s30] =	ssyncset.done $0x0  }
0x180: {  	s15 =	simm.s32 $0x0;
	[sflag:s30] =	ssyncadd.s32 $0xFFFFC000  }
0x181: {  	v4 =	vld [tilespmem:s15+$0x3300]  }
0x182: {  	v6 =	vld [tilespmem:s15+$0x3310]  }
0x183: {  	v5 =	vld [tilespmem:s15+$0x3320]  }
0x184: {  	v3 =	vld [tilespmem:s15+$0x3330]  }
0x185: {  	v1 =	vld [tilespmem:s15+$0x3340]  }
0x186: {  	v2 =	vld [tilespmem:s15+$0x3350];
	v7 =	vmul.f32 v4, v0  }
0x187: {  	s11 =	sadd.s32 $0x200, s14;
	s16 =	simm.s32 $0x200;
	v6 =	vmul.f32 v6, v0;
	v4 =	vld [tilespmem:s15+$0x3360]  }
.LBB2_27:
0x188: {  	s17 =	sshra.s32 s16, $0x2;
	p0 =	sne.s32 s16, $0xFE00;
	[tilespmem:s15+$0x3300] =	vst v7;
	v5 =	vmul.f32 v5, v0;
	v7 =	vld [tilespmem:s15+$0x3370]  }
0x189: {  	v8 =	vld [tilespmem:s17+$0x3300];
	[tilespmem:s15+$0x3310] =	vst v6;
	v3 =	vmul.f32 v3, v0  }
0x18a: {  	v6 =	vld [tilespmem:s17+$0x3310];
	[tilespmem:s15+$0x3320] =	vst v5;
	v1 =	vmul.f32 v1, v0  }
.Ltmp12:
0x18b: {  	v5 =	vld [tilespmem:s17+$0x3320];
	[tilespmem:s15+$0x3330] =	vst v3;
	v2 =	vmul.f32 v2, v0;
	(pc) =	sbr.rel @p0 .LBB2_27-.Ltmp12, $4  }
0x18c: {  	v3 =	vld [tilespmem:s17+$0x3330];
	[tilespmem:s15+$0x3340] =	vst v1;
	v4 =	vmul.f32 v4, v0  }
0x18d: {  	v1 =	vld [tilespmem:s17+$0x3340];
	[tilespmem:s15+$0x3350] =	vst v2;
	v9 =	vmul.f32 v7, v0  }
0x18e: {  	v7 =	vmul.f32 v8, v0;
	v2 =	vld [tilespmem:s17+$0x3350];
	[tilespmem:s15+$0x3360] =	vst v4  }
0x18f: {  	s16 =	sadd.s32 $0x200, s16;
	v6 =	vmul.f32 v6, v0;
	v4 =	vld [tilespmem:s17+$0x3360];
	[tilespmem:s15+$0x3370] =	vst v9;
	s15 =	smov.u32 s17  }
0x190: {  	[tilespmem:s15+$0x3300] =	vst v7;
	v5 =	vmul.f32 v5, v0;
	v7 =	vld [tilespmem:s15+$0x3370]  }
0x191: {  	[tilespmem:s15+$0x3310] =	vst v6;
	v3 =	vmul.f32 v3, v0  }
0x192: {  	[tilespmem:s15+$0x3320] =	vst v5;
	v1 =	vmul.f32 v1, v0  }
0x193: {  	[tilespmem:s15+$0x3330] =	vst v3;
	v2 =	vmul.f32 v2, v0  }
0x194: {  	[tilespmem:s15+$0x3340] =	vst v1;
	v1 =	vmul.f32 v4, v0  }
0x195: {  	s14 =	sadd.s32 s14, s13;
	[tilespmem:s15+$0x3350] =	vst v2;
	v2 =	vmul.f32 v7, v0  }
0x196: {  	s14 =	sshll.u32 s14, $0x4;
	[tilespmem:s15+$0x3360] =	vst v1  }
0x197: {  	s17 =	simm.s32 $0x0;
	s16 =	smul.u32 $0x600, s10;
	s14 =	sadd.s32 s4, s14;
	[tilespmem:s15+$0x3370] =	vst v2  }
0x198: {  	[hbm4b:s14+s17] =	stream.linear.scatter [tilespmem:s28], [sflag:$0x4], $0x4000, $0x38;
	[tilespmem:$0xF300] =	vst v63  }
0x199: {  	_ =	swait.ge [sflag:s8], $0x4000  }
0x19a: {  	s14 =	sshra.s32 s16, $0x2;
	[sflag:s8] =	ssyncset.done $0x0  }
0x19b: {  	s17 =	sadd.s32 $0x1B80, s14;
	[sflag:s8] =	ssyncadd.s32 $0xFFFFC000  }
0x19c: {  	[tilespmem:s2], [sflag:$0x3] =	stream.indirect.gather [hbm4b:s1+s26], $0x80, s17, s26, $0xb8;
	[tilespmem:$0xF300] =	vst v63  }
0x19d: {  	_ =	swait.ge [sflag:s0], $0x4000  }
0x19e: {  	[sflag:s0] =	ssyncset.done $0x0  }
0x19f: {  	s15 =	simm.s32 $0x0;
	[sflag:s0] =	ssyncadd.s32 $0xFFFFC000  }
0x1a0: {  	v4 =	vld [tilespmem:s15+$0x7300]  }
0x1a1: {  	v6 =	vld [tilespmem:s15+$0x7310]  }
0x1a2: {  	v5 =	vld [tilespmem:s15+$0x7320]  }
0x1a3: {  	v3 =	vld [tilespmem:s15+$0x7330]  }
0x1a4: {  	v1 =	vld [tilespmem:s15+$0x7340]  }
0x1a5: {  	v2 =	vld [tilespmem:s15+$0x7350];
	v7 =	vmul.f32 v4, v0  }
0x1a6: {  	s16 =	simm.s32 $0x200;
	v6 =	vmul.f32 v6, v0;
	v4 =	vld [tilespmem:s15+$0x7360]  }
.LBB2_29:
0x1a7: {  	s17 =	sshra.s32 s16, $0x2;
	p0 =	sne.s32 s16, $0xFE00;
	[tilespmem:s15+$0x7300] =	vst v7;
	v5 =	vmul.f32 v5, v0;
	v7 =	vld [tilespmem:s15+$0x7370]  }
0x1a8: {  	v8 =	vld [tilespmem:s17+$0x7300];
	[tilespmem:s15+$0x7310] =	vst v6;
	v3 =	vmul.f32 v3, v0  }
0x1a9: {  	v6 =	vld [tilespmem:s17+$0x7310];
	[tilespmem:s15+$0x7320] =	vst v5;
	v1 =	vmul.f32 v1, v0  }
.Ltmp13:
0x1aa: {  	v5 =	vld [tilespmem:s17+$0x7320];
	[tilespmem:s15+$0x7330] =	vst v3;
	v2 =	vmul.f32 v2, v0;
	(pc) =	sbr.rel @p0 .LBB2_29-.Ltmp13, $4  }
0x1ab: {  	v3 =	vld [tilespmem:s17+$0x7330];
	[tilespmem:s15+$0x7340] =	vst v1;
	v4 =	vmul.f32 v4, v0  }
0x1ac: {  	v1 =	vld [tilespmem:s17+$0x7340];
	[tilespmem:s15+$0x7350] =	vst v2;
	v9 =	vmul.f32 v7, v0  }
0x1ad: {  	v7 =	vmul.f32 v8, v0;
	v2 =	vld [tilespmem:s17+$0x7350];
	[tilespmem:s15+$0x7360] =	vst v4  }
0x1ae: {  	s16 =	sadd.s32 $0x200, s16;
	v6 =	vmul.f32 v6, v0;
	v4 =	vld [tilespmem:s17+$0x7360];
	[tilespmem:s15+$0x7370] =	vst v9;
	s15 =	smov.u32 s17  }
0x1af: {  	[tilespmem:s15+$0x7300] =	vst v7;
	v5 =	vmul.f32 v5, v0;
	v63 =	vld [tilespmem:s15+$0x7370]  }
0x1b0: {  	[tilespmem:s15+$0x7310] =	vst v6;
	v3 =	vmul.f32 v3, v0  }
0x1b1: {  	[tilespmem:s15+$0x7320] =	vst v5;
	v1 =	vmul.f32 v1, v0  }
0x1b2: {  	[tilespmem:s15+$0x7330] =	vst v3;
	v2 =	vmul.f32 v2, v0  }
0x1b3: {  	[tilespmem:s15+$0x7340] =	vst v1;
	v1 =	vmul.f32 v4, v0  }
0x1b4: {  	s11 =	sadd.s32 s6, s11;
	[tilespmem:s15+$0x7350] =	vst v2;
	v2 =	vmul.f32 v63, v0  }
0x1b5: {  	s10 =	sadd.s32 $0x1, s10;
	s11 =	sshll.u32 s11, $0x4;
	[tilespmem:s15+$0x7360] =	vst v1  }
0x1b6: {  	p0 =	sne.s32 s10, $0xF;
	s11 =	sadd.s32 s4, s11;
	[tilespmem:s15+$0x7370] =	vst v2  }
0x1b7: {  	[hbm4b:s11+s5] =	stream.linear.scatter [tilespmem:s29], [sflag:$0x5], $0x4000, $0x38;
	[tilespmem:$0xF300] =	vst v63  }
.Ltmp14:
0x1b8: {  	_ = 	snop;
	(pc) =	sbr.rel @p0 .LBB2_24-.Ltmp14, $4  }
0x1b9: {  	_ =	swait.ge [sflag:s25], $0x4000  }
0x1ba: {  	[sflag:s25] =	ssyncset.done $0x0  }
0x1bb: {  	s17 =	sadd.s32 $0x1C00, s14;
	[sflag:s25] =	ssyncadd.s32 $0xFFFFC000  }
0x1bc: {  	[tilespmem:s28], [sflag:$0x1] =	stream.indirect.gather [hbm4b:s1+s26], $0x80, s17, s26, $0xb8;
	[tilespmem:$0xF300] =	vst v63  }
0x1bd: {  	_ =	swait.ge [sflag:s31], $0x4000  }
0x1be: {  	[sflag:s31] =	ssyncset.done $0x0  }
0x1bf: {  	s10 =	simm.s32 $0x0;
	[sflag:s31] =	ssyncadd.s32 $0xFFFFC000  }
0x1c0: {  	v4 =	vld [tilespmem:s10+$0xB300]  }
0x1c1: {  	v6 =	vld [tilespmem:s10+$0xB310]  }
0x1c2: {  	v5 =	vld [tilespmem:s10+$0xB320]  }
0x1c3: {  	v3 =	vld [tilespmem:s10+$0xB330]  }
0x1c4: {  	v1 =	vld [tilespmem:s10+$0xB340]  }
0x1c5: {  	v2 =	vld [tilespmem:s10+$0xB350];
	v7 =	vmul.f32 v4, v0  }
0x1c6: {  	s11 =	simm.s32 $0x200;
	v6 =	vmul.f32 v6, v0;
	v4 =	vld [tilespmem:s10+$0xB360]  }
.LBB2_32:
0x1c7: {  	s14 =	sshra.s32 s11, $0x2;
	p0 =	sne.s32 s11, $0xFE00;
	[tilespmem:s10+$0xB300] =	vst v7;
	v5 =	vmul.f32 v5, v0;
	v7 =	vld [tilespmem:s10+$0xB370]  }
0x1c8: {  	v8 =	vld [tilespmem:s14+$0xB300];
	[tilespmem:s10+$0xB310] =	vst v6;
	v3 =	vmul.f32 v3, v0  }
0x1c9: {  	v6 =	vld [tilespmem:s14+$0xB310];
	[tilespmem:s10+$0xB320] =	vst v5;
	v1 =	vmul.f32 v1, v0  }
.Ltmp15:
0x1ca: {  	v5 =	vld [tilespmem:s14+$0xB320];
	[tilespmem:s10+$0xB330] =	vst v3;
	v2 =	vmul.f32 v2, v0;
	(pc) =	sbr.rel @p0 .LBB2_32-.Ltmp15, $4  }
0x1cb: {  	v3 =	vld [tilespmem:s14+$0xB330];
	[tilespmem:s10+$0xB340] =	vst v1;
	v4 =	vmul.f32 v4, v0  }
0x1cc: {  	v1 =	vld [tilespmem:s14+$0xB340];
	[tilespmem:s10+$0xB350] =	vst v2;
	v9 =	vmul.f32 v7, v0  }
0x1cd: {  	v7 =	vmul.f32 v8, v0;
	v2 =	vld [tilespmem:s14+$0xB350];
	[tilespmem:s10+$0xB360] =	vst v4  }
0x1ce: {  	s11 =	sadd.s32 $0x200, s11;
	v6 =	vmul.f32 v6, v0;
	v4 =	vld [tilespmem:s14+$0xB360];
	[tilespmem:s10+$0xB370] =	vst v9;
	s10 =	smov.u32 s14  }
0x1cf: {  	[tilespmem:s10+$0xB300] =	vst v7;
	v5 =	vmul.f32 v5, v0;
	v7 =	vld [tilespmem:s10+$0xB370]  }
0x1d0: {  	[tilespmem:s10+$0xB310] =	vst v6;
	v3 =	vmul.f32 v3, v0  }
0x1d1: {  	[tilespmem:s10+$0xB320] =	vst v5;
	v1 =	vmul.f32 v1, v0  }
0x1d2: {  	[tilespmem:s10+$0xB330] =	vst v3;
	v2 =	vmul.f32 v2, v0  }
0x1d3: {  	[tilespmem:s10+$0xB340] =	vst v1;
	v1 =	vmul.f32 v4, v0  }
0x1d4: {  	[tilespmem:s10+$0xB350] =	vst v2;
	v2 =	vmul.f32 v7, v0  }
0x1d5: {  	[tilespmem:s10+$0xB360] =	vst v1  }
0x1d6: {  	s16 =	simm.s32 $0x0;
	[tilespmem:s10+$0xB370] =	vst v2  }
0x1d7: {  	[hbm4b:s19+s16] =	stream.linear.scatter [tilespmem:s2], [sflag:$0x6], $0x4000, $0x38;
	[tilespmem:$0xF300] =	vst v63  }
0x1d8: {  	_ =	swait.ge [sflag:s7], $0x4000  }
0x1d9: {  	[sflag:s7] =	ssyncset.done $0x0  }
0x1da: {  	s17 =	simm.s32 $0x3180;
	[sflag:s7] =	ssyncadd.s32 $0xFFFFC000  }
0x1db: {  	[tilespmem:s29], [sflag:$0x2] =	stream.indirect.gather [hbm4b:s1+s26], $0x80, s17, s26, $0xb8;
	[tilespmem:$0xF300] =	vst v63  }
0x1dc: {  	_ =	swait.ge [sflag:s30], $0x4000  }
0x1dd: {  	[sflag:s30] =	ssyncset.done $0x0  }
0x1de: {  	s10 =	simm.s32 $0x0;
	[sflag:s30] =	ssyncadd.s32 $0xFFFFC000  }
0x1df: {  	v4 =	vld [tilespmem:s10+$0x3300]  }
0x1e0: {  	v6 =	vld [tilespmem:s10+$0x3310]  }
0x1e1: {  	v5 =	vld [tilespmem:s10+$0x3320]  }
0x1e2: {  	v3 =	vld [tilespmem:s10+$0x3330]  }
0x1e3: {  	v1 =	vld [tilespmem:s10+$0x3340]  }
0x1e4: {  	v2 =	vld [tilespmem:s10+$0x3350];
	v7 =	vmul.f32 v4, v0  }
0x1e5: {  	s11 =	simm.s32 $0x200;
	v6 =	vmul.f32 v6, v0;
	v4 =	vld [tilespmem:s10+$0x3360]  }
.LBB2_34:
0x1e6: {  	s14 =	sshra.s32 s11, $0x2;
	p0 =	sne.s32 s11, $0xFE00;
	[tilespmem:s10+$0x3300] =	vst v7;
	v5 =	vmul.f32 v5, v0;
	v7 =	vld [tilespmem:s10+$0x3370]  }
0x1e7: {  	v8 =	vld [tilespmem:s14+$0x3300];
	[tilespmem:s10+$0x3310] =	vst v6;
	v3 =	vmul.f32 v3, v0  }
0x1e8: {  	v6 =	vld [tilespmem:s14+$0x3310];
	[tilespmem:s10+$0x3320] =	vst v5;
	v1 =	vmul.f32 v1, v0  }
.Ltmp16:
0x1e9: {  	v5 =	vld [tilespmem:s14+$0x3320];
	[tilespmem:s10+$0x3330] =	vst v3;
	v2 =	vmul.f32 v2, v0;
	(pc) =	sbr.rel @p0 .LBB2_34-.Ltmp16, $4  }
0x1ea: {  	v3 =	vld [tilespmem:s14+$0x3330];
	[tilespmem:s10+$0x3340] =	vst v1;
	v4 =	vmul.f32 v4, v0  }
0x1eb: {  	v1 =	vld [tilespmem:s14+$0x3340];
	[tilespmem:s10+$0x3350] =	vst v2;
	v9 =	vmul.f32 v7, v0  }
0x1ec: {  	v7 =	vmul.f32 v8, v0;
	v2 =	vld [tilespmem:s14+$0x3350];
	[tilespmem:s10+$0x3360] =	vst v4  }
0x1ed: {  	s11 =	sadd.s32 $0x200, s11;
	v6 =	vmul.f32 v6, v0;
	v4 =	vld [tilespmem:s14+$0x3360];
	[tilespmem:s10+$0x3370] =	vst v9;
	s10 =	smov.u32 s14  }
0x1ee: {  	[tilespmem:s10+$0x3300] =	vst v7;
	v5 =	vmul.f32 v5, v0;
	v7 =	vld [tilespmem:s10+$0x3370]  }
0x1ef: {  	[tilespmem:s10+$0x3310] =	vst v6;
	v3 =	vmul.f32 v3, v0  }
0x1f0: {  	[tilespmem:s10+$0x3320] =	vst v5;
	v1 =	vmul.f32 v1, v0  }
0x1f1: {  	[tilespmem:s10+$0x3330] =	vst v3;
	v2 =	vmul.f32 v2, v0  }
0x1f2: {  	[tilespmem:s10+$0x3340] =	vst v1;
	v1 =	vmul.f32 v4, v0  }
0x1f3: {  	[tilespmem:s10+$0x3350] =	vst v2;
	v2 =	vmul.f32 v7, v0  }
0x1f4: {  	[tilespmem:s10+$0x3360] =	vst v1  }
0x1f5: {  	s17 =	simm.s32 $0x0;
	[tilespmem:s10+$0x3370] =	vst v2  }
0x1f6: {  	[hbm4b:s20+s17] =	stream.linear.scatter [tilespmem:s28], [sflag:$0x4], $0x4000, $0x38;
	[tilespmem:$0xF300] =	vst v63  }
0x1f7: {  	_ =	swait.ge [sflag:s8], $0x4000  }
0x1f8: {  	[sflag:s8] =	ssyncset.done $0x0  }
0x1f9: {  	[sflag:s8] =	ssyncadd.s32 $0xFFFFC000  }
0x1fa: {  	_ =	swait.ge [sflag:s0], $0x4000  }
0x1fb: {  	[sflag:s0] =	ssyncset.done $0x0  }
0x1fc: {  	s10 =	simm.s32 $0x0;
	[sflag:s0] =	ssyncadd.s32 $0xFFFFC000  }
0x1fd: {  	v4 =	vld [tilespmem:s10+$0x7300]  }
0x1fe: {  	v6 =	vld [tilespmem:s10+$0x7310]  }
0x1ff: {  	v5 =	vld [tilespmem:s10+$0x7320]  }
0x200: {  	v3 =	vld [tilespmem:s10+$0x7330]  }
0x201: {  	v1 =	vld [tilespmem:s10+$0x7340]  }
0x202: {  	v2 =	vld [tilespmem:s10+$0x7350];
	v7 =	vmul.f32 v4, v0  }
0x203: {  	s11 =	simm.s32 $0x200;
	v6 =	vmul.f32 v6, v0;
	v4 =	vld [tilespmem:s10+$0x7360]  }
.LBB2_36:
0x204: {  	s14 =	sshra.s32 s11, $0x2;
	p0 =	sne.s32 s11, $0xFE00;
	[tilespmem:s10+$0x7300] =	vst v7;
	v5 =	vmul.f32 v5, v0;
	v7 =	vld [tilespmem:s10+$0x7370]  }
0x205: {  	v8 =	vld [tilespmem:s14+$0x7300];
	[tilespmem:s10+$0x7310] =	vst v6;
	v3 =	vmul.f32 v3, v0  }
0x206: {  	v6 =	vld [tilespmem:s14+$0x7310];
	[tilespmem:s10+$0x7320] =	vst v5;
	v1 =	vmul.f32 v1, v0  }
.Ltmp17:
0x207: {  	v5 =	vld [tilespmem:s14+$0x7320];
	[tilespmem:s10+$0x7330] =	vst v3;
	v2 =	vmul.f32 v2, v0;
	(pc) =	sbr.rel @p0 .LBB2_36-.Ltmp17, $4  }
0x208: {  	v3 =	vld [tilespmem:s14+$0x7330];
	[tilespmem:s10+$0x7340] =	vst v1;
	v4 =	vmul.f32 v4, v0  }
0x209: {  	v1 =	vld [tilespmem:s14+$0x7340];
	[tilespmem:s10+$0x7350] =	vst v2;
	v9 =	vmul.f32 v7, v0  }
0x20a: {  	v7 =	vmul.f32 v8, v0;
	v2 =	vld [tilespmem:s14+$0x7350];
	[tilespmem:s10+$0x7360] =	vst v4  }
0x20b: {  	s11 =	sadd.s32 $0x200, s11;
	v6 =	vmul.f32 v6, v0;
	v4 =	vld [tilespmem:s14+$0x7360];
	[tilespmem:s10+$0x7370] =	vst v9;
	s10 =	smov.u32 s14  }
0x20c: {  	[tilespmem:s10+$0x7300] =	vst v7;
	v5 =	vmul.f32 v5, v0;
	v61 =	vld [tilespmem:s10+$0x7370]  }
0x20d: {  	[tilespmem:s10+$0x7310] =	vst v6;
	v3 =	vmul.f32 v3, v0  }
0x20e: {  	[tilespmem:s10+$0x7320] =	vst v5;
	v1 =	vmul.f32 v1, v0  }
0x20f: {  	[tilespmem:s10+$0x7330] =	vst v3;
	v2 =	vmul.f32 v2, v0  }
0x210: {  	[tilespmem:s10+$0x7340] =	vst v1;
	v62 =	vmul.f32 v4, v0  }
0x211: {  	[tilespmem:s10+$0x7350] =	vst v2;
	v63 =	vmul.f32 v61, v0  }
0x212: {  	[tilespmem:s10+$0x7360] =	vst v62  }
0x213: {  	s9 =	sadd.s32 $0x1, s9;
	[tilespmem:s10+$0x7370] =	vst v63  }
0x214: {  	[hbm4b:s21+s5] =	stream.linear.scatter [tilespmem:s29], [sflag:$0x5], $0x4000, $0x38;
	[tilespmem:$0xF300] =	vst v63  }
0x215: {  	p0 =	sne.s32 s9, s22;
	_ =	swait.ge [sflag:s25], $0x4000  }
.Ltmp18:
0x216: {  	[sflag:s25] =	ssyncset.done $0x0;
	(pc) =	sbr.rel @p0 .LBB2_1-.Ltmp18, $4  }
0x217: {  	[sflag:s25] =	ssyncadd.s32 $0xFFFFC000  }
0x218: {  	_ =	swait.ge [sflag:s7], $0x4000  }
0x219: {  	[sflag:s7] =	ssyncset.done $0x0  }
0x21a: {  	[sflag:s7] =	ssyncadd.s32 $0xFFFFC000  }
0x21b: {  	_ =	sfence.sel $0x180000  }
0x21c: {  	[bflag:$0x0] =	sbarrier.arrive $0xFFFF  }
0x21d: {  	_ =	strace $0x90000047  }
0x21e: {  	s0 =	stileid.u32;
	[bflag:$0x2] =	sbarrier.arrive $0xFFFF  }
0x21f: {  	p0 =	sne.s32 s0, $0x0;
	s0 =	rddreg [dreg:$0x4]  }
0x220: {  	s0 =	sadd.s32 @!p0 $0x100000, s0  }
0x221: {  	[sflag:s0] =	ssyncadd.tile.s32 @!p0 $0x1;
	_ =	shalt  }
.Lfunc_end2:
_tile_overlayer_lowered:
.L_overlay_start_2:
0x222: {  	(tag) =	ssettag $0x2  }
0x223: {  	s0 =	rddreg [dreg:$0x0];
	s2 =	stileid.u32  }
0x224: {  	s1 =	rddreg [dreg:$0x1];
	p0 =	sne.s32 s2, $0x0  }
0x225: {  	s3 =	rddreg [dreg:$0x2];
	[bflag:$0x3] =	sbarrier.arrive $0xFFFF;
	s2 =	simm.s32 @!p0 $0x1C08  }
0x226: {  	[timem:s3], [sflag:s2] =	dma.local @!p0 [hbm:s0], s1  }
0x227: {  	s0 =	simm.s32 @!p0 $0x8  }
0x228: {  	_ =	swait.ge @!p0 [sflag:s0], s1  }
0x229: {  	s1 =	ssub.s32 @!p0 $0x0, s1;
	[sflag:s0] =	ssyncset.done @!p0 $0x0  }
0x22a: {  	[sflag:s0] =	ssyncadd.s32 @!p0 s1  }
0x22b: {  	[bflag:$0x3] =	sbarrier.arrive $0xFFFF  }
0x22c: {  	_ =	shalt  }

</sc_bundles>
